<compile_context>
chip_gen: v7x
topology: tpu7x:2x2x1
jax: 0.10.2.dev20260603
libtpu: 0.0.44.dev20260713+nightly
codegen_flags: <defaults>
</compile_context>

<pallas_src>
import functools

import jax
import jax.numpy as jnp
from jax import lax
from jax.experimental import pallas as pl
from jax.experimental.pallas import tpu as pltpu
from jax.experimental.pallas import tpu_sc as plsc

HIDDEN = 128
MAX_NF = 3
N_NODES = 10000
N_EDGES = 160000
COMBOS = ((0, 0), (0, 1), (1, 1))

NODE_BLK = 1000

NCORES = 2
NSUB = 16
NW = NCORES * NSUB
E_PAD = 163840
CHUNK = E_PAD // NW
KVECS = CHUNK // 16
PIECE = 128
LSZ = CHUNK + 4 * PIECE
BLK = 4096
HP = 102400
P_CAP = 2 * HP
NVEC = N_NODES // 16

_DOT = functools.partial(jnp.dot, precision=jax.lax.Precision.DEFAULT)


def _ln(h, g, b):
    m = jnp.mean(h, axis=-1, keepdims=True)
    v = jnp.mean(h * h, axis=-1, keepdims=True) - m * m
    return (h - m) * lax.rsqrt(v + 1e-5) * g + b


def _lane(v, k):
    return jnp.sum(jnp.where(lax.iota(jnp.int32, 16) == k, v, 0))



def _route_body(vol_hbm, sidx_hbm, didx_hbm, xp_hbm,
                src_out, dst_out, pos_hbm, bounds_hbm,
                t_tab, sidx_v, didx_v, keys_v, ls_s, ls_d, pos_tab,
                cnt_tab, vec16, srows_v, drows_v, srows2_v, drows2_v,
                counts_sh, sem_s, sem_d, sem_s2, sem_d2):
    cid = lax.axis_index("c")
    sid = lax.axis_index("s")
    wid = cid * NSUB + sid
    ebase = wid * CHUNK
    iota = lax.iota(jnp.int32, 16)

    pltpu.sync_copy(vol_hbm, t_tab)
    pltpu.sync_copy(sidx_hbm.at[pl.ds(ebase, CHUNK)], sidx_v)
    pltpu.sync_copy(didx_hbm.at[pl.ds(ebase, CHUNK)], didx_v)

    def mk_t(i, c):
        sl = pl.ds(i * 16, 16)
        t_tab[sl] = jnp.where(t_tab[sl] >= 3, 1, 0)
        return c
    lax.fori_loop(0, NVEC, mk_t, 0)

    def keys_step(i, counts):
        sl = pl.ds(i * 16, 16)
        ts = plsc.load_gather(t_tab, [sidx_v[sl]])
        td = plsc.load_gather(t_tab, [didx_v[sl]])
        key = ts + td + 2 * ts * (1 - td)
        keys_v[sl] = key
        new = counts
        for k in range(4):
            m = key == k
            new = new + jnp.where(
                iota == k, plsc.all_reduce_population_count(m), 0)
        return new
    counts = lax.fori_loop(0, KVECS, keys_step, jnp.zeros((16,), jnp.int32))
    counts_r = jnp.where(
        iota < 4, ((counts + (PIECE - 1)) // PIECE) * PIECE, 0)

    zero16 = jnp.zeros((16,), jnp.int32)

    def zstep(i, c):
        sl = pl.ds(i * 16, 16)
        ls_s[sl] = zero16
        ls_d[sl] = zero16
        return c
    lax.fori_loop(0, LSZ // 16, zstep, 0)

    vec16[...] = counts_r
    pltpu.sync_copy(vec16, counts_sh.at[sid])
    plsc.subcore_barrier()
    pltpu.sync_copy(counts_sh, cnt_tab)

    tot = jnp.zeros((16,), jnp.int32)
    pre = jnp.zeros((16,), jnp.int32)
    for w in range(NSUB):
        row = cnt_tab[w]
        tot = tot + row
        pre = pre + jnp.where(w < sid, row, 0)

    S = []
    s_cur = jnp.int32(0)
    for k in range(4):
        S.append(s_cur)
        s_cur = ((s_cur + _lane(tot, k) + (BLK - 1)) // BLK) * BLK
    L = []
    l_cur = jnp.int32(0)
    for k in range(4):
        L.append(l_cur)
        l_cur = l_cur + _lane(counts_r, k)
    GB = [cid * HP + S[k] + _lane(pre, k) for k in range(4)]

    @pl.when(sid == 0)
    def _():
        vec16[...] = (jnp.where(iota == 0, S[1], 0)
                      + jnp.where(iota == 1, S[2], 0)
                      + jnp.where(iota == 2, S[3], 0))
        pltpu.sync_copy(vec16, bounds_hbm.at[cid])

    def sort_step(i, cursors):
        sl = pl.ds(i * 16, 16)
        key = keys_v[sl]
        sv = sidx_v[sl]
        dv = didx_v[sl]
        pos_acc = jnp.zeros((16,), jnp.int32)
        new_cursors = []
        for k in range(4):
            m = key == k
            mi = jnp.where(m, 1, 0)
            slot = cursors[k] + plsc.cumsum(mi) - 1
            plsc.store_scatter(ls_s, [slot], sv, mask=m)
            plsc.store_scatter(ls_d, [slot], dv, mask=m)
            pos_acc = jnp.where(m, slot - L[k] + GB[k], pos_acc)
            new_cursors.append(
                cursors[k] + plsc.all_reduce_population_count(m))
        pos_tab[sl] = pos_acc
        return tuple(new_cursors)
    lax.fori_loop(0, KVECS, sort_step,
                  tuple(jnp.zeros((16,), jnp.int32) + L[k] for k in range(4)))
    pltpu.sync_copy(pos_tab, pos_hbm.at[pl.ds(ebase, CHUNK)])

    n0 = _lane(counts_r, 0) // PIECE
    n1 = _lane(counts_r, 1) // PIECE
    n2 = _lane(counts_r, 2) // PIECE
    t01 = n0 + n1
    ntot = t01 + n2

    def _loff(j):
        k = jnp.where(j >= n0, 1, 0) + jnp.where(j >= t01, 1, 0)
        return jnp.where(
            k == 0, L[0] + j * PIECE,
            jnp.where(k == 1, L[1] + (j - n0) * PIECE,
                      L[2] + (j - t01) * PIECE))

    def _goff(j):
        k = jnp.where(j >= n0, 1, 0) + jnp.where(j >= t01, 1, 0)
        return jnp.where(
            k == 0, GB[0] + j * PIECE,
            jnp.where(k == 1, GB[1] + (j - n0) * PIECE,
                      GB[2] + (j - t01) * PIECE))

    def _fire(j, sbuf, dbuf, ss, sd):
        lo = pl.multiple_of(_loff(j), PIECE)
        pltpu.async_copy(xp_hbm.at[ls_s.at[pl.ds(lo, PIECE)]], sbuf, ss)
        pltpu.async_copy(xp_hbm.at[ls_d.at[pl.ds(lo, PIECE)]], dbuf, sd)

    def _drain_write(j, sbuf, dbuf, ss, sd):
        pltpu.make_async_copy(xp_hbm.at[pl.ds(0, PIECE)], sbuf, ss).wait()
        pltpu.make_async_copy(xp_hbm.at[pl.ds(0, PIECE)], dbuf, sd).wait()
        go = pl.multiple_of(_goff(j), PIECE)
        pltpu.sync_copy(sbuf, src_out.at[pl.ds(go, PIECE)])
        pltpu.sync_copy(dbuf, dst_out.at[pl.ds(go, PIECE)])

    @pl.when(ntot > 0)
    def _():
        _fire(0, srows_v, drows_v, sem_s, sem_d)

    def gstep(j, c):
        @pl.when(j % 2 == 0)
        def _():
            @pl.when(j + 1 < ntot)
            def _():
                _fire(j + 1, srows2_v, drows2_v, sem_s2, sem_d2)
            _drain_write(j, srows_v, drows_v, sem_s, sem_d)

        @pl.when(j % 2 == 1)
        def _():
            @pl.when(j + 1 < ntot)
            def _():
                _fire(j + 1, srows_v, drows_v, sem_s, sem_d)
            _drain_write(j, srows2_v, drows2_v, sem_s2, sem_d2)
        return c
    lax.fori_loop(0, ntot, gstep, 0)


def _sc_route_gather(volume_id, start_pad, end_pad, xp):
    mesh = plsc.VectorSubcoreMesh(core_axis_name="c", subcore_axis_name="s")
    f = pl.kernel(
        _route_body,
        out_type=(
            jax.ShapeDtypeStruct((P_CAP, 16), jnp.float32),
            jax.ShapeDtypeStruct((P_CAP, 16), jnp.float32),
            jax.ShapeDtypeStruct((E_PAD,), jnp.int32),
            jax.ShapeDtypeStruct((NCORES, 16), jnp.int32),
        ),
        mesh=mesh,
        compiler_params=pltpu.CompilerParams(use_tc_tiling_on_sc=False,
                                             needs_layout_passes=False),
        scratch_types=[
            pltpu.VMEM((N_NODES,), jnp.int32),
            pltpu.VMEM((CHUNK,), jnp.int32),
            pltpu.VMEM((CHUNK,), jnp.int32),
            pltpu.VMEM((CHUNK,), jnp.int32),
            pltpu.VMEM((LSZ,), jnp.int32),
            pltpu.VMEM((LSZ,), jnp.int32),
            pltpu.VMEM((CHUNK,), jnp.int32),
            pltpu.VMEM((NSUB, 16), jnp.int32),
            pltpu.VMEM((16,), jnp.int32),
            pltpu.VMEM((PIECE, 16), jnp.float32),
            pltpu.VMEM((PIECE, 16), jnp.float32),
            pltpu.VMEM((PIECE, 16), jnp.float32),
            pltpu.VMEM((PIECE, 16), jnp.float32),
            pltpu.VMEM_SHARED((NSUB, 16), jnp.int32),
            pltpu.SemaphoreType.DMA,
            pltpu.SemaphoreType.DMA,
            pltpu.SemaphoreType.DMA,
            pltpu.SemaphoreType.DMA,
        ],
    )
    return f(volume_id, start_pad, end_pad, xp)



ESTRIPE = N_EDGES // NW
NFULL = ESTRIPE // PIECE
ETAIL = ESTRIPE - NFULL * PIECE


def _unsort_body(pos_hbm, outs_hbm, fin_hbm, pos_v, rows_a, rows_b, rows_t,
                 sem_a, sem_b, sem_t):
    wid = lax.axis_index("c") * NSUB + lax.axis_index("s")
    base = wid * ESTRIPE
    pltpu.sync_copy(pos_hbm.at[pl.ds(base, ESTRIPE)], pos_v)

    def _fire(j, buf, sem):
        pltpu.async_copy(
            outs_hbm.at[pos_v.at[pl.ds(j * PIECE, PIECE)]], buf, sem)

    def _drain_write(j, buf, sem):
        pltpu.make_async_copy(
            outs_hbm.at[pl.ds(0, PIECE)], buf, sem).wait()
        pltpu.sync_copy(buf, fin_hbm.at[pl.ds(base + j * PIECE, PIECE)])

    _fire(0, rows_a, sem_a)

    def gstep(i, c):
        j = i * 2
        _fire(j + 1, rows_b, sem_b)
        _drain_write(j, rows_a, sem_a)
        _fire(j + 2, rows_a, sem_a)
        _drain_write(j + 1, rows_b, sem_b)
        return c
    lax.fori_loop(0, (NFULL - 1) // 2, gstep, 0)
    pltpu.async_copy(
        outs_hbm.at[pos_v.at[pl.ds(NFULL * PIECE, ETAIL)]], rows_t, sem_t)
    _drain_write(NFULL - 1, rows_a, sem_a)
    pltpu.make_async_copy(outs_hbm.at[pl.ds(0, ETAIL)], rows_t, sem_t).wait()
    pltpu.sync_copy(rows_t,
                    fin_hbm.at[pl.ds(base + NFULL * PIECE, ETAIL)])


def _sc_unsort(pos, out_sorted):
    mesh = plsc.VectorSubcoreMesh(core_axis_name="c", subcore_axis_name="s")
    f = pl.kernel(
        _unsort_body,
        out_type=jax.ShapeDtypeStruct((N_EDGES, HIDDEN), jnp.float32),
        mesh=mesh,
        scratch_types=[
            pltpu.VMEM((ESTRIPE,), jnp.int32),
            pltpu.VMEM((PIECE, HIDDEN), jnp.float32),
            pltpu.VMEM((PIECE, HIDDEN), jnp.float32),
            pltpu.VMEM((ETAIL, HIDDEN), jnp.float32),
            pltpu.SemaphoreType.DMA,
            pltpu.SemaphoreType.DMA,
            pltpu.SemaphoreType.DMA,
        ],
    )
    return f(pos, out_sorted)



def _node_body(inp_ref, w1_ref, b1_ref, g1_ref, be1_ref, w2_ref, b2_ref,
               g2_ref, be2_ref, out_ref):
    inp = inp_ref[...]
    t = inp[:, 3:4]
    acc = None
    for i in range(2):
        h = _DOT(inp, w1_ref[i]) + b1_ref[i]
        h = jax.nn.relu(_ln(h, g1_ref[i], be1_ref[i]))
        h = _DOT(h, w2_ref[i]) + b2_ref[i]
        h = jnp.tanh(_ln(h, g2_ref[i], be2_ref[i]))
        acc = h if acc is None else jnp.where(t == 0.0, acc, h)
    out_ref[...] = acc


def _sel3(j, ref):
    return ref[j]


def _edge_body(bounds_ref, src_ref, dst_ref, w1a_ref, w1b_ref, b1_ref,
               g1_ref, be1_ref, w2_ref, b2_ref, g2_ref, be2_ref, out_ref):
    i = pl.program_id(0)
    p0 = i * BLK
    h_id = jnp.where(p0 >= HP, 1, 0)
    rel = p0 - h_id * HP
    b1 = bounds_ref[h_id, 0]
    b2 = bounds_ref[h_id, 1]
    b3 = bounds_ref[h_id, 2]
    j = jnp.where(rel >= b1, 1, 0) + jnp.where(rel >= b2, 1, 0)
    valid = rel < b3

    @pl.when(valid)
    def _():
        src = src_ref[...]
        dst = dst_ref[...]
        h = (_DOT(src, _sel3(j, w1a_ref)) + _DOT(dst, _sel3(j, w1b_ref))
             + _sel3(j, b1_ref))
        h = jax.nn.relu(_ln(h, _sel3(j, g1_ref), _sel3(j, be1_ref)))
        h = _DOT(h, _sel3(j, w2_ref)) + _sel3(j, b2_ref)
        h = jnp.tanh(_ln(h, _sel3(j, g2_ref), _sel3(j, be2_ref)))
        out_ref[...] = h

    @pl.when(jnp.logical_not(valid))
    def _():
        out_ref[...] = jnp.zeros(out_ref.shape, jnp.float32)


def _full(shape):
    return pl.BlockSpec(shape, lambda *_: (0,) * len(shape))


def _stack_node_params(node_params):
    w1 = jnp.stack([jnp.pad(p[0][0], ((0, 8 - MAX_NF), (0, 0)))
                    for p in node_params])
    b1, g1, be1, b2, g2, be2 = [
        jnp.stack([p[li][ai] for p in node_params])
        for li in (0, 1) for ai in (1, 2, 3)]
    w2 = jnp.stack([p[1][0] for p in node_params])
    return w1, b1, g1, be1, w2, b2, g2, be2


def _stack_edge_params(edge_params):
    w1a = jnp.stack([jnp.pad(p[0][0][0:13], ((0, 3), (0, 0)))
                     for p in edge_params])
    w1b = jnp.stack([jnp.pad(p[0][0][13:26], ((0, 3), (0, 0)))
                     for p in edge_params])
    b1, g1, be1, b2, g2, be2 = [
        jnp.stack([p[li][ai] for p in edge_params])
        for li in (0, 1) for ai in (1, 2, 3)]
    w2 = jnp.stack([p[1][0] for p in edge_params])
    return w1a, w1b, b1, g1, be1, w2, b2, g2, be2


def kernel(x, edge_index, volume_id, node_params, edge_params):
    t = (volume_id >= 3).astype(jnp.float32)
    xp = jnp.concatenate(
        [x, t[:, None], jnp.zeros((N_NODES, 2), jnp.float32)], axis=1)

    start_pad = jnp.pad(edge_index[0], (0, E_PAD - N_EDGES))
    end_pad = jnp.pad(edge_index[1], (0, E_PAD - N_EDGES))
    src, dst, pos, bounds = _sc_route_gather(volume_id, start_pad,
                                             end_pad, xp)

    ninp = jnp.concatenate([x[:, :MAX_NF], t[:, None],
                            jnp.zeros((N_NODES, 4), jnp.float32)], axis=1)
    nw = _stack_node_params(node_params)
    encoded_nodes = pl.pallas_call(
        _node_body,
        grid=(N_NODES // NODE_BLK,),
        in_specs=[pl.BlockSpec((NODE_BLK, 8), lambda i: (i, 0))]
        + [_full(w.shape) for w in nw],
        out_specs=pl.BlockSpec((NODE_BLK, HIDDEN), lambda i: (i, 0)),
        out_shape=jax.ShapeDtypeStruct((N_NODES, HIDDEN), jnp.float32),
    )(ninp, *nw)

    ew = _stack_edge_params(edge_params)
    grid_spec = pltpu.PrefetchScalarGridSpec(
        num_scalar_prefetch=1,
        grid=(P_CAP // BLK,),
        in_specs=[pl.BlockSpec((BLK, 16), lambda i, *_: (i, 0))] * 2
        + [_full(w.shape) for w in ew],
        out_specs=pl.BlockSpec((BLK, HIDDEN), lambda i, *_: (i, 0)),
    )
    out_sorted = pl.pallas_call(
        _edge_body,
        grid_spec=grid_spec,
        out_shape=jax.ShapeDtypeStruct((P_CAP, HIDDEN), jnp.float32),
    )(bounds, src, dst, *ew)

    encoded_edges = _sc_unsort(pos, out_sorted)
    return (encoded_nodes, encoded_edges)

# --- scband reference (transcript-rebuilt; emitter-appended) ---
"""Pipeline reference for scband-hetero-encoder-2920577761686 (READ-ONLY COPY).

The authoritative reference and input builder live on the scoring server;
editing this copy changes nothing except your own understanding.
"""

import jax, jax.numpy as jnp
import numpy as np

# HeteroEncoder config (mirrors init hparams)
HIDDEN = 128
NUM_FEATURES = [3, 3]
VOLUME_IDS = [[0, 1, 2], [3, 4]]
CELL_CHANNELS = 10
COMBOS = [(0, 0), (0, 1), (1, 1)]  # torch.combinations(arange(2), r=2, with_replacement=True)
NB_NODE_LAYER = 2
NB_EDGE_LAYER = 2
N_NODES = 10000
N_EDGES = 160000
MAX_NF = max(NUM_FEATURES)
X_DIM = MAX_NF + CELL_CHANNELS  # 13; last CELL_CHANNELS columns are cell features


def _make_mlp_params(key, in_dim, sizes):
    params = []
    dims = [in_dim] + list(sizes)
    for i in range(len(sizes)):
        key, k1 = jax.random.split(key)
        W = jax.random.normal(k1, (dims[i], dims[i + 1]), jnp.float32) * (1.0 / np.sqrt(dims[i]))
        b = jnp.zeros((dims[i + 1],), jnp.float32)
        g = jnp.ones((dims[i + 1],), jnp.float32)
        beta = jnp.zeros((dims[i + 1],), jnp.float32)
        params.append((W, b, g, beta))
    return params


def _layernorm(h, g, b):
    m = jnp.mean(h, axis=-1, keepdims=True)
    v = jnp.var(h, axis=-1, keepdims=True)
    return (h - m) / jnp.sqrt(v + 1e-5) * g + b


def _mlp_apply(params, h):
    n = len(params)
    for i, (W, b, g, beta) in enumerate(params):
        h = h @ W + b
        h = _layernorm(h, g, beta)  # layernorm=True
        h = jax.nn.relu(h) if i < n - 1 else jnp.tanh(h)  # hidden=ReLU, output=Tanh
    return h


def setup_inputs(seed: int = 0) -> dict:
    key = jax.random.key(seed)
    kx, ke, kv, kp = jax.random.split(key, 4)
    x = jax.random.normal(kx, (N_NODES, X_DIM), jnp.float32)
    edge_index = jax.random.randint(ke, (2, N_EDGES), 0, N_NODES, jnp.int32)
    volume_id = jax.random.randint(kv, (N_NODES,), 0, 5, jnp.int32)
    node_params = [
        _make_mlp_params(jax.random.fold_in(kp, i), NUM_FEATURES[i], [HIDDEN] * NB_NODE_LAYER)
        for i in range(len(NUM_FEATURES))
    ]
    edge_params = [
        _make_mlp_params(
            jax.random.fold_in(kp, 100 + j),
            NUM_FEATURES[c0] + NUM_FEATURES[c1] + 2 * CELL_CHANNELS,
            [HIDDEN] * NB_EDGE_LAYER,
        )
        for j, (c0, c1) in enumerate(COMBOS)
    ]
    return {
        "x": x,
        "edge_index": edge_index,
        "volume_id": volume_id,
        "node_params": node_params,
        "edge_params": edge_params,
    }


def reference(x, edge_index, volume_id, node_params, edge_params):
    start, end = edge_index[0], edge_index[1]
    # fill_hetero_nodes: route each node through its volume-specific encoder
    encoded_nodes = jnp.zeros((x.shape[0], HIDDEN), jnp.float32)
    for i, (nf, vids) in enumerate(zip(NUM_FEATURES, VOLUME_IDS)):
        mask = jnp.isin(volume_id, jnp.asarray(vids, volume_id.dtype))
        out = _mlp_apply(node_params[i], x[:, :nf])
        encoded_nodes = jnp.where(mask[:, None], out, encoded_nodes)
    # fill_hetero_edges: cell features are the trailing CELL_CHANNELS columns of x
    cell_x = x[:, MAX_NF:MAX_NF + CELL_CHANNELS]
    encoded_edges = jnp.zeros((edge_index.shape[1], HIDDEN), jnp.float32)
    for j, (c0, c1) in enumerate(COMBOS):
        v0 = jnp.asarray(VOLUME_IDS[c0], volume_id.dtype)
        v1 = jnp.asarray(VOLUME_IDS[c1], volume_id.dtype)
        emask = jnp.isin(volume_id[start], v0) & jnp.isin(volume_id[end], v1)
        inp = jnp.concatenate(
            [
                x[start][:, :NUM_FEATURES[c0]],
                cell_x[start],
                x[end][:, :NUM_FEATURES[c1]],
                cell_x[end],
            ],
            axis=-1,
        )
        out = _mlp_apply(edge_params[j], inp)
        encoded_edges = jnp.where(emask[:, None], out, encoded_edges)
    return (encoded_nodes, encoded_edges)

if __name__ == "__main__":
    import jax
    _d = setup_inputs()
    print(jax.jit(kernel)(*tuple(_d.values())))

</pallas_src>

<mosaic_0001>
#map = affine_map<(d0, d1) -> (0)>
#map1 = affine_map<(d0, d1) -> (0, 0)>
module attributes {stable_mosaic.version = 14 : i64} {
  func.func @_route_body(%arg0: i32, %arg1: i32, %arg2: memref<10000xi32, #tpu.memory_space<hbm>>, %arg3: memref<163840xi32, #tpu.memory_space<hbm>>, %arg4: memref<163840xi32, #tpu.memory_space<hbm>>, %arg5: memref<10000x16xf32, #tpu.memory_space<hbm>>, %arg6: memref<204800x16xf32, #tpu.memory_space<hbm>>, %arg7: memref<204800x16xf32, #tpu.memory_space<hbm>>, %arg8: memref<163840xi32, #tpu.memory_space<hbm>>, %arg9: memref<2x16xi32, #tpu.memory_space<hbm>>, %arg10: memref<10000xi32, #tpu.memory_space<vmem>>, %arg11: memref<5120xi32, #tpu.memory_space<vmem>>, %arg12: memref<5120xi32, #tpu.memory_space<vmem>>, %arg13: memref<5120xi32, #tpu.memory_space<vmem>>, %arg14: memref<5632xi32, #tpu.memory_space<vmem>>, %arg15: memref<5632xi32, #tpu.memory_space<vmem>>, %arg16: memref<5120xi32, #tpu.memory_space<vmem>>, %arg17: memref<16x16xi32, #tpu.memory_space<vmem>>, %arg18: memref<16xi32, #tpu.memory_space<vmem>>, %arg19: memref<128x16xf32, #tpu.memory_space<vmem>>, %arg20: memref<128x16xf32, #tpu.memory_space<vmem>>, %arg21: memref<128x16xf32, #tpu.memory_space<vmem>>, %arg22: memref<128x16xf32, #tpu.memory_space<vmem>>, %arg23: memref<16x16xi32, #tpu.memory_space<vmem_shared>>, %arg24: memref<!tpu.dma_semaphore, #tpu.memory_space<semaphore_mem>>, %arg25: memref<!tpu.dma_semaphore, #tpu.memory_space<semaphore_mem>>, %arg26: memref<!tpu.dma_semaphore, #tpu.memory_space<semaphore_mem>>, %arg27: memref<!tpu.dma_semaphore, #tpu.memory_space<semaphore_mem>>) attributes {dimension_semantics = [#tpu.dimension_semantics<core_parallel>, #tpu.dimension_semantics<subcore_parallel>], iteration_bounds = array<i64: 2, 16>, scalar_prefetch = 0 : i64, scratch_operands = 18 : i64, tpu.core_type = #tpu.core_type<sc_vector_subcore>, window_params = [{transform_indices = #map}, {transform_indices = #map}, {transform_indices = #map}, {transform_indices = #map1}, {transform_indices = #map1}, {transform_indices = #map1}, {transform_indices = #map}, {transform_indices = #map1}]} {
    %mul3A = arith.constant 16 : i32
    %mul3A_0 = arith.muli %arg0, %mul3A : i32
    %add3A = arith.addi %mul3A_0, %arg1 : i32
    %mul3A_1 = arith.constant 5120 : i32
    %mul3A_2 = arith.muli %add3A, %mul3A_1 : i32
    %iota3A = tpu.iota {dimensions = array<i32: 0>} : vector<16xi32>
    "tpu.region"() ({
      %run_scoped3A = tpu.sem_alloc : memref<!tpu.dma_semaphore, #tpu.memory_space<semaphore_mem>>
      tpu.enqueue_dma source(%arg2 : memref<10000xi32, #tpu.memory_space<hbm>>) target(%arg10 : memref<10000xi32, #tpu.memory_space<vmem>>) target_semaphore(%run_scoped3A : memref<!tpu.dma_semaphore, #tpu.memory_space<semaphore_mem>>)
      tpu.wait_dma2 semaphore(%run_scoped3A : memref<!tpu.dma_semaphore, #tpu.memory_space<semaphore_mem>>) src(%arg2 : memref<10000xi32, #tpu.memory_space<hbm>>) dst(%arg10 : memref<10000xi32, #tpu.memory_space<vmem>>)
      tpu.yield
    }) : () -> ()
    "tpu.region"() ({
      %run_scoped3A = tpu.sem_alloc : memref<!tpu.dma_semaphore, #tpu.memory_space<semaphore_mem>>
      %dma_start3A = tpu.memref_slice %arg3[%mul3A_2] : memref<163840xi32, #tpu.memory_space<hbm>> -> memref<5120xi32, #tpu.memory_space<hbm>>
      %dma_start3A_655 = tpu.memref_slice %arg3[%mul3A_2] : memref<163840xi32, #tpu.memory_space<hbm>> -> memref<5120xi32, #tpu.memory_space<hbm>>
      tpu.enqueue_dma source(%dma_start3A_655 : memref<5120xi32, #tpu.memory_space<hbm>>) target(%arg11 : memref<5120xi32, #tpu.memory_space<vmem>>) target_semaphore(%run_scoped3A : memref<!tpu.dma_semaphore, #tpu.memory_space<semaphore_mem>>)
      %dma_wait3A = tpu.memref_slice %arg3[%mul3A_2] : memref<163840xi32, #tpu.memory_space<hbm>> -> memref<5120xi32, #tpu.memory_space<hbm>>
      %dma_wait3A_656 = tpu.memref_slice %arg3[%mul3A_2] : memref<163840xi32, #tpu.memory_space<hbm>> -> memref<5120xi32, #tpu.memory_space<hbm>>
      tpu.wait_dma2 semaphore(%run_scoped3A : memref<!tpu.dma_semaphore, #tpu.memory_space<semaphore_mem>>) src(%dma_wait3A_656 : memref<5120xi32, #tpu.memory_space<hbm>>) dst(%arg11 : memref<5120xi32, #tpu.memory_space<vmem>>)
      tpu.yield
    }) : () -> ()
    "tpu.region"() ({
      %run_scoped3A = tpu.sem_alloc : memref<!tpu.dma_semaphore, #tpu.memory_space<semaphore_mem>>
      %dma_start3A = tpu.memref_slice %arg4[%mul3A_2] : memref<163840xi32, #tpu.memory_space<hbm>> -> memref<5120xi32, #tpu.memory_space<hbm>>
      %dma_start3A_655 = tpu.memref_slice %arg4[%mul3A_2] : memref<163840xi32, #tpu.memory_space<hbm>> -> memref<5120xi32, #tpu.memory_space<hbm>>
      tpu.enqueue_dma source(%dma_start3A_655 : memref<5120xi32, #tpu.memory_space<hbm>>) target(%arg12 : memref<5120xi32, #tpu.memory_space<vmem>>) target_semaphore(%run_scoped3A : memref<!tpu.dma_semaphore, #tpu.memory_space<semaphore_mem>>)
      %dma_wait3A = tpu.memref_slice %arg4[%mul3A_2] : memref<163840xi32, #tpu.memory_space<hbm>> -> memref<5120xi32, #tpu.memory_space<hbm>>
      %dma_wait3A_656 = tpu.memref_slice %arg4[%mul3A_2] : memref<163840xi32, #tpu.memory_space<hbm>> -> memref<5120xi32, #tpu.memory_space<hbm>>
      tpu.wait_dma2 semaphore(%run_scoped3A : memref<!tpu.dma_semaphore, #tpu.memory_space<semaphore_mem>>) src(%dma_wait3A_656 : memref<5120xi32, #tpu.memory_space<hbm>>) dst(%arg12 : memref<5120xi32, #tpu.memory_space<vmem>>)
      tpu.yield
    }) : () -> ()
    %scan3A = arith.constant 0 : i32
    %scan3A_3 = arith.constant 0 : i32
    %scan3A_4 = arith.constant 625 : i32
    %scan3A_5 = arith.addi %scan3A_3, %scan3A_4 : i32
    %scan3A_6 = arith.constant 1 : i32
    scf.for %scan3A_655 = %scan3A_3 to %scan3A_5 step %scan3A_6  : i32 {
      %mul3A_656 = arith.constant 16 : i32
      %mul3A_657 = arith.muli %scan3A_655, %mul3A_656 : i32
      %get3A_658 = arith.index_cast %mul3A_657 : i32 to index
      %get3A_659 = tpu.vector_load %arg10[%get3A_658] {strides = array<i32>} : memref<10000xi32, #tpu.memory_space<vmem>>, vector<16xi32>,
      %ge3A = arith.constant 3 : i32
      %ge3A_660 = vector.broadcast %ge3A : i32 to vector<16xi32>
      %ge3A_661 = arith.cmpi sge, %get3A_659, %ge3A_660 : vector<16xi32>
      %jit3A_662 = arith.constant 1 : i32
      %jit3A_663 = arith.constant 0 : i32
      %broadcast_in_dim3A_664 = vector.broadcast %jit3A_662 : i32 to vector<16xi32>
      %broadcast_in_dim3A_665 = vector.broadcast %jit3A_663 : i32 to vector<16xi32>
      %select_n3A_666 = arith.select %ge3A_661, %broadcast_in_dim3A_664, %broadcast_in_dim3A_665 : vector<16xi1>, vector<16xi32>
      %swap3A_667 = arith.index_cast %mul3A_657 : i32 to index
      %swap3A_668 = tpu.vector_load %arg10[%swap3A_667] {strides = array<i32>} : memref<10000xi32, #tpu.memory_space<vmem>>, vector<16xi32>,
      tpu.vector_store %arg10[%swap3A_667], %select_n3A_666 {strides = array<i32>} : memref<10000xi32, #tpu.memory_space<vmem>>, vector<16xi32>,
    }
    %scan3A_7 = arith.constant 625 : i32
    %broadcast_in_dim3A = arith.constant 0 : i32
    %broadcast_in_dim3A_8 = vector.broadcast %broadcast_in_dim3A : i32 to vector<16xi32>
    %scan3A_9 = arith.constant 0 : i32
    %scan3A_10 = arith.constant 320 : i32
    %scan3A_11 = arith.addi %scan3A_9, %scan3A_10 : i32
    %scan3A_12 = arith.constant 1 : i32
    %scan3A_13 = scf.for %scan3A_655 = %scan3A_9 to %scan3A_11 step %scan3A_12 iter_args(%scan3A_656 = %broadcast_in_dim3A_8) -> (vector<16xi32>)  : i32 {
      %mul3A_657 = arith.constant 16 : i32
      %mul3A_658 = arith.muli %scan3A_655, %mul3A_657 : i32
      %get3A_659 = arith.index_cast %mul3A_658 : i32 to index
      %get3A_660 = tpu.vector_load %arg11[%get3A_659] {strides = array<i32>} : memref<5120xi32, #tpu.memory_space<vmem>>, vector<16xi32>,
      %gather3A = tpu.vector_load_idx %arg10[%get3A_660] : memref<10000xi32, #tpu.memory_space<vmem>>[vector<16xi32>], vector<16xi32>,
      %get3A_661 = arith.index_cast %mul3A_658 : i32 to index
      %get3A_662 = tpu.vector_load %arg12[%get3A_661] {strides = array<i32>} : memref<5120xi32, #tpu.memory_space<vmem>>, vector<16xi32>,
      %gather3A_663 = tpu.vector_load_idx %arg10[%get3A_662] : memref<10000xi32, #tpu.memory_space<vmem>>[vector<16xi32>], vector<16xi32>,
      %add3A_664 = arith.addi %gather3A, %gather3A_663 : vector<16xi32>
      %mul3A_665 = arith.constant 2 : i32
      %mul3A_666 = vector.broadcast %mul3A_665 : i32 to vector<16xi32>
      %mul3A_667 = arith.muli %mul3A_666, %gather3A : vector<16xi32>
      %sub3A_668 = arith.constant 1 : i32
      %sub3A_669 = vector.broadcast %sub3A_668 : i32 to vector<16xi32>
      %sub3A_670 = arith.subi %sub3A_669, %gather3A_663 : vector<16xi32>
      %mul3A_671 = arith.muli %mul3A_667, %sub3A_670 : vector<16xi32>
      %add3A_672 = arith.addi %add3A_664, %mul3A_671 : vector<16xi32>
      %swap3A_673 = arith.index_cast %mul3A_658 : i32 to index
      %swap3A_674 = tpu.vector_load %arg13[%swap3A_673] {strides = array<i32>} : memref<5120xi32, #tpu.memory_space<vmem>>, vector<16xi32>,
      tpu.vector_store %arg13[%swap3A_673], %add3A_672 {strides = array<i32>} : memref<5120xi32, #tpu.memory_space<vmem>>, vector<16xi32>,
      %eq3A_675 = arith.constant 0 : i32
      %eq3A_676 = vector.broadcast %eq3A_675 : i32 to vector<16xi32>
      %eq3A_677 = arith.cmpi eq, %add3A_672, %eq3A_676 : vector<16xi32>
      %eq3A_678 = arith.constant 0 : i32
      %eq3A_679 = vector.broadcast %eq3A_678 : i32 to vector<16xi32>
      %eq3A_680 = arith.cmpi eq, %iota3A, %eq3A_679 : vector<16xi32>
      %all_reduce_population_count3A = tpu.all_reduce %eq3A_677 {dim = 0 : i64, kind = #tpu.reduction_kind<sum>} : vector<16xi1> -> vector<16xi32>
      %jit3A_681 = arith.constant 0 : i32
      %broadcast_in_dim3A_682 = vector.broadcast %jit3A_681 : i32 to vector<16xi32>
      %select_n3A_683 = arith.select %eq3A_680, %all_reduce_population_count3A, %broadcast_in_dim3A_682 : vector<16xi1>, vector<16xi32>
      %add3A_684 = arith.addi %scan3A_656, %select_n3A_683 : vector<16xi32>
      %eq3A_685 = arith.constant 1 : i32
      %eq3A_686 = vector.broadcast %eq3A_685 : i32 to vector<16xi32>
      %eq3A_687 = arith.cmpi eq, %add3A_672, %eq3A_686 : vector<16xi32>
      %eq3A_688 = arith.constant 1 : i32
      %eq3A_689 = vector.broadcast %eq3A_688 : i32 to vector<16xi32>
      %eq3A_690 = arith.cmpi eq, %iota3A, %eq3A_689 : vector<16xi32>
      %all_reduce_population_count3A_691 = tpu.all_reduce %eq3A_687 {dim = 0 : i64, kind = #tpu.reduction_kind<sum>} : vector<16xi1> -> vector<16xi32>
      %jit3A_692 = arith.constant 0 : i32
      %broadcast_in_dim3A_693 = vector.broadcast %jit3A_692 : i32 to vector<16xi32>
      %select_n3A_694 = arith.select %eq3A_690, %all_reduce_population_count3A_691, %broadcast_in_dim3A_693 : vector<16xi1>, vector<16xi32>
      %add3A_695 = arith.addi %add3A_684, %select_n3A_694 : vector<16xi32>
      %eq3A_696 = arith.constant 2 : i32
      %eq3A_697 = vector.broadcast %eq3A_696 : i32 to vector<16xi32>
      %eq3A_698 = arith.cmpi eq, %add3A_672, %eq3A_697 : vector<16xi32>
      %eq3A_699 = arith.constant 2 : i32
      %eq3A_700 = vector.broadcast %eq3A_699 : i32 to vector<16xi32>
      %eq3A_701 = arith.cmpi eq, %iota3A, %eq3A_700 : vector<16xi32>
      %all_reduce_population_count3A_702 = tpu.all_reduce %eq3A_698 {dim = 0 : i64, kind = #tpu.reduction_kind<sum>} : vector<16xi1> -> vector<16xi32>
      %jit3A_703 = arith.constant 0 : i32
      %broadcast_in_dim3A_704 = vector.broadcast %jit3A_703 : i32 to vector<16xi32>
      %select_n3A_705 = arith.select %eq3A_701, %all_reduce_population_count3A_702, %broadcast_in_dim3A_704 : vector<16xi1>, vector<16xi32>
      %add3A_706 = arith.addi %add3A_695, %select_n3A_705 : vector<16xi32>
      %eq3A_707 = arith.constant 3 : i32
      %eq3A_708 = vector.broadcast %eq3A_707 : i32 to vector<16xi32>
      %eq3A_709 = arith.cmpi eq, %add3A_672, %eq3A_708 : vector<16xi32>
      %eq3A_710 = arith.constant 3 : i32
      %eq3A_711 = vector.broadcast %eq3A_710 : i32 to vector<16xi32>
      %eq3A_712 = arith.cmpi eq, %iota3A, %eq3A_711 : vector<16xi32>
      %all_reduce_population_count3A_713 = tpu.all_reduce %eq3A_709 {dim = 0 : i64, kind = #tpu.reduction_kind<sum>} : vector<16xi1> -> vector<16xi32>
      %jit3A_714 = arith.constant 0 : i32
      %broadcast_in_dim3A_715 = vector.broadcast %jit3A_714 : i32 to vector<16xi32>
      %select_n3A_716 = arith.select %eq3A_712, %all_reduce_population_count3A_713, %broadcast_in_dim3A_715 : vector<16xi1>, vector<16xi32>
      %add3A_717 = arith.addi %add3A_706, %select_n3A_716 : vector<16xi32>
      scf.yield %add3A_717 : vector<16xi32>
    }
    %scan3A_14 = arith.constant 320 : i32
    %lt3A = arith.constant 4 : i32
    %lt3A_15 = vector.broadcast %lt3A : i32 to vector<16xi32>
    %lt3A_16 = arith.cmpi slt, %iota3A, %lt3A_15 : vector<16xi32>
    %add3A_17 = arith.constant 127 : i32
    %add3A_18 = vector.broadcast %add3A_17 : i32 to vector<16xi32>
    %add3A_19 = arith.addi %scan3A_13, %add3A_18 : vector<16xi32>
    %jit3A = arith.constant 128 : i32
    %div3A = vector.broadcast %jit3A : i32 to vector<16xi32>
    %div3A_20 = arith.divsi %add3A_19, %div3A : vector<16xi32>
    %sign3A = arith.constant 0 : i32
    %sign3A_21 = vector.broadcast %sign3A : i32 to vector<16xi32>
    %sign3A_22 = arith.cmpi sgt, %add3A_19, %sign3A_21 : vector<16xi32>
    %sign3A_23 = arith.extui %sign3A_22 : vector<16xi1> to vector<16xi32>
    %sign3A_24 = arith.constant 0 : i32
    %sign3A_25 = vector.broadcast %sign3A_24 : i32 to vector<16xi32>
    %sign3A_26 = arith.cmpi slt, %add3A_19, %sign3A_25 : vector<16xi32>
    %sign3A_27 = arith.extui %sign3A_26 : vector<16xi1> to vector<16xi32>
    %sign3A_28 = arith.subi %sign3A_23, %sign3A_27 : vector<16xi32>
    %sign3A_29 = arith.constant 0 : i32
    %sign3A_30 = arith.cmpi sgt, %jit3A, %sign3A_29 : i32
    %sign3A_31 = arith.extui %sign3A_30 : i1 to i32
    %sign3A_32 = arith.constant 0 : i32
    %sign3A_33 = arith.cmpi slt, %jit3A, %sign3A_32 : i32
    %sign3A_34 = arith.extui %sign3A_33 : i1 to i32
    %sign3A_35 = arith.subi %sign3A_31, %sign3A_34 : i32
    %ne3A = vector.broadcast %sign3A_35 : i32 to vector<16xi32>
    %ne3A_36 = arith.cmpi ne, %sign3A_28, %ne3A : vector<16xi32>
    %rem3A = vector.broadcast %jit3A : i32 to vector<16xi32>
    %rem3A_37 = arith.remsi %add3A_19, %rem3A : vector<16xi32>
    %ne3A_38 = arith.constant 0 : i32
    %ne3A_39 = vector.broadcast %ne3A_38 : i32 to vector<16xi32>
    %ne3A_40 = arith.cmpi ne, %rem3A_37, %ne3A_39 : vector<16xi32>
    %and3A = arith.andi %ne3A_36, %ne3A_40 : vector<16xi1>
    %sub3A = arith.constant 1 : i32
    %sub3A_41 = vector.broadcast %sub3A : i32 to vector<16xi32>
    %sub3A_42 = arith.subi %div3A_20, %sub3A_41 : vector<16xi32>
    %select_n3A = arith.select %and3A, %sub3A_42, %div3A_20 : vector<16xi1>, vector<16xi32>
    %mul3A_43 = arith.constant 128 : i32
    %mul3A_44 = vector.broadcast %mul3A_43 : i32 to vector<16xi32>
    %mul3A_45 = arith.muli %select_n3A, %mul3A_44 : vector<16xi32>
    %jit3A_46 = arith.constant 0 : i32
    %broadcast_in_dim3A_47 = vector.broadcast %jit3A_46 : i32 to vector<16xi32>
    %select_n3A_48 = arith.select %lt3A_16, %mul3A_45, %broadcast_in_dim3A_47 : vector<16xi1>, vector<16xi32>
    %broadcast_in_dim3A_49 = arith.constant 0 : i32
    %broadcast_in_dim3A_50 = vector.broadcast %broadcast_in_dim3A_49 : i32 to vector<16xi32>
    %scan3A_51 = arith.constant 0 : i32
    %scan3A_52 = arith.constant 0 : i32
    %scan3A_53 = arith.constant 352 : i32
    %scan3A_54 = arith.addi %scan3A_52, %scan3A_53 : i32
    %scan3A_55 = arith.constant 1 : i32
    scf.for %scan3A_655 = %scan3A_52 to %scan3A_54 step %scan3A_55  : i32 {
      %mul3A_656 = arith.constant 16 : i32
      %mul3A_657 = arith.muli %scan3A_655, %mul3A_656 : i32
      %swap3A_658 = arith.index_cast %mul3A_657 : i32 to index
      %swap3A_659 = tpu.vector_load %arg14[%swap3A_658] {strides = array<i32>} : memref<5632xi32, #tpu.memory_space<vmem>>, vector<16xi32>,
      tpu.vector_store %arg14[%swap3A_658], %broadcast_in_dim3A_50 {strides = array<i32>} : memref<5632xi32, #tpu.memory_space<vmem>>, vector<16xi32>,
      %swap3A_660 = arith.index_cast %mul3A_657 : i32 to index
      %swap3A_661 = tpu.vector_load %arg15[%swap3A_660] {strides = array<i32>} : memref<5632xi32, #tpu.memory_space<vmem>>, vector<16xi32>,
      tpu.vector_store %arg15[%swap3A_660], %broadcast_in_dim3A_50 {strides = array<i32>} : memref<5632xi32, #tpu.memory_space<vmem>>, vector<16xi32>,
    }
    %scan3A_56 = arith.constant 352 : i32
    %swap3A = arith.constant 0 : index
    %swap3A_57 = tpu.vector_load %arg18[%swap3A] {strides = array<i32>} : memref<16xi32, #tpu.memory_space<vmem>>, vector<16xi32>,
    tpu.vector_store %arg18[%swap3A], %select_n3A_48 {strides = array<i32>} : memref<16xi32, #tpu.memory_space<vmem>>, vector<16xi32>,
    "tpu.region"() ({
      %run_scoped3A = tpu.sem_alloc : memref<!tpu.dma_semaphore, #tpu.memory_space<semaphore_mem>>
      %dma_start3A = arith.constant 0 : i32
      %dma_start3A_655 = tpu.memref_slice %arg23[%arg1, %dma_start3A] : memref<16x16xi32, #tpu.memory_space<vmem_shared>> -> memref<1x16xi32, #tpu.memory_space<vmem_shared>>
      %dma_start3A_656 = tpu.memref_squeeze %dma_start3A_655 : memref<1x16xi32, #tpu.memory_space<vmem_shared>> -> memref<16xi32, #tpu.memory_space<vmem_shared>>
      %dma_start3A_657 = arith.constant 0 : i32
      %dma_start3A_658 = tpu.memref_slice %arg23[%arg1, %dma_start3A_657] : memref<16x16xi32, #tpu.memory_space<vmem_shared>> -> memref<1x16xi32, #tpu.memory_space<vmem_shared>>
      %dma_start3A_659 = tpu.memref_squeeze %dma_start3A_658 : memref<1x16xi32, #tpu.memory_space<vmem_shared>> -> memref<16xi32, #tpu.memory_space<vmem_shared>>
      tpu.enqueue_dma source(%arg18 : memref<16xi32, #tpu.memory_space<vmem>>) target(%dma_start3A_659 : memref<16xi32, #tpu.memory_space<vmem_shared>>) target_semaphore(%run_scoped3A : memref<!tpu.dma_semaphore, #tpu.memory_space<semaphore_mem>>)
      %dma_wait3A = arith.constant 0 : i32
      %dma_wait3A_660 = tpu.memref_slice %arg23[%arg1, %dma_wait3A] : memref<16x16xi32, #tpu.memory_space<vmem_shared>> -> memref<1x16xi32, #tpu.memory_space<vmem_shared>>
      %dma_wait3A_661 = tpu.memref_squeeze %dma_wait3A_660 : memref<1x16xi32, #tpu.memory_space<vmem_shared>> -> memref<16xi32, #tpu.memory_space<vmem_shared>>
      %dma_wait3A_662 = arith.constant 0 : i32
      %dma_wait3A_663 = tpu.memref_slice %arg23[%arg1, %dma_wait3A_662] : memref<16x16xi32, #tpu.memory_space<vmem_shared>> -> memref<1x16xi32, #tpu.memory_space<vmem_shared>>
      %dma_wait3A_664 = tpu.memref_squeeze %dma_wait3A_663 : memref<1x16xi32, #tpu.memory_space<vmem_shared>> -> memref<16xi32, #tpu.memory_space<vmem_shared>>
      tpu.wait_dma2 semaphore(%run_scoped3A : memref<!tpu.dma_semaphore, #tpu.memory_space<semaphore_mem>>) src(%arg18 : memref<16xi32, #tpu.memory_space<vmem>>) dst(%dma_wait3A_664 : memref<16xi32, #tpu.memory_space<vmem_shared>>)
      tpu.yield
    }) : () -> ()
    %barrier3A = arith.constant 0 : index
    tpu.barrier barrier_id(%barrier3A)
    "tpu.region"() ({
      %run_scoped3A = tpu.sem_alloc : memref<!tpu.dma_semaphore, #tpu.memory_space<semaphore_mem>>
      tpu.enqueue_dma source(%arg23 : memref<16x16xi32, #tpu.memory_space<vmem_shared>>) target(%arg17 : memref<16x16xi32, #tpu.memory_space<vmem>>) target_semaphore(%run_scoped3A : memref<!tpu.dma_semaphore, #tpu.memory_space<semaphore_mem>>)
      tpu.wait_dma2 semaphore(%run_scoped3A : memref<!tpu.dma_semaphore, #tpu.memory_space<semaphore_mem>>) src(%arg23 : memref<16x16xi32, #tpu.memory_space<vmem_shared>>) dst(%arg17 : memref<16x16xi32, #tpu.memory_space<vmem>>)
      tpu.yield
    }) : () -> ()
    %broadcast_in_dim3A_58 = arith.constant 0 : i32
    %broadcast_in_dim3A_59 = vector.broadcast %broadcast_in_dim3A_58 : i32 to vector<16xi32>
    %broadcast_in_dim3A_60 = arith.constant 0 : i32
    %broadcast_in_dim3A_61 = vector.broadcast %broadcast_in_dim3A_60 : i32 to vector<16xi32>
    %get3A = arith.constant 0 : i32
    %get3A_62 = arith.index_cast %get3A : i32 to index
    %get3A_63 = arith.constant 0 : index
    %get3A_64 = tpu.vector_load %arg17[%get3A_62, %get3A_63] {strides = array<i32>} : memref<16x16xi32, #tpu.memory_space<vmem>>, vector<16xi32>,
    %add3A_65 = arith.addi %broadcast_in_dim3A_59, %get3A_64 : vector<16xi32>
    %gt3A = arith.constant 0 : i32
    %gt3A_66 = arith.cmpi sgt, %arg1, %gt3A : i32
    %jit3A_67 = arith.constant 0 : i32
    %broadcast_in_dim3A_68 = vector.broadcast %jit3A_67 : i32 to vector<16xi32>
    %select_n3A_69 = arith.select %gt3A_66, %get3A_64, %broadcast_in_dim3A_68 : vector<16xi32>
    %add3A_70 = arith.addi %broadcast_in_dim3A_61, %select_n3A_69 : vector<16xi32>
    %get3A_71 = arith.constant 1 : i32
    %get3A_72 = arith.index_cast %get3A_71 : i32 to index
    %get3A_73 = arith.constant 0 : index
    %get3A_74 = tpu.vector_load %arg17[%get3A_72, %get3A_73] {strides = array<i32>} : memref<16x16xi32, #tpu.memory_space<vmem>>, vector<16xi32>,
    %add3A_75 = arith.addi %add3A_65, %get3A_74 : vector<16xi32>
    %gt3A_76 = arith.constant 1 : i32
    %gt3A_77 = arith.cmpi sgt, %arg1, %gt3A_76 : i32
    %jit3A_78 = arith.constant 0 : i32
    %broadcast_in_dim3A_79 = vector.broadcast %jit3A_78 : i32 to vector<16xi32>
    %select_n3A_80 = arith.select %gt3A_77, %get3A_74, %broadcast_in_dim3A_79 : vector<16xi32>
    %add3A_81 = arith.addi %add3A_70, %select_n3A_80 : vector<16xi32>
    %get3A_82 = arith.constant 2 : i32
    %get3A_83 = arith.index_cast %get3A_82 : i32 to index
    %get3A_84 = arith.constant 0 : index
    %get3A_85 = tpu.vector_load %arg17[%get3A_83, %get3A_84] {strides = array<i32>} : memref<16x16xi32, #tpu.memory_space<vmem>>, vector<16xi32>,
    %add3A_86 = arith.addi %add3A_75, %get3A_85 : vector<16xi32>
    %gt3A_87 = arith.constant 2 : i32
    %gt3A_88 = arith.cmpi sgt, %arg1, %gt3A_87 : i32
    %jit3A_89 = arith.constant 0 : i32
    %broadcast_in_dim3A_90 = vector.broadcast %jit3A_89 : i32 to vector<16xi32>
    %select_n3A_91 = arith.select %gt3A_88, %get3A_85, %broadcast_in_dim3A_90 : vector<16xi32>
    %add3A_92 = arith.addi %add3A_81, %select_n3A_91 : vector<16xi32>
    %get3A_93 = arith.constant 3 : i32
    %get3A_94 = arith.index_cast %get3A_93 : i32 to index
    %get3A_95 = arith.constant 0 : index
    %get3A_96 = tpu.vector_load %arg17[%get3A_94, %get3A_95] {strides = array<i32>} : memref<16x16xi32, #tpu.memory_space<vmem>>, vector<16xi32>,
    %add3A_97 = arith.addi %add3A_86, %get3A_96 : vector<16xi32>
    %gt3A_98 = arith.constant 3 : i32
    %gt3A_99 = arith.cmpi sgt, %arg1, %gt3A_98 : i32
    %jit3A_100 = arith.constant 0 : i32
    %broadcast_in_dim3A_101 = vector.broadcast %jit3A_100 : i32 to vector<16xi32>
    %select_n3A_102 = arith.select %gt3A_99, %get3A_96, %broadcast_in_dim3A_101 : vector<16xi32>
    %add3A_103 = arith.addi %add3A_92, %select_n3A_102 : vector<16xi32>
    %get3A_104 = arith.constant 4 : i32
    %get3A_105 = arith.index_cast %get3A_104 : i32 to index
    %get3A_106 = arith.constant 0 : index
    %get3A_107 = tpu.vector_load %arg17[%get3A_105, %get3A_106] {strides = array<i32>} : memref<16x16xi32, #tpu.memory_space<vmem>>, vector<16xi32>,
    %add3A_108 = arith.addi %add3A_97, %get3A_107 : vector<16xi32>
    %gt3A_109 = arith.constant 4 : i32
    %gt3A_110 = arith.cmpi sgt, %arg1, %gt3A_109 : i32
    %jit3A_111 = arith.constant 0 : i32
    %broadcast_in_dim3A_112 = vector.broadcast %jit3A_111 : i32 to vector<16xi32>
    %select_n3A_113 = arith.select %gt3A_110, %get3A_107, %broadcast_in_dim3A_112 : vector<16xi32>
    %add3A_114 = arith.addi %add3A_103, %select_n3A_113 : vector<16xi32>
    %get3A_115 = arith.constant 5 : i32
    %get3A_116 = arith.index_cast %get3A_115 : i32 to index
    %get3A_117 = arith.constant 0 : index
    %get3A_118 = tpu.vector_load %arg17[%get3A_116, %get3A_117] {strides = array<i32>} : memref<16x16xi32, #tpu.memory_space<vmem>>, vector<16xi32>,
    %add3A_119 = arith.addi %add3A_108, %get3A_118 : vector<16xi32>
    %gt3A_120 = arith.constant 5 : i32
    %gt3A_121 = arith.cmpi sgt, %arg1, %gt3A_120 : i32
    %jit3A_122 = arith.constant 0 : i32
    %broadcast_in_dim3A_123 = vector.broadcast %jit3A_122 : i32 to vector<16xi32>
    %select_n3A_124 = arith.select %gt3A_121, %get3A_118, %broadcast_in_dim3A_123 : vector<16xi32>
    %add3A_125 = arith.addi %add3A_114, %select_n3A_124 : vector<16xi32>
    %get3A_126 = arith.constant 6 : i32
    %get3A_127 = arith.index_cast %get3A_126 : i32 to index
    %get3A_128 = arith.constant 0 : index
    %get3A_129 = tpu.vector_load %arg17[%get3A_127, %get3A_128] {strides = array<i32>} : memref<16x16xi32, #tpu.memory_space<vmem>>, vector<16xi32>,
    %add3A_130 = arith.addi %add3A_119, %get3A_129 : vector<16xi32>
    %gt3A_131 = arith.constant 6 : i32
    %gt3A_132 = arith.cmpi sgt, %arg1, %gt3A_131 : i32
    %jit3A_133 = arith.constant 0 : i32
    %broadcast_in_dim3A_134 = vector.broadcast %jit3A_133 : i32 to vector<16xi32>
    %select_n3A_135 = arith.select %gt3A_132, %get3A_129, %broadcast_in_dim3A_134 : vector<16xi32>
    %add3A_136 = arith.addi %add3A_125, %select_n3A_135 : vector<16xi32>
    %get3A_137 = arith.constant 7 : i32
    %get3A_138 = arith.index_cast %get3A_137 : i32 to index
    %get3A_139 = arith.constant 0 : index
    %get3A_140 = tpu.vector_load %arg17[%get3A_138, %get3A_139] {strides = array<i32>} : memref<16x16xi32, #tpu.memory_space<vmem>>, vector<16xi32>,
    %add3A_141 = arith.addi %add3A_130, %get3A_140 : vector<16xi32>
    %gt3A_142 = arith.constant 7 : i32
    %gt3A_143 = arith.cmpi sgt, %arg1, %gt3A_142 : i32
    %jit3A_144 = arith.constant 0 : i32
    %broadcast_in_dim3A_145 = vector.broadcast %jit3A_144 : i32 to vector<16xi32>
    %select_n3A_146 = arith.select %gt3A_143, %get3A_140, %broadcast_in_dim3A_145 : vector<16xi32>
    %add3A_147 = arith.addi %add3A_136, %select_n3A_146 : vector<16xi32>
    %get3A_148 = arith.constant 8 : i32
    %get3A_149 = arith.index_cast %get3A_148 : i32 to index
    %get3A_150 = arith.constant 0 : index
    %get3A_151 = tpu.vector_load %arg17[%get3A_149, %get3A_150] {strides = array<i32>} : memref<16x16xi32, #tpu.memory_space<vmem>>, vector<16xi32>,
    %add3A_152 = arith.addi %add3A_141, %get3A_151 : vector<16xi32>
    %gt3A_153 = arith.constant 8 : i32
    %gt3A_154 = arith.cmpi sgt, %arg1, %gt3A_153 : i32
    %jit3A_155 = arith.constant 0 : i32
    %broadcast_in_dim3A_156 = vector.broadcast %jit3A_155 : i32 to vector<16xi32>
    %select_n3A_157 = arith.select %gt3A_154, %get3A_151, %broadcast_in_dim3A_156 : vector<16xi32>
    %add3A_158 = arith.addi %add3A_147, %select_n3A_157 : vector<16xi32>
    %get3A_159 = arith.constant 9 : i32
    %get3A_160 = arith.index_cast %get3A_159 : i32 to index
    %get3A_161 = arith.constant 0 : index
    %get3A_162 = tpu.vector_load %arg17[%get3A_160, %get3A_161] {strides = array<i32>} : memref<16x16xi32, #tpu.memory_space<vmem>>, vector<16xi32>,
    %add3A_163 = arith.addi %add3A_152, %get3A_162 : vector<16xi32>
    %gt3A_164 = arith.constant 9 : i32
    %gt3A_165 = arith.cmpi sgt, %arg1, %gt3A_164 : i32
    %jit3A_166 = arith.constant 0 : i32
    %broadcast_in_dim3A_167 = vector.broadcast %jit3A_166 : i32 to vector<16xi32>
    %select_n3A_168 = arith.select %gt3A_165, %get3A_162, %broadcast_in_dim3A_167 : vector<16xi32>
    %add3A_169 = arith.addi %add3A_158, %select_n3A_168 : vector<16xi32>
    %get3A_170 = arith.constant 10 : i32
    %get3A_171 = arith.index_cast %get3A_170 : i32 to index
    %get3A_172 = arith.constant 0 : index
    %get3A_173 = tpu.vector_load %arg17[%get3A_171, %get3A_172] {strides = array<i32>} : memref<16x16xi32, #tpu.memory_space<vmem>>, vector<16xi32>,
    %add3A_174 = arith.addi %add3A_163, %get3A_173 : vector<16xi32>
    %gt3A_175 = arith.constant 10 : i32
    %gt3A_176 = arith.cmpi sgt, %arg1, %gt3A_175 : i32
    %jit3A_177 = arith.constant 0 : i32
    %broadcast_in_dim3A_178 = vector.broadcast %jit3A_177 : i32 to vector<16xi32>
    %select_n3A_179 = arith.select %gt3A_176, %get3A_173, %broadcast_in_dim3A_178 : vector<16xi32>
    %add3A_180 = arith.addi %add3A_169, %select_n3A_179 : vector<16xi32>
    %get3A_181 = arith.constant 11 : i32
    %get3A_182 = arith.index_cast %get3A_181 : i32 to index
    %get3A_183 = arith.constant 0 : index
    %get3A_184 = tpu.vector_load %arg17[%get3A_182, %get3A_183] {strides = array<i32>} : memref<16x16xi32, #tpu.memory_space<vmem>>, vector<16xi32>,
    %add3A_185 = arith.addi %add3A_174, %get3A_184 : vector<16xi32>
    %gt3A_186 = arith.constant 11 : i32
    %gt3A_187 = arith.cmpi sgt, %arg1, %gt3A_186 : i32
    %jit3A_188 = arith.constant 0 : i32
    %broadcast_in_dim3A_189 = vector.broadcast %jit3A_188 : i32 to vector<16xi32>
    %select_n3A_190 = arith.select %gt3A_187, %get3A_184, %broadcast_in_dim3A_189 : vector<16xi32>
    %add3A_191 = arith.addi %add3A_180, %select_n3A_190 : vector<16xi32>
    %get3A_192 = arith.constant 12 : i32
    %get3A_193 = arith.index_cast %get3A_192 : i32 to index
    %get3A_194 = arith.constant 0 : index
    %get3A_195 = tpu.vector_load %arg17[%get3A_193, %get3A_194] {strides = array<i32>} : memref<16x16xi32, #tpu.memory_space<vmem>>, vector<16xi32>,
    %add3A_196 = arith.addi %add3A_185, %get3A_195 : vector<16xi32>
    %gt3A_197 = arith.constant 12 : i32
    %gt3A_198 = arith.cmpi sgt, %arg1, %gt3A_197 : i32
    %jit3A_199 = arith.constant 0 : i32
    %broadcast_in_dim3A_200 = vector.broadcast %jit3A_199 : i32 to vector<16xi32>
    %select_n3A_201 = arith.select %gt3A_198, %get3A_195, %broadcast_in_dim3A_200 : vector<16xi32>
    %add3A_202 = arith.addi %add3A_191, %select_n3A_201 : vector<16xi32>
    %get3A_203 = arith.constant 13 : i32
    %get3A_204 = arith.index_cast %get3A_203 : i32 to index
    %get3A_205 = arith.constant 0 : index
    %get3A_206 = tpu.vector_load %arg17[%get3A_204, %get3A_205] {strides = array<i32>} : memref<16x16xi32, #tpu.memory_space<vmem>>, vector<16xi32>,
    %add3A_207 = arith.addi %add3A_196, %get3A_206 : vector<16xi32>
    %gt3A_208 = arith.constant 13 : i32
    %gt3A_209 = arith.cmpi sgt, %arg1, %gt3A_208 : i32
    %jit3A_210 = arith.constant 0 : i32
    %broadcast_in_dim3A_211 = vector.broadcast %jit3A_210 : i32 to vector<16xi32>
    %select_n3A_212 = arith.select %gt3A_209, %get3A_206, %broadcast_in_dim3A_211 : vector<16xi32>
    %add3A_213 = arith.addi %add3A_202, %select_n3A_212 : vector<16xi32>
    %get3A_214 = arith.constant 14 : i32
    %get3A_215 = arith.index_cast %get3A_214 : i32 to index
    %get3A_216 = arith.constant 0 : index
    %get3A_217 = tpu.vector_load %arg17[%get3A_215, %get3A_216] {strides = array<i32>} : memref<16x16xi32, #tpu.memory_space<vmem>>, vector<16xi32>,
    %add3A_218 = arith.addi %add3A_207, %get3A_217 : vector<16xi32>
    %gt3A_219 = arith.constant 14 : i32
    %gt3A_220 = arith.cmpi sgt, %arg1, %gt3A_219 : i32
    %jit3A_221 = arith.constant 0 : i32
    %broadcast_in_dim3A_222 = vector.broadcast %jit3A_221 : i32 to vector<16xi32>
    %select_n3A_223 = arith.select %gt3A_220, %get3A_217, %broadcast_in_dim3A_222 : vector<16xi32>
    %add3A_224 = arith.addi %add3A_213, %select_n3A_223 : vector<16xi32>
    %get3A_225 = arith.constant 15 : i32
    %get3A_226 = arith.index_cast %get3A_225 : i32 to index
    %get3A_227 = arith.constant 0 : index
    %get3A_228 = tpu.vector_load %arg17[%get3A_226, %get3A_227] {strides = array<i32>} : memref<16x16xi32, #tpu.memory_space<vmem>>, vector<16xi32>,
    %add3A_229 = arith.addi %add3A_218, %get3A_228 : vector<16xi32>
    %gt3A_230 = arith.constant 15 : i32
    %gt3A_231 = arith.cmpi sgt, %arg1, %gt3A_230 : i32
    %jit3A_232 = arith.constant 0 : i32
    %broadcast_in_dim3A_233 = vector.broadcast %jit3A_232 : i32 to vector<16xi32>
    %select_n3A_234 = arith.select %gt3A_231, %get3A_228, %broadcast_in_dim3A_233 : vector<16xi32>
    %add3A_235 = arith.addi %add3A_224, %select_n3A_234 : vector<16xi32>
    %iota3A_236 = tpu.iota {dimensions = array<i32: 0>} : vector<16xi32>
    %eq3A = arith.constant 0 : i32
    %eq3A_237 = vector.broadcast %eq3A : i32 to vector<16xi32>
    %eq3A_238 = arith.cmpi eq, %iota3A_236, %eq3A_237 : vector<16xi32>
    %jit3A_239 = arith.constant 0 : i32
    %broadcast_in_dim3A_240 = vector.broadcast %jit3A_239 : i32 to vector<16xi32>
    %select_n3A_241 = arith.select %eq3A_238, %add3A_229, %broadcast_in_dim3A_240 : vector<16xi1>, vector<16xi32>
    %reduce_sum3A = arith.constant true
    %reduce_sum3A_242 = vector.broadcast %reduce_sum3A : i1 to vector<16xi1>
    %reduce_sum3A_243 = tpu.scan <sum>, %select_n3A_241 masked %reduce_sum3A_242 : vector<16xi32>, vector<16xi1> -> vector<16xi32>
    %reduce_sum3A_244 = vector.extract %reduce_sum3A_243[15] : i32 from vector<16xi32>
    %add3A_245 = arith.constant 0 : i32
    %add3A_246 = arith.addi %add3A_245, %reduce_sum3A_244 : i32
    %add3A_247 = arith.constant 4095 : i32
    %add3A_248 = arith.addi %add3A_246, %add3A_247 : i32
    %jit3A_249 = arith.constant 4096 : i32
    %div3A_250 = arith.divsi %add3A_248, %jit3A_249 : i32
    %sign3A_251 = arith.constant 0 : i32
    %sign3A_252 = arith.cmpi sgt, %add3A_248, %sign3A_251 : i32
    %sign3A_253 = arith.extui %sign3A_252 : i1 to i32
    %sign3A_254 = arith.constant 0 : i32
    %sign3A_255 = arith.cmpi slt, %add3A_248, %sign3A_254 : i32
    %sign3A_256 = arith.extui %sign3A_255 : i1 to i32
    %sign3A_257 = arith.subi %sign3A_253, %sign3A_256 : i32
    %sign3A_258 = arith.constant 0 : i32
    %sign3A_259 = arith.cmpi sgt, %jit3A_249, %sign3A_258 : i32
    %sign3A_260 = arith.extui %sign3A_259 : i1 to i32
    %sign3A_261 = arith.constant 0 : i32
    %sign3A_262 = arith.cmpi slt, %jit3A_249, %sign3A_261 : i32
    %sign3A_263 = arith.extui %sign3A_262 : i1 to i32
    %sign3A_264 = arith.subi %sign3A_260, %sign3A_263 : i32
    %ne3A_265 = arith.cmpi ne, %sign3A_257, %sign3A_264 : i32
    %rem3A_266 = arith.remsi %add3A_248, %jit3A_249 : i32
    %ne3A_267 = arith.constant 0 : i32
    %ne3A_268 = arith.cmpi ne, %rem3A_266, %ne3A_267 : i32
    %and3A_269 = arith.andi %ne3A_265, %ne3A_268 : i1
    %sub3A_270 = arith.constant 1 : i32
    %sub3A_271 = arith.subi %div3A_250, %sub3A_270 : i32
    %select_n3A_272 = arith.select %and3A_269, %sub3A_271, %div3A_250 : i32
    %mul3A_273 = arith.constant 4096 : i32
    %mul3A_274 = arith.muli %select_n3A_272, %mul3A_273 : i32
    %iota3A_275 = tpu.iota {dimensions = array<i32: 0>} : vector<16xi32>
    %eq3A_276 = arith.constant 1 : i32
    %eq3A_277 = vector.broadcast %eq3A_276 : i32 to vector<16xi32>
    %eq3A_278 = arith.cmpi eq, %iota3A_275, %eq3A_277 : vector<16xi32>
    %jit3A_279 = arith.constant 0 : i32
    %broadcast_in_dim3A_280 = vector.broadcast %jit3A_279 : i32 to vector<16xi32>
    %select_n3A_281 = arith.select %eq3A_278, %add3A_229, %broadcast_in_dim3A_280 : vector<16xi1>, vector<16xi32>
    %reduce_sum3A_282 = arith.constant true
    %reduce_sum3A_283 = vector.broadcast %reduce_sum3A_282 : i1 to vector<16xi1>
    %reduce_sum3A_284 = tpu.scan <sum>, %select_n3A_281 masked %reduce_sum3A_283 : vector<16xi32>, vector<16xi1> -> vector<16xi32>
    %reduce_sum3A_285 = vector.extract %reduce_sum3A_284[15] : i32 from vector<16xi32>
    %add3A_286 = arith.addi %mul3A_274, %reduce_sum3A_285 : i32
    %add3A_287 = arith.constant 4095 : i32
    %add3A_288 = arith.addi %add3A_286, %add3A_287 : i32
    %jit3A_289 = arith.constant 4096 : i32
    %div3A_290 = arith.divsi %add3A_288, %jit3A_289 : i32
    %sign3A_291 = arith.constant 0 : i32
    %sign3A_292 = arith.cmpi sgt, %add3A_288, %sign3A_291 : i32
    %sign3A_293 = arith.extui %sign3A_292 : i1 to i32
    %sign3A_294 = arith.constant 0 : i32
    %sign3A_295 = arith.cmpi slt, %add3A_288, %sign3A_294 : i32
    %sign3A_296 = arith.extui %sign3A_295 : i1 to i32
    %sign3A_297 = arith.subi %sign3A_293, %sign3A_296 : i32
    %sign3A_298 = arith.constant 0 : i32
    %sign3A_299 = arith.cmpi sgt, %jit3A_289, %sign3A_298 : i32
    %sign3A_300 = arith.extui %sign3A_299 : i1 to i32
    %sign3A_301 = arith.constant 0 : i32
    %sign3A_302 = arith.cmpi slt, %jit3A_289, %sign3A_301 : i32
    %sign3A_303 = arith.extui %sign3A_302 : i1 to i32
    %sign3A_304 = arith.subi %sign3A_300, %sign3A_303 : i32
    %ne3A_305 = arith.cmpi ne, %sign3A_297, %sign3A_304 : i32
    %rem3A_306 = arith.remsi %add3A_288, %jit3A_289 : i32
    %ne3A_307 = arith.constant 0 : i32
    %ne3A_308 = arith.cmpi ne, %rem3A_306, %ne3A_307 : i32
    %and3A_309 = arith.andi %ne3A_305, %ne3A_308 : i1
    %sub3A_310 = arith.constant 1 : i32
    %sub3A_311 = arith.subi %div3A_290, %sub3A_310 : i32
    %select_n3A_312 = arith.select %and3A_309, %sub3A_311, %div3A_290 : i32
    %mul3A_313 = arith.constant 4096 : i32
    %mul3A_314 = arith.muli %select_n3A_312, %mul3A_313 : i32
    %iota3A_315 = tpu.iota {dimensions = array<i32: 0>} : vector<16xi32>
    %eq3A_316 = arith.constant 2 : i32
    %eq3A_317 = vector.broadcast %eq3A_316 : i32 to vector<16xi32>
    %eq3A_318 = arith.cmpi eq, %iota3A_315, %eq3A_317 : vector<16xi32>
    %jit3A_319 = arith.constant 0 : i32
    %broadcast_in_dim3A_320 = vector.broadcast %jit3A_319 : i32 to vector<16xi32>
    %select_n3A_321 = arith.select %eq3A_318, %add3A_229, %broadcast_in_dim3A_320 : vector<16xi1>, vector<16xi32>
    %reduce_sum3A_322 = arith.constant true
    %reduce_sum3A_323 = vector.broadcast %reduce_sum3A_322 : i1 to vector<16xi1>
    %reduce_sum3A_324 = tpu.scan <sum>, %select_n3A_321 masked %reduce_sum3A_323 : vector<16xi32>, vector<16xi1> -> vector<16xi32>
    %reduce_sum3A_325 = vector.extract %reduce_sum3A_324[15] : i32 from vector<16xi32>
    %add3A_326 = arith.addi %mul3A_314, %reduce_sum3A_325 : i32
    %add3A_327 = arith.constant 4095 : i32
    %add3A_328 = arith.addi %add3A_326, %add3A_327 : i32
    %jit3A_329 = arith.constant 4096 : i32
    %div3A_330 = arith.divsi %add3A_328, %jit3A_329 : i32
    %sign3A_331 = arith.constant 0 : i32
    %sign3A_332 = arith.cmpi sgt, %add3A_328, %sign3A_331 : i32
    %sign3A_333 = arith.extui %sign3A_332 : i1 to i32
    %sign3A_334 = arith.constant 0 : i32
    %sign3A_335 = arith.cmpi slt, %add3A_328, %sign3A_334 : i32
    %sign3A_336 = arith.extui %sign3A_335 : i1 to i32
    %sign3A_337 = arith.subi %sign3A_333, %sign3A_336 : i32
    %sign3A_338 = arith.constant 0 : i32
    %sign3A_339 = arith.cmpi sgt, %jit3A_329, %sign3A_338 : i32
    %sign3A_340 = arith.extui %sign3A_339 : i1 to i32
    %sign3A_341 = arith.constant 0 : i32
    %sign3A_342 = arith.cmpi slt, %jit3A_329, %sign3A_341 : i32
    %sign3A_343 = arith.extui %sign3A_342 : i1 to i32
    %sign3A_344 = arith.subi %sign3A_340, %sign3A_343 : i32
    %ne3A_345 = arith.cmpi ne, %sign3A_337, %sign3A_344 : i32
    %rem3A_346 = arith.remsi %add3A_328, %jit3A_329 : i32
    %ne3A_347 = arith.constant 0 : i32
    %ne3A_348 = arith.cmpi ne, %rem3A_346, %ne3A_347 : i32
    %and3A_349 = arith.andi %ne3A_345, %ne3A_348 : i1
    %sub3A_350 = arith.constant 1 : i32
    %sub3A_351 = arith.subi %div3A_330, %sub3A_350 : i32
    %select_n3A_352 = arith.select %and3A_349, %sub3A_351, %div3A_330 : i32
    %mul3A_353 = arith.constant 4096 : i32
    %mul3A_354 = arith.muli %select_n3A_352, %mul3A_353 : i32
    %iota3A_355 = tpu.iota {dimensions = array<i32: 0>} : vector<16xi32>
    %eq3A_356 = arith.constant 3 : i32
    %eq3A_357 = vector.broadcast %eq3A_356 : i32 to vector<16xi32>
    %eq3A_358 = arith.cmpi eq, %iota3A_355, %eq3A_357 : vector<16xi32>
    %jit3A_359 = arith.constant 0 : i32
    %broadcast_in_dim3A_360 = vector.broadcast %jit3A_359 : i32 to vector<16xi32>
    %select_n3A_361 = arith.select %eq3A_358, %add3A_229, %broadcast_in_dim3A_360 : vector<16xi1>, vector<16xi32>
    %reduce_sum3A_362 = arith.constant true
    %reduce_sum3A_363 = vector.broadcast %reduce_sum3A_362 : i1 to vector<16xi1>
    %reduce_sum3A_364 = tpu.scan <sum>, %select_n3A_361 masked %reduce_sum3A_363 : vector<16xi32>, vector<16xi1> -> vector<16xi32>
    %reduce_sum3A_365 = vector.extract %reduce_sum3A_364[15] : i32 from vector<16xi32>
    %add3A_366 = arith.addi %mul3A_354, %reduce_sum3A_365 : i32
    %add3A_367 = arith.constant 4095 : i32
    %add3A_368 = arith.addi %add3A_366, %add3A_367 : i32
    %jit3A_369 = arith.constant 4096 : i32
    %div3A_370 = arith.divsi %add3A_368, %jit3A_369 : i32
    %sign3A_371 = arith.constant 0 : i32
    %sign3A_372 = arith.cmpi sgt, %add3A_368, %sign3A_371 : i32
    %sign3A_373 = arith.extui %sign3A_372 : i1 to i32
    %sign3A_374 = arith.constant 0 : i32
    %sign3A_375 = arith.cmpi slt, %add3A_368, %sign3A_374 : i32
    %sign3A_376 = arith.extui %sign3A_375 : i1 to i32
    %sign3A_377 = arith.subi %sign3A_373, %sign3A_376 : i32
    %sign3A_378 = arith.constant 0 : i32
    %sign3A_379 = arith.cmpi sgt, %jit3A_369, %sign3A_378 : i32
    %sign3A_380 = arith.extui %sign3A_379 : i1 to i32
    %sign3A_381 = arith.constant 0 : i32
    %sign3A_382 = arith.cmpi slt, %jit3A_369, %sign3A_381 : i32
    %sign3A_383 = arith.extui %sign3A_382 : i1 to i32
    %sign3A_384 = arith.subi %sign3A_380, %sign3A_383 : i32
    %ne3A_385 = arith.cmpi ne, %sign3A_377, %sign3A_384 : i32
    %rem3A_386 = arith.remsi %add3A_368, %jit3A_369 : i32
    %ne3A_387 = arith.constant 0 : i32
    %ne3A_388 = arith.cmpi ne, %rem3A_386, %ne3A_387 : i32
    %and3A_389 = arith.andi %ne3A_385, %ne3A_388 : i1
    %sub3A_390 = arith.constant 1 : i32
    %sub3A_391 = arith.subi %div3A_370, %sub3A_390 : i32
    %select_n3A_392 = arith.select %and3A_389, %sub3A_391, %div3A_370 : i32
    %mul3A_393 = arith.constant 4096 : i32
    %mul3A_394 = arith.muli %select_n3A_392, %mul3A_393 : i32
    %iota3A_395 = tpu.iota {dimensions = array<i32: 0>} : vector<16xi32>
    %eq3A_396 = arith.constant 0 : i32
    %eq3A_397 = vector.broadcast %eq3A_396 : i32 to vector<16xi32>
    %eq3A_398 = arith.cmpi eq, %iota3A_395, %eq3A_397 : vector<16xi32>
    %jit3A_399 = arith.constant 0 : i32
    %broadcast_in_dim3A_400 = vector.broadcast %jit3A_399 : i32 to vector<16xi32>
    %select_n3A_401 = arith.select %eq3A_398, %select_n3A_48, %broadcast_in_dim3A_400 : vector<16xi1>, vector<16xi32>
    %reduce_sum3A_402 = arith.constant true
    %reduce_sum3A_403 = vector.broadcast %reduce_sum3A_402 : i1 to vector<16xi1>
    %reduce_sum3A_404 = tpu.scan <sum>, %select_n3A_401 masked %reduce_sum3A_403 : vector<16xi32>, vector<16xi1> -> vector<16xi32>
    %reduce_sum3A_405 = vector.extract %reduce_sum3A_404[15] : i32 from vector<16xi32>
    %add3A_406 = arith.constant 0 : i32
    %add3A_407 = arith.addi %add3A_406, %reduce_sum3A_405 : i32
    %iota3A_408 = tpu.iota {dimensions = array<i32: 0>} : vector<16xi32>
    %eq3A_409 = arith.constant 1 : i32
    %eq3A_410 = vector.broadcast %eq3A_409 : i32 to vector<16xi32>
    %eq3A_411 = arith.cmpi eq, %iota3A_408, %eq3A_410 : vector<16xi32>
    %jit3A_412 = arith.constant 0 : i32
    %broadcast_in_dim3A_413 = vector.broadcast %jit3A_412 : i32 to vector<16xi32>
    %select_n3A_414 = arith.select %eq3A_411, %select_n3A_48, %broadcast_in_dim3A_413 : vector<16xi1>, vector<16xi32>
    %reduce_sum3A_415 = arith.constant true
    %reduce_sum3A_416 = vector.broadcast %reduce_sum3A_415 : i1 to vector<16xi1>
    %reduce_sum3A_417 = tpu.scan <sum>, %select_n3A_414 masked %reduce_sum3A_416 : vector<16xi32>, vector<16xi1> -> vector<16xi32>
    %reduce_sum3A_418 = vector.extract %reduce_sum3A_417[15] : i32 from vector<16xi32>
    %add3A_419 = arith.addi %add3A_407, %reduce_sum3A_418 : i32
    %iota3A_420 = tpu.iota {dimensions = array<i32: 0>} : vector<16xi32>
    %eq3A_421 = arith.constant 2 : i32
    %eq3A_422 = vector.broadcast %eq3A_421 : i32 to vector<16xi32>
    %eq3A_423 = arith.cmpi eq, %iota3A_420, %eq3A_422 : vector<16xi32>
    %jit3A_424 = arith.constant 0 : i32
    %broadcast_in_dim3A_425 = vector.broadcast %jit3A_424 : i32 to vector<16xi32>
    %select_n3A_426 = arith.select %eq3A_423, %select_n3A_48, %broadcast_in_dim3A_425 : vector<16xi1>, vector<16xi32>
    %reduce_sum3A_427 = arith.constant true
    %reduce_sum3A_428 = vector.broadcast %reduce_sum3A_427 : i1 to vector<16xi1>
    %reduce_sum3A_429 = tpu.scan <sum>, %select_n3A_426 masked %reduce_sum3A_428 : vector<16xi32>, vector<16xi1> -> vector<16xi32>
    %reduce_sum3A_430 = vector.extract %reduce_sum3A_429[15] : i32 from vector<16xi32>
    %add3A_431 = arith.addi %add3A_419, %reduce_sum3A_430 : i32
    %iota3A_432 = tpu.iota {dimensions = array<i32: 0>} : vector<16xi32>
    %eq3A_433 = arith.constant 3 : i32
    %eq3A_434 = vector.broadcast %eq3A_433 : i32 to vector<16xi32>
    %eq3A_435 = arith.cmpi eq, %iota3A_432, %eq3A_434 : vector<16xi32>
    %jit3A_436 = arith.constant 0 : i32
    %broadcast_in_dim3A_437 = vector.broadcast %jit3A_436 : i32 to vector<16xi32>
    %select_n3A_438 = arith.select %eq3A_435, %select_n3A_48, %broadcast_in_dim3A_437 : vector<16xi1>, vector<16xi32>
    %reduce_sum3A_439 = arith.constant true
    %reduce_sum3A_440 = vector.broadcast %reduce_sum3A_439 : i1 to vector<16xi1>
    %reduce_sum3A_441 = tpu.scan <sum>, %select_n3A_438 masked %reduce_sum3A_440 : vector<16xi32>, vector<16xi1> -> vector<16xi32>
    %reduce_sum3A_442 = vector.extract %reduce_sum3A_441[15] : i32 from vector<16xi32>
    %add3A_443 = arith.addi %add3A_431, %reduce_sum3A_442 : i32
    %mul3A_444 = arith.constant 102400 : i32
    %mul3A_445 = arith.muli %arg0, %mul3A_444 : i32
    %add3A_446 = arith.constant 0 : i32
    %add3A_447 = arith.addi %mul3A_445, %add3A_446 : i32
    %iota3A_448 = tpu.iota {dimensions = array<i32: 0>} : vector<16xi32>
    %eq3A_449 = arith.constant 0 : i32
    %eq3A_450 = vector.broadcast %eq3A_449 : i32 to vector<16xi32>
    %eq3A_451 = arith.cmpi eq, %iota3A_448, %eq3A_450 : vector<16xi32>
    %jit3A_452 = arith.constant 0 : i32
    %broadcast_in_dim3A_453 = vector.broadcast %jit3A_452 : i32 to vector<16xi32>
    %select_n3A_454 = arith.select %eq3A_451, %add3A_235, %broadcast_in_dim3A_453 : vector<16xi1>, vector<16xi32>
    %reduce_sum3A_455 = arith.constant true
    %reduce_sum3A_456 = vector.broadcast %reduce_sum3A_455 : i1 to vector<16xi1>
    %reduce_sum3A_457 = tpu.scan <sum>, %select_n3A_454 masked %reduce_sum3A_456 : vector<16xi32>, vector<16xi1> -> vector<16xi32>
    %reduce_sum3A_458 = vector.extract %reduce_sum3A_457[15] : i32 from vector<16xi32>
    %add3A_459 = arith.addi %add3A_447, %reduce_sum3A_458 : i32
    %mul3A_460 = arith.constant 102400 : i32
    %mul3A_461 = arith.muli %arg0, %mul3A_460 : i32
    %add3A_462 = arith.addi %mul3A_461, %mul3A_274 : i32
    %iota3A_463 = tpu.iota {dimensions = array<i32: 0>} : vector<16xi32>
    %eq3A_464 = arith.constant 1 : i32
    %eq3A_465 = vector.broadcast %eq3A_464 : i32 to vector<16xi32>
    %eq3A_466 = arith.cmpi eq, %iota3A_463, %eq3A_465 : vector<16xi32>
    %jit3A_467 = arith.constant 0 : i32
    %broadcast_in_dim3A_468 = vector.broadcast %jit3A_467 : i32 to vector<16xi32>
    %select_n3A_469 = arith.select %eq3A_466, %add3A_235, %broadcast_in_dim3A_468 : vector<16xi1>, vector<16xi32>
    %reduce_sum3A_470 = arith.constant true
    %reduce_sum3A_471 = vector.broadcast %reduce_sum3A_470 : i1 to vector<16xi1>
    %reduce_sum3A_472 = tpu.scan <sum>, %select_n3A_469 masked %reduce_sum3A_471 : vector<16xi32>, vector<16xi1> -> vector<16xi32>
    %reduce_sum3A_473 = vector.extract %reduce_sum3A_472[15] : i32 from vector<16xi32>
    %add3A_474 = arith.addi %add3A_462, %reduce_sum3A_473 : i32
    %mul3A_475 = arith.constant 102400 : i32
    %mul3A_476 = arith.muli %arg0, %mul3A_475 : i32
    %add3A_477 = arith.addi %mul3A_476, %mul3A_314 : i32
    %iota3A_478 = tpu.iota {dimensions = array<i32: 0>} : vector<16xi32>
    %eq3A_479 = arith.constant 2 : i32
    %eq3A_480 = vector.broadcast %eq3A_479 : i32 to vector<16xi32>
    %eq3A_481 = arith.cmpi eq, %iota3A_478, %eq3A_480 : vector<16xi32>
    %jit3A_482 = arith.constant 0 : i32
    %broadcast_in_dim3A_483 = vector.broadcast %jit3A_482 : i32 to vector<16xi32>
    %select_n3A_484 = arith.select %eq3A_481, %add3A_235, %broadcast_in_dim3A_483 : vector<16xi1>, vector<16xi32>
    %reduce_sum3A_485 = arith.constant true
    %reduce_sum3A_486 = vector.broadcast %reduce_sum3A_485 : i1 to vector<16xi1>
    %reduce_sum3A_487 = tpu.scan <sum>, %select_n3A_484 masked %reduce_sum3A_486 : vector<16xi32>, vector<16xi1> -> vector<16xi32>
    %reduce_sum3A_488 = vector.extract %reduce_sum3A_487[15] : i32 from vector<16xi32>
    %add3A_489 = arith.addi %add3A_477, %reduce_sum3A_488 : i32
    %mul3A_490 = arith.constant 102400 : i32
    %mul3A_491 = arith.muli %arg0, %mul3A_490 : i32
    %add3A_492 = arith.addi %mul3A_491, %mul3A_354 : i32
    %iota3A_493 = tpu.iota {dimensions = array<i32: 0>} : vector<16xi32>
    %eq3A_494 = arith.constant 3 : i32
    %eq3A_495 = vector.broadcast %eq3A_494 : i32 to vector<16xi32>
    %eq3A_496 = arith.cmpi eq, %iota3A_493, %eq3A_495 : vector<16xi32>
    %jit3A_497 = arith.constant 0 : i32
    %broadcast_in_dim3A_498 = vector.broadcast %jit3A_497 : i32 to vector<16xi32>
    %select_n3A_499 = arith.select %eq3A_496, %add3A_235, %broadcast_in_dim3A_498 : vector<16xi1>, vector<16xi32>
    %reduce_sum3A_500 = arith.constant true
    %reduce_sum3A_501 = vector.broadcast %reduce_sum3A_500 : i1 to vector<16xi1>
    %reduce_sum3A_502 = tpu.scan <sum>, %select_n3A_499 masked %reduce_sum3A_501 : vector<16xi32>, vector<16xi1> -> vector<16xi32>
    %reduce_sum3A_503 = vector.extract %reduce_sum3A_502[15] : i32 from vector<16xi32>
    %add3A_504 = arith.addi %add3A_492, %reduce_sum3A_503 : i32
    %eq3A_505 = arith.constant 0 : i32
    %eq3A_506 = arith.cmpi eq, %arg1, %eq3A_505 : i32
    %convert_element_type3A = arith.extui %eq3A_506 : i1 to i32
    %cond3A = arith.constant 0 : i32
    %cond3A_507 = arith.cmpi ne, %convert_element_type3A, %cond3A : i32
    scf.if %cond3A_507 {
      %eq3A_655 = arith.constant 0 : i32
      %eq3A_656 = vector.broadcast %eq3A_655 : i32 to vector<16xi32>
      %eq3A_657 = arith.cmpi eq, %iota3A, %eq3A_656 : vector<16xi32>
      %jit3A_658 = arith.constant 0 : i32
      %broadcast_in_dim3A_659 = vector.broadcast %mul3A_274 : i32 to vector<16xi32>
      %broadcast_in_dim3A_660 = vector.broadcast %jit3A_658 : i32 to vector<16xi32>
      %select_n3A_661 = arith.select %eq3A_657, %broadcast_in_dim3A_659, %broadcast_in_dim3A_660 : vector<16xi1>, vector<16xi32>
      %eq3A_662 = arith.constant 1 : i32
      %eq3A_663 = vector.broadcast %eq3A_662 : i32 to vector<16xi32>
      %eq3A_664 = arith.cmpi eq, %iota3A, %eq3A_663 : vector<16xi32>
      %jit3A_665 = arith.constant 0 : i32
      %broadcast_in_dim3A_666 = vector.broadcast %mul3A_314 : i32 to vector<16xi32>
      %broadcast_in_dim3A_667 = vector.broadcast %jit3A_665 : i32 to vector<16xi32>
      %select_n3A_668 = arith.select %eq3A_664, %broadcast_in_dim3A_666, %broadcast_in_dim3A_667 : vector<16xi1>, vector<16xi32>
      %add3A_669 = arith.addi %select_n3A_661, %select_n3A_668 : vector<16xi32>
      %eq3A_670 = arith.constant 2 : i32
      %eq3A_671 = vector.broadcast %eq3A_670 : i32 to vector<16xi32>
      %eq3A_672 = arith.cmpi eq, %iota3A, %eq3A_671 : vector<16xi32>
      %jit3A_673 = arith.constant 0 : i32
      %broadcast_in_dim3A_674 = vector.broadcast %mul3A_354 : i32 to vector<16xi32>
      %broadcast_in_dim3A_675 = vector.broadcast %jit3A_673 : i32 to vector<16xi32>
      %select_n3A_676 = arith.select %eq3A_672, %broadcast_in_dim3A_674, %broadcast_in_dim3A_675 : vector<16xi1>, vector<16xi32>
      %add3A_677 = arith.addi %add3A_669, %select_n3A_676 : vector<16xi32>
      %swap3A_678 = arith.constant 0 : index
      %swap3A_679 = tpu.vector_load %arg18[%swap3A_678] {strides = array<i32>} : memref<16xi32, #tpu.memory_space<vmem>>, vector<16xi32>,
      tpu.vector_store %arg18[%swap3A_678], %add3A_677 {strides = array<i32>} : memref<16xi32, #tpu.memory_space<vmem>>, vector<16xi32>,
      "tpu.region"() ({
        %run_scoped3A = tpu.sem_alloc : memref<!tpu.dma_semaphore, #tpu.memory_space<semaphore_mem>>
        %dma_start3A = arith.constant 0 : i32
        %dma_start3A_680 = tpu.memref_slice %arg9[%arg0, %dma_start3A] : memref<2x16xi32, #tpu.memory_space<hbm>> -> memref<1x16xi32, #tpu.memory_space<hbm>>
        %dma_start3A_681 = tpu.memref_squeeze %dma_start3A_680 : memref<1x16xi32, #tpu.memory_space<hbm>> -> memref<16xi32, #tpu.memory_space<hbm>>
        %dma_start3A_682 = arith.constant 0 : i32
        %dma_start3A_683 = tpu.memref_slice %arg9[%arg0, %dma_start3A_682] : memref<2x16xi32, #tpu.memory_space<hbm>> -> memref<1x16xi32, #tpu.memory_space<hbm>>
        %dma_start3A_684 = tpu.memref_squeeze %dma_start3A_683 : memref<1x16xi32, #tpu.memory_space<hbm>> -> memref<16xi32, #tpu.memory_space<hbm>>
        tpu.enqueue_dma source(%arg18 : memref<16xi32, #tpu.memory_space<vmem>>) target(%dma_start3A_684 : memref<16xi32, #tpu.memory_space<hbm>>) target_semaphore(%run_scoped3A : memref<!tpu.dma_semaphore, #tpu.memory_space<semaphore_mem>>)
        %dma_wait3A = arith.constant 0 : i32
        %dma_wait3A_685 = tpu.memref_slice %arg9[%arg0, %dma_wait3A] : memref<2x16xi32, #tpu.memory_space<hbm>> -> memref<1x16xi32, #tpu.memory_space<hbm>>
        %dma_wait3A_686 = tpu.memref_squeeze %dma_wait3A_685 : memref<1x16xi32, #tpu.memory_space<hbm>> -> memref<16xi32, #tpu.memory_space<hbm>>
        %dma_wait3A_687 = arith.constant 0 : i32
        %dma_wait3A_688 = tpu.memref_slice %arg9[%arg0, %dma_wait3A_687] : memref<2x16xi32, #tpu.memory_space<hbm>> -> memref<1x16xi32, #tpu.memory_space<hbm>>
        %dma_wait3A_689 = tpu.memref_squeeze %dma_wait3A_688 : memref<1x16xi32, #tpu.memory_space<hbm>> -> memref<16xi32, #tpu.memory_space<hbm>>
        tpu.wait_dma2 semaphore(%run_scoped3A : memref<!tpu.dma_semaphore, #tpu.memory_space<semaphore_mem>>) src(%arg18 : memref<16xi32, #tpu.memory_space<vmem>>) dst(%dma_wait3A_689 : memref<16xi32, #tpu.memory_space<hbm>>)
        tpu.yield
      }) : () -> ()
    } else {
    }
    %broadcast_in_dim3A_508 = arith.constant 0 : i32
    %broadcast_in_dim3A_509 = vector.broadcast %broadcast_in_dim3A_508 : i32 to vector<16xi32>
    %add3A_510 = arith.constant 0 : i32
    %add3A_511 = vector.broadcast %add3A_510 : i32 to vector<16xi32>
    %add3A_512 = arith.addi %broadcast_in_dim3A_509, %add3A_511 : vector<16xi32>
    %broadcast_in_dim3A_513 = arith.constant 0 : i32
    %broadcast_in_dim3A_514 = vector.broadcast %broadcast_in_dim3A_513 : i32 to vector<16xi32>
    %add3A_515 = vector.broadcast %add3A_407 : i32 to vector<16xi32>
    %add3A_516 = arith.addi %broadcast_in_dim3A_514, %add3A_515 : vector<16xi32>
    %broadcast_in_dim3A_517 = arith.constant 0 : i32
    %broadcast_in_dim3A_518 = vector.broadcast %broadcast_in_dim3A_517 : i32 to vector<16xi32>
    %add3A_519 = vector.broadcast %add3A_419 : i32 to vector<16xi32>
    %add3A_520 = arith.addi %broadcast_in_dim3A_518, %add3A_519 : vector<16xi32>
    %broadcast_in_dim3A_521 = arith.constant 0 : i32
    %broadcast_in_dim3A_522 = vector.broadcast %broadcast_in_dim3A_521 : i32 to vector<16xi32>
    %add3A_523 = vector.broadcast %add3A_431 : i32 to vector<16xi32>
    %add3A_524 = arith.addi %broadcast_in_dim3A_522, %add3A_523 : vector<16xi32>
    %scan3A_525 = arith.constant 0 : i32
    %scan3A_526 = arith.constant 0 : i32
    %scan3A_527 = arith.constant 320 : i32
    %scan3A_528 = arith.addi %scan3A_526, %scan3A_527 : i32
    %scan3A_529 = arith.constant 1 : i32
    %scan3A_530:4 = scf.for %scan3A_655 = %scan3A_526 to %scan3A_528 step %scan3A_529 iter_args(%scan3A_656 = %add3A_512, %scan3A_657 = %add3A_516, %scan3A_658 = %add3A_520, %scan3A_659 = %add3A_524) -> (vector<16xi32>, vector<16xi32>, vector<16xi32>, vector<16xi32>)  : i32 {
      %mul3A_660 = arith.constant 16 : i32
      %mul3A_661 = arith.muli %scan3A_655, %mul3A_660 : i32
      %get3A_662 = arith.index_cast %mul3A_661 : i32 to index
      %get3A_663 = tpu.vector_load %arg13[%get3A_662] {strides = array<i32>} : memref<5120xi32, #tpu.memory_space<vmem>>, vector<16xi32>,
      %get3A_664 = arith.index_cast %mul3A_661 : i32 to index
      %get3A_665 = tpu.vector_load %arg11[%get3A_664] {strides = array<i32>} : memref<5120xi32, #tpu.memory_space<vmem>>, vector<16xi32>,
      %get3A_666 = arith.index_cast %mul3A_661 : i32 to index
      %get3A_667 = tpu.vector_load %arg12[%get3A_666] {strides = array<i32>} : memref<5120xi32, #tpu.memory_space<vmem>>, vector<16xi32>,
      %broadcast_in_dim3A_668 = arith.constant 0 : i32
      %broadcast_in_dim3A_669 = vector.broadcast %broadcast_in_dim3A_668 : i32 to vector<16xi32>
      %eq3A_670 = arith.constant 0 : i32
      %eq3A_671 = vector.broadcast %eq3A_670 : i32 to vector<16xi32>
      %eq3A_672 = arith.cmpi eq, %get3A_663, %eq3A_671 : vector<16xi32>
      %jit3A_673 = arith.constant 1 : i32
      %jit3A_674 = arith.constant 0 : i32
      %broadcast_in_dim3A_675 = vector.broadcast %jit3A_673 : i32 to vector<16xi32>
      %broadcast_in_dim3A_676 = vector.broadcast %jit3A_674 : i32 to vector<16xi32>
      %select_n3A_677 = arith.select %eq3A_672, %broadcast_in_dim3A_675, %broadcast_in_dim3A_676 : vector<16xi1>, vector<16xi32>
      %broadcast_in_dim3A_678 = arith.constant true
      %broadcast_in_dim3A_679 = vector.broadcast %broadcast_in_dim3A_678 : i1 to vector<16xi1>
      %masked_cumsum3A = tpu.scan <sum>, %select_n3A_677 masked %broadcast_in_dim3A_679 : vector<16xi32>, vector<16xi1> -> vector<16xi32>
      %add3A_680 = arith.addi %scan3A_656, %masked_cumsum3A : vector<16xi32>
      %sub3A_681 = arith.constant 1 : i32
      %sub3A_682 = vector.broadcast %sub3A_681 : i32 to vector<16xi32>
      %sub3A_683 = arith.subi %add3A_680, %sub3A_682 : vector<16xi32>
      tpu.vector_store_idx %arg14[%sub3A_683], %get3A_665 masked %eq3A_672 : memref<5632xi32, #tpu.memory_space<vmem>>[vector<16xi32>], vector<16xi32>, vector<16xi1>
      tpu.vector_store_idx %arg15[%sub3A_683], %get3A_667 masked %eq3A_672 : memref<5632xi32, #tpu.memory_space<vmem>>[vector<16xi32>], vector<16xi32>, vector<16xi1>
      %sub3A_684 = vector.broadcast %scan3A_525 : i32 to vector<16xi32>
      %sub3A_685 = arith.subi %sub3A_683, %sub3A_684 : vector<16xi32>
      %add3A_686 = vector.broadcast %add3A_459 : i32 to vector<16xi32>
      %add3A_687 = arith.addi %sub3A_685, %add3A_686 : vector<16xi32>
      %select_n3A_688 = arith.select %eq3A_672, %add3A_687, %broadcast_in_dim3A_669 : vector<16xi1>, vector<16xi32>
      %all_reduce_population_count3A = tpu.all_reduce %eq3A_672 {dim = 0 : i64, kind = #tpu.reduction_kind<sum>} : vector<16xi1> -> vector<16xi32>
      %add3A_689 = arith.addi %scan3A_656, %all_reduce_population_count3A : vector<16xi32>
      %eq3A_690 = arith.constant 1 : i32
      %eq3A_691 = vector.broadcast %eq3A_690 : i32 to vector<16xi32>
      %eq3A_692 = arith.cmpi eq, %get3A_663, %eq3A_691 : vector<16xi32>
      %jit3A_693 = arith.constant 1 : i32
      %jit3A_694 = arith.constant 0 : i32
      %broadcast_in_dim3A_695 = vector.broadcast %jit3A_693 : i32 to vector<16xi32>
      %broadcast_in_dim3A_696 = vector.broadcast %jit3A_694 : i32 to vector<16xi32>
      %select_n3A_697 = arith.select %eq3A_692, %broadcast_in_dim3A_695, %broadcast_in_dim3A_696 : vector<16xi1>, vector<16xi32>
      %broadcast_in_dim3A_698 = arith.constant true
      %broadcast_in_dim3A_699 = vector.broadcast %broadcast_in_dim3A_698 : i1 to vector<16xi1>
      %masked_cumsum3A_700 = tpu.scan <sum>, %select_n3A_697 masked %broadcast_in_dim3A_699 : vector<16xi32>, vector<16xi1> -> vector<16xi32>
      %add3A_701 = arith.addi %scan3A_657, %masked_cumsum3A_700 : vector<16xi32>
      %sub3A_702 = arith.constant 1 : i32
      %sub3A_703 = vector.broadcast %sub3A_702 : i32 to vector<16xi32>
      %sub3A_704 = arith.subi %add3A_701, %sub3A_703 : vector<16xi32>
      tpu.vector_store_idx %arg14[%sub3A_704], %get3A_665 masked %eq3A_692 : memref<5632xi32, #tpu.memory_space<vmem>>[vector<16xi32>], vector<16xi32>, vector<16xi1>
      tpu.vector_store_idx %arg15[%sub3A_704], %get3A_667 masked %eq3A_692 : memref<5632xi32, #tpu.memory_space<vmem>>[vector<16xi32>], vector<16xi32>, vector<16xi1>
      %sub3A_705 = vector.broadcast %add3A_407 : i32 to vector<16xi32>
      %sub3A_706 = arith.subi %sub3A_704, %sub3A_705 : vector<16xi32>
      %add3A_707 = vector.broadcast %add3A_474 : i32 to vector<16xi32>
      %add3A_708 = arith.addi %sub3A_706, %add3A_707 : vector<16xi32>
      %select_n3A_709 = arith.select %eq3A_692, %add3A_708, %select_n3A_688 : vector<16xi1>, vector<16xi32>
      %all_reduce_population_count3A_710 = tpu.all_reduce %eq3A_692 {dim = 0 : i64, kind = #tpu.reduction_kind<sum>} : vector<16xi1> -> vector<16xi32>
      %add3A_711 = arith.addi %scan3A_657, %all_reduce_population_count3A_710 : vector<16xi32>
      %eq3A_712 = arith.constant 2 : i32
      %eq3A_713 = vector.broadcast %eq3A_712 : i32 to vector<16xi32>
      %eq3A_714 = arith.cmpi eq, %get3A_663, %eq3A_713 : vector<16xi32>
      %jit3A_715 = arith.constant 1 : i32
      %jit3A_716 = arith.constant 0 : i32
      %broadcast_in_dim3A_717 = vector.broadcast %jit3A_715 : i32 to vector<16xi32>
      %broadcast_in_dim3A_718 = vector.broadcast %jit3A_716 : i32 to vector<16xi32>
      %select_n3A_719 = arith.select %eq3A_714, %broadcast_in_dim3A_717, %broadcast_in_dim3A_718 : vector<16xi1>, vector<16xi32>
      %broadcast_in_dim3A_720 = arith.constant true
      %broadcast_in_dim3A_721 = vector.broadcast %broadcast_in_dim3A_720 : i1 to vector<16xi1>
      %masked_cumsum3A_722 = tpu.scan <sum>, %select_n3A_719 masked %broadcast_in_dim3A_721 : vector<16xi32>, vector<16xi1> -> vector<16xi32>
      %add3A_723 = arith.addi %scan3A_658, %masked_cumsum3A_722 : vector<16xi32>
      %sub3A_724 = arith.constant 1 : i32
      %sub3A_725 = vector.broadcast %sub3A_724 : i32 to vector<16xi32>
      %sub3A_726 = arith.subi %add3A_723, %sub3A_725 : vector<16xi32>
      tpu.vector_store_idx %arg14[%sub3A_726], %get3A_665 masked %eq3A_714 : memref<5632xi32, #tpu.memory_space<vmem>>[vector<16xi32>], vector<16xi32>, vector<16xi1>
      tpu.vector_store_idx %arg15[%sub3A_726], %get3A_667 masked %eq3A_714 : memref<5632xi32, #tpu.memory_space<vmem>>[vector<16xi32>], vector<16xi32>, vector<16xi1>
      %sub3A_727 = vector.broadcast %add3A_419 : i32 to vector<16xi32>
      %sub3A_728 = arith.subi %sub3A_726, %sub3A_727 : vector<16xi32>
      %add3A_729 = vector.broadcast %add3A_489 : i32 to vector<16xi32>
      %add3A_730 = arith.addi %sub3A_728, %add3A_729 : vector<16xi32>
      %select_n3A_731 = arith.select %eq3A_714, %add3A_730, %select_n3A_709 : vector<16xi1>, vector<16xi32>
      %all_reduce_population_count3A_732 = tpu.all_reduce %eq3A_714 {dim = 0 : i64, kind = #tpu.reduction_kind<sum>} : vector<16xi1> -> vector<16xi32>
      %add3A_733 = arith.addi %scan3A_658, %all_reduce_population_count3A_732 : vector<16xi32>
      %eq3A_734 = arith.constant 3 : i32
      %eq3A_735 = vector.broadcast %eq3A_734 : i32 to vector<16xi32>
      %eq3A_736 = arith.cmpi eq, %get3A_663, %eq3A_735 : vector<16xi32>
      %jit3A_737 = arith.constant 1 : i32
      %jit3A_738 = arith.constant 0 : i32
      %broadcast_in_dim3A_739 = vector.broadcast %jit3A_737 : i32 to vector<16xi32>
      %broadcast_in_dim3A_740 = vector.broadcast %jit3A_738 : i32 to vector<16xi32>
      %select_n3A_741 = arith.select %eq3A_736, %broadcast_in_dim3A_739, %broadcast_in_dim3A_740 : vector<16xi1>, vector<16xi32>
      %broadcast_in_dim3A_742 = arith.constant true
      %broadcast_in_dim3A_743 = vector.broadcast %broadcast_in_dim3A_742 : i1 to vector<16xi1>
      %masked_cumsum3A_744 = tpu.scan <sum>, %select_n3A_741 masked %broadcast_in_dim3A_743 : vector<16xi32>, vector<16xi1> -> vector<16xi32>
      %add3A_745 = arith.addi %scan3A_659, %masked_cumsum3A_744 : vector<16xi32>
      %sub3A_746 = arith.constant 1 : i32
      %sub3A_747 = vector.broadcast %sub3A_746 : i32 to vector<16xi32>
      %sub3A_748 = arith.subi %add3A_745, %sub3A_747 : vector<16xi32>
      tpu.vector_store_idx %arg14[%sub3A_748], %get3A_665 masked %eq3A_736 : memref<5632xi32, #tpu.memory_space<vmem>>[vector<16xi32>], vector<16xi32>, vector<16xi1>
      tpu.vector_store_idx %arg15[%sub3A_748], %get3A_667 masked %eq3A_736 : memref<5632xi32, #tpu.memory_space<vmem>>[vector<16xi32>], vector<16xi32>, vector<16xi1>
      %sub3A_749 = vector.broadcast %add3A_431 : i32 to vector<16xi32>
      %sub3A_750 = arith.subi %sub3A_748, %sub3A_749 : vector<16xi32>
      %add3A_751 = vector.broadcast %add3A_504 : i32 to vector<16xi32>
      %add3A_752 = arith.addi %sub3A_750, %add3A_751 : vector<16xi32>
      %select_n3A_753 = arith.select %eq3A_736, %add3A_752, %select_n3A_731 : vector<16xi1>, vector<16xi32>
      %all_reduce_population_count3A_754 = tpu.all_reduce %eq3A_736 {dim = 0 : i64, kind = #tpu.reduction_kind<sum>} : vector<16xi1> -> vector<16xi32>
      %add3A_755 = arith.addi %scan3A_659, %all_reduce_population_count3A_754 : vector<16xi32>
      %swap3A_756 = arith.index_cast %mul3A_661 : i32 to index
      %swap3A_757 = tpu.vector_load %arg16[%swap3A_756] {strides = array<i32>} : memref<5120xi32, #tpu.memory_space<vmem>>, vector<16xi32>,
      tpu.vector_store %arg16[%swap3A_756], %select_n3A_753 {strides = array<i32>} : memref<5120xi32, #tpu.memory_space<vmem>>, vector<16xi32>,
      scf.yield %add3A_689, %add3A_711, %add3A_733, %add3A_755 : vector<16xi32>, vector<16xi32>, vector<16xi32>, vector<16xi32>
    }
    %scan3A_531 = arith.constant 320 : i32
    "tpu.region"() ({
      %run_scoped3A = tpu.sem_alloc : memref<!tpu.dma_semaphore, #tpu.memory_space<semaphore_mem>>
      %dma_start3A = tpu.memref_slice %arg8[%mul3A_2] : memref<163840xi32, #tpu.memory_space<hbm>> -> memref<5120xi32, #tpu.memory_space<hbm>>
      %dma_start3A_655 = tpu.memref_slice %arg8[%mul3A_2] : memref<163840xi32, #tpu.memory_space<hbm>> -> memref<5120xi32, #tpu.memory_space<hbm>>
      tpu.enqueue_dma source(%arg16 : memref<5120xi32, #tpu.memory_space<vmem>>) target(%dma_start3A_655 : memref<5120xi32, #tpu.memory_space<hbm>>) target_semaphore(%run_scoped3A : memref<!tpu.dma_semaphore, #tpu.memory_space<semaphore_mem>>)
      %dma_wait3A = tpu.memref_slice %arg8[%mul3A_2] : memref<163840xi32, #tpu.memory_space<hbm>> -> memref<5120xi32, #tpu.memory_space<hbm>>
      %dma_wait3A_656 = tpu.memref_slice %arg8[%mul3A_2] : memref<163840xi32, #tpu.memory_space<hbm>> -> memref<5120xi32, #tpu.memory_space<hbm>>
      tpu.wait_dma2 semaphore(%run_scoped3A : memref<!tpu.dma_semaphore, #tpu.memory_space<semaphore_mem>>) src(%arg16 : memref<5120xi32, #tpu.memory_space<vmem>>) dst(%dma_wait3A_656 : memref<5120xi32, #tpu.memory_space<hbm>>)
      tpu.yield
    }) : () -> ()
    %iota3A_532 = tpu.iota {dimensions = array<i32: 0>} : vector<16xi32>
    %eq3A_533 = arith.constant 0 : i32
    %eq3A_534 = vector.broadcast %eq3A_533 : i32 to vector<16xi32>
    %eq3A_535 = arith.cmpi eq, %iota3A_532, %eq3A_534 : vector<16xi32>
    %jit3A_536 = arith.constant 0 : i32
    %broadcast_in_dim3A_537 = vector.broadcast %jit3A_536 : i32 to vector<16xi32>
    %select_n3A_538 = arith.select %eq3A_535, %select_n3A_48, %broadcast_in_dim3A_537 : vector<16xi1>, vector<16xi32>
    %reduce_sum3A_539 = arith.constant true
    %reduce_sum3A_540 = vector.broadcast %reduce_sum3A_539 : i1 to vector<16xi1>
    %reduce_sum3A_541 = tpu.scan <sum>, %select_n3A_538 masked %reduce_sum3A_540 : vector<16xi32>, vector<16xi1> -> vector<16xi32>
    %reduce_sum3A_542 = vector.extract %reduce_sum3A_541[15] : i32 from vector<16xi32>
    %jit3A_543 = arith.constant 128 : i32
    %div3A_544 = arith.divsi %reduce_sum3A_542, %jit3A_543 : i32
    %sign3A_545 = arith.constant 0 : i32
    %sign3A_546 = arith.cmpi sgt, %reduce_sum3A_542, %sign3A_545 : i32
    %sign3A_547 = arith.extui %sign3A_546 : i1 to i32
    %sign3A_548 = arith.constant 0 : i32
    %sign3A_549 = arith.cmpi slt, %reduce_sum3A_542, %sign3A_548 : i32
    %sign3A_550 = arith.extui %sign3A_549 : i1 to i32
    %sign3A_551 = arith.subi %sign3A_547, %sign3A_550 : i32
    %sign3A_552 = arith.constant 0 : i32
    %sign3A_553 = arith.cmpi sgt, %jit3A_543, %sign3A_552 : i32
    %sign3A_554 = arith.extui %sign3A_553 : i1 to i32
    %sign3A_555 = arith.constant 0 : i32
    %sign3A_556 = arith.cmpi slt, %jit3A_543, %sign3A_555 : i32
    %sign3A_557 = arith.extui %sign3A_556 : i1 to i32
    %sign3A_558 = arith.subi %sign3A_554, %sign3A_557 : i32
    %ne3A_559 = arith.cmpi ne, %sign3A_551, %sign3A_558 : i32
    %rem3A_560 = arith.remsi %reduce_sum3A_542, %jit3A_543 : i32
    %ne3A_561 = arith.constant 0 : i32
    %ne3A_562 = arith.cmpi ne, %rem3A_560, %ne3A_561 : i32
    %and3A_563 = arith.andi %ne3A_559, %ne3A_562 : i1
    %sub3A_564 = arith.constant 1 : i32
    %sub3A_565 = arith.subi %div3A_544, %sub3A_564 : i32
    %select_n3A_566 = arith.select %and3A_563, %sub3A_565, %div3A_544 : i32
    %iota3A_567 = tpu.iota {dimensions = array<i32: 0>} : vector<16xi32>
    %eq3A_568 = arith.constant 1 : i32
    %eq3A_569 = vector.broadcast %eq3A_568 : i32 to vector<16xi32>
    %eq3A_570 = arith.cmpi eq, %iota3A_567, %eq3A_569 : vector<16xi32>
    %jit3A_571 = arith.constant 0 : i32
    %broadcast_in_dim3A_572 = vector.broadcast %jit3A_571 : i32 to vector<16xi32>
    %select_n3A_573 = arith.select %eq3A_570, %select_n3A_48, %broadcast_in_dim3A_572 : vector<16xi1>, vector<16xi32>
    %reduce_sum3A_574 = arith.constant true
    %reduce_sum3A_575 = vector.broadcast %reduce_sum3A_574 : i1 to vector<16xi1>
    %reduce_sum3A_576 = tpu.scan <sum>, %select_n3A_573 masked %reduce_sum3A_575 : vector<16xi32>, vector<16xi1> -> vector<16xi32>
    %reduce_sum3A_577 = vector.extract %reduce_sum3A_576[15] : i32 from vector<16xi32>
    %jit3A_578 = arith.constant 128 : i32
    %div3A_579 = arith.divsi %reduce_sum3A_577, %jit3A_578 : i32
    %sign3A_580 = arith.constant 0 : i32
    %sign3A_581 = arith.cmpi sgt, %reduce_sum3A_577, %sign3A_580 : i32
    %sign3A_582 = arith.extui %sign3A_581 : i1 to i32
    %sign3A_583 = arith.constant 0 : i32
    %sign3A_584 = arith.cmpi slt, %reduce_sum3A_577, %sign3A_583 : i32
    %sign3A_585 = arith.extui %sign3A_584 : i1 to i32
    %sign3A_586 = arith.subi %sign3A_582, %sign3A_585 : i32
    %sign3A_587 = arith.constant 0 : i32
    %sign3A_588 = arith.cmpi sgt, %jit3A_578, %sign3A_587 : i32
    %sign3A_589 = arith.extui %sign3A_588 : i1 to i32
    %sign3A_590 = arith.constant 0 : i32
    %sign3A_591 = arith.cmpi slt, %jit3A_578, %sign3A_590 : i32
    %sign3A_592 = arith.extui %sign3A_591 : i1 to i32
    %sign3A_593 = arith.subi %sign3A_589, %sign3A_592 : i32
    %ne3A_594 = arith.cmpi ne, %sign3A_586, %sign3A_593 : i32
    %rem3A_595 = arith.remsi %reduce_sum3A_577, %jit3A_578 : i32
    %ne3A_596 = arith.constant 0 : i32
    %ne3A_597 = arith.cmpi ne, %rem3A_595, %ne3A_596 : i32
    %and3A_598 = arith.andi %ne3A_594, %ne3A_597 : i1
    %sub3A_599 = arith.constant 1 : i32
    %sub3A_600 = arith.subi %div3A_579, %sub3A_599 : i32
    %select_n3A_601 = arith.select %and3A_598, %sub3A_600, %div3A_579 : i32
    %iota3A_602 = tpu.iota {dimensions = array<i32: 0>} : vector<16xi32>
    %eq3A_603 = arith.constant 2 : i32
    %eq3A_604 = vector.broadcast %eq3A_603 : i32 to vector<16xi32>
    %eq3A_605 = arith.cmpi eq, %iota3A_602, %eq3A_604 : vector<16xi32>
    %jit3A_606 = arith.constant 0 : i32
    %broadcast_in_dim3A_607 = vector.broadcast %jit3A_606 : i32 to vector<16xi32>
    %select_n3A_608 = arith.select %eq3A_605, %select_n3A_48, %broadcast_in_dim3A_607 : vector<16xi1>, vector<16xi32>
    %reduce_sum3A_609 = arith.constant true
    %reduce_sum3A_610 = vector.broadcast %reduce_sum3A_609 : i1 to vector<16xi1>
    %reduce_sum3A_611 = tpu.scan <sum>, %select_n3A_608 masked %reduce_sum3A_610 : vector<16xi32>, vector<16xi1> -> vector<16xi32>
    %reduce_sum3A_612 = vector.extract %reduce_sum3A_611[15] : i32 from vector<16xi32>
    %jit3A_613 = arith.constant 128 : i32
    %div3A_614 = arith.divsi %reduce_sum3A_612, %jit3A_613 : i32
    %sign3A_615 = arith.constant 0 : i32
    %sign3A_616 = arith.cmpi sgt, %reduce_sum3A_612, %sign3A_615 : i32
    %sign3A_617 = arith.extui %sign3A_616 : i1 to i32
    %sign3A_618 = arith.constant 0 : i32
    %sign3A_619 = arith.cmpi slt, %reduce_sum3A_612, %sign3A_618 : i32
    %sign3A_620 = arith.extui %sign3A_619 : i1 to i32
    %sign3A_621 = arith.subi %sign3A_617, %sign3A_620 : i32
    %sign3A_622 = arith.constant 0 : i32
    %sign3A_623 = arith.cmpi sgt, %jit3A_613, %sign3A_622 : i32
    %sign3A_624 = arith.extui %sign3A_623 : i1 to i32
    %sign3A_625 = arith.constant 0 : i32
    %sign3A_626 = arith.cmpi slt, %jit3A_613, %sign3A_625 : i32
    %sign3A_627 = arith.extui %sign3A_626 : i1 to i32
    %sign3A_628 = arith.subi %sign3A_624, %sign3A_627 : i32
    %ne3A_629 = arith.cmpi ne, %sign3A_621, %sign3A_628 : i32
    %rem3A_630 = arith.remsi %reduce_sum3A_612, %jit3A_613 : i32
    %ne3A_631 = arith.constant 0 : i32
    %ne3A_632 = arith.cmpi ne, %rem3A_630, %ne3A_631 : i32
    %and3A_633 = arith.andi %ne3A_629, %ne3A_632 : i1
    %sub3A_634 = arith.constant 1 : i32
    %sub3A_635 = arith.subi %div3A_614, %sub3A_634 : i32
    %select_n3A_636 = arith.select %and3A_633, %sub3A_635, %div3A_614 : i32
    %add3A_637 = arith.addi %select_n3A_566, %select_n3A_601 : i32
    %add3A_638 = arith.addi %add3A_637, %select_n3A_636 : i32
    %gt3A_639 = arith.constant 0 : i32
    %gt3A_640 = arith.cmpi sgt, %add3A_638, %gt3A_639 : i32
    %convert_element_type3A_641 = arith.extui %gt3A_640 : i1 to i32
    %cond3A_642 = arith.constant 0 : i32
    %cond3A_643 = arith.constant 0 : i32
    %cond3A_644 = arith.cmpi ne, %convert_element_type3A_641, %cond3A_643 : i32
    scf.if %cond3A_644 {
      %le3A = arith.constant 0 : i32
      %le3A_655 = arith.cmpi sle, %select_n3A_566, %le3A : i32
      %jit3A_656 = arith.constant 1 : i32
      %jit3A_657 = arith.constant 0 : i32
      %select_n3A_658 = arith.select %le3A_655, %jit3A_656, %jit3A_657 : i32
      %le3A_659 = arith.constant 0 : i32
      %le3A_660 = arith.cmpi sle, %add3A_637, %le3A_659 : i32
      %jit3A_661 = arith.constant 1 : i32
      %jit3A_662 = arith.constant 0 : i32
      %select_n3A_663 = arith.select %le3A_660, %jit3A_661, %jit3A_662 : i32
      %add3A_664 = arith.addi %select_n3A_658, %select_n3A_663 : i32
      %eq3A_665 = arith.constant 0 : i32
      %eq3A_666 = arith.cmpi eq, %add3A_664, %eq3A_665 : i32
      %add3A_667 = arith.constant 0 : i32
      %add3A_668 = arith.addi %cond3A_642, %add3A_667 : i32
      %eq3A_669 = arith.constant 1 : i32
      %eq3A_670 = arith.cmpi eq, %add3A_664, %eq3A_669 : i32
      %sub3A_671 = arith.constant 0 : i32
      %sub3A_672 = arith.subi %sub3A_671, %select_n3A_566 : i32
      %mul3A_673 = arith.constant 128 : i32
      %mul3A_674 = arith.muli %sub3A_672, %mul3A_673 : i32
      %add3A_675 = arith.addi %add3A_407, %mul3A_674 : i32
      %sub3A_676 = arith.constant 0 : i32
      %sub3A_677 = arith.subi %sub3A_676, %add3A_637 : i32
      %mul3A_678 = arith.constant 128 : i32
      %mul3A_679 = arith.muli %sub3A_677, %mul3A_678 : i32
      %add3A_680 = arith.addi %add3A_419, %mul3A_679 : i32
      %select_n3A_681 = arith.select %eq3A_670, %add3A_675, %add3A_680 : i32
      %select_n3A_682 = arith.select %eq3A_666, %add3A_668, %select_n3A_681 : i32
      %multiple_of3A = tpu.assume_multiple %select_n3A_682, 128 : i32
      %dma_start3A = tpu.memref_slice %arg14[%multiple_of3A] : memref<5632xi32, #tpu.memory_space<vmem>> -> memref<128xi32, #tpu.memory_space<vmem>>
      %dma_start3A_683 = arith.constant 0 : i32
      %dma_start3A_684 = arith.constant 0 : i32
      %dma_start3A_685 = tpu.memref_slice %arg5[%dma_start3A_683, %dma_start3A_684] : memref<10000x16xf32, #tpu.memory_space<hbm>> -> memref<10000x16xf32, #tpu.memory_space<hbm>>
      tpu.enqueue_indirect_dma source(%dma_start3A_685 : memref<10000x16xf32, #tpu.memory_space<hbm>>) target(%arg19 : memref<128x16xf32, #tpu.memory_space<vmem>>) offsets(%dma_start3A : memref<128xi32, #tpu.memory_space<vmem>>) semaphore(%arg24 : memref<!tpu.dma_semaphore, #tpu.memory_space<semaphore_mem>>)
      %dma_start3A_686 = tpu.memref_slice %arg15[%multiple_of3A] : memref<5632xi32, #tpu.memory_space<vmem>> -> memref<128xi32, #tpu.memory_space<vmem>>
      %dma_start3A_687 = arith.constant 0 : i32
      %dma_start3A_688 = arith.constant 0 : i32
      %dma_start3A_689 = tpu.memref_slice %arg5[%dma_start3A_687, %dma_start3A_688] : memref<10000x16xf32, #tpu.memory_space<hbm>> -> memref<10000x16xf32, #tpu.memory_space<hbm>>
      tpu.enqueue_indirect_dma source(%dma_start3A_689 : memref<10000x16xf32, #tpu.memory_space<hbm>>) target(%arg20 : memref<128x16xf32, #tpu.memory_space<vmem>>) offsets(%dma_start3A_686 : memref<128xi32, #tpu.memory_space<vmem>>) semaphore(%arg25 : memref<!tpu.dma_semaphore, #tpu.memory_space<semaphore_mem>>)
    } else {
    }
    %while3A = arith.constant 0 : i32
    %while3A_645 = arith.constant 0 : i32
    %while3A_646 = arith.constant 0 : i32
    %while3A_647 = arith.subi %add3A_638, %while3A_646 : i32
    %while3A_648 = arith.addi %while3A_646, %while3A_647 : i32
    %while3A_649 = arith.constant 1 : i32
    %while3A_650 = arith.divsi %while3A_647, %while3A_649 : i32
    %while3A_651 = arith.muli %while3A_650, %while3A_649 : i32
    %while3A_652 = arith.addi %while3A_646, %while3A_651 : i32
    %while3A_653 = arith.constant 1 : i32
    scf.for %while3A_655 = %while3A_646 to %while3A_652 step %while3A_653  : i32 {
      %jit3A_656 = arith.constant 2 : i32
      %eq3A_657 = arith.constant 0 : i32
      %eq3A_658 = arith.cmpi eq, %jit3A_656, %eq3A_657 : i32
      %jit3A_659 = arith.constant 1 : i32
      %select_n3A_660 = arith.select %eq3A_658, %jit3A_659, %jit3A_656 : i32
      %rem3A_661 = arith.remsi %while3A_655, %select_n3A_660 : i32
      %ne3A_662 = arith.constant 0 : i32
      %ne3A_663 = arith.cmpi ne, %rem3A_661, %ne3A_662 : i32
      %lt3A_664 = arith.constant 0 : i32
      %lt3A_665 = arith.cmpi slt, %rem3A_661, %lt3A_664 : i32
      %lt3A_666 = arith.constant 0 : i32
      %lt3A_667 = arith.cmpi slt, %select_n3A_660, %lt3A_666 : i32
      %ne3A_668 = arith.xori %lt3A_665, %lt3A_667 : i1
      %and3A_669 = arith.andi %ne3A_668, %ne3A_663 : i1
      %add3A_670 = arith.addi %rem3A_661, %select_n3A_660 : i32
      %select_n3A_671 = arith.select %and3A_669, %add3A_670, %rem3A_661 : i32
      %eq3A_672 = arith.constant 0 : i32
      %eq3A_673 = arith.cmpi eq, %select_n3A_671, %eq3A_672 : i32
      %convert_element_type3A_674 = arith.extui %eq3A_673 : i1 to i32
      %cond3A_675 = arith.constant 0 : i32
      %cond3A_676 = arith.cmpi ne, %convert_element_type3A_674, %cond3A_675 : i32
      scf.if %cond3A_676 {
        %add3A_698 = arith.constant 1 : i32
        %add3A_699 = arith.addi %while3A_655, %add3A_698 : i32
        %lt3A_700 = arith.cmpi slt, %add3A_699, %add3A_638 : i32
        %convert_element_type3A_701 = arith.extui %lt3A_700 : i1 to i32
        %cond3A_702 = arith.constant 0 : i32
        %cond3A_703 = arith.cmpi ne, %convert_element_type3A_701, %cond3A_702 : i32
        scf.if %cond3A_703 {
          %add3A_740 = arith.constant 1 : i32
          %add3A_741 = arith.addi %while3A_655, %add3A_740 : i32
          %ge3A_742 = arith.cmpi sge, %add3A_741, %select_n3A_566 : i32
          %jit3A_743 = arith.constant 1 : i32
          %jit3A_744 = arith.constant 0 : i32
          %select_n3A_745 = arith.select %ge3A_742, %jit3A_743, %jit3A_744 : i32
          %ge3A_746 = arith.cmpi sge, %add3A_741, %add3A_637 : i32
          %jit3A_747 = arith.constant 1 : i32
          %jit3A_748 = arith.constant 0 : i32
          %select_n3A_749 = arith.select %ge3A_746, %jit3A_747, %jit3A_748 : i32
          %add3A_750 = arith.addi %select_n3A_745, %select_n3A_749 : i32
          %eq3A_751 = arith.constant 0 : i32
          %eq3A_752 = arith.cmpi eq, %add3A_750, %eq3A_751 : i32
          %mul3A_753 = arith.constant 128 : i32
          %mul3A_754 = arith.muli %add3A_741, %mul3A_753 : i32
          %add3A_755 = arith.addi %while3A_645, %mul3A_754 : i32
          %eq3A_756 = arith.constant 1 : i32
          %eq3A_757 = arith.cmpi eq, %add3A_750, %eq3A_756 : i32
          %sub3A_758 = arith.subi %add3A_741, %select_n3A_566 : i32
          %mul3A_759 = arith.constant 128 : i32
          %mul3A_760 = arith.muli %sub3A_758, %mul3A_759 : i32
          %add3A_761 = arith.addi %add3A_407, %mul3A_760 : i32
          %sub3A_762 = arith.subi %add3A_741, %add3A_637 : i32
          %mul3A_763 = arith.constant 128 : i32
          %mul3A_764 = arith.muli %sub3A_762, %mul3A_763 : i32
          %add3A_765 = arith.addi %add3A_419, %mul3A_764 : i32
          %select_n3A_766 = arith.select %eq3A_757, %add3A_761, %add3A_765 : i32
          %select_n3A_767 = arith.select %eq3A_752, %add3A_755, %select_n3A_766 : i32
          %multiple_of3A_768 = tpu.assume_multiple %select_n3A_767, 128 : i32
          %dma_start3A = tpu.memref_slice %arg14[%multiple_of3A_768] : memref<5632xi32, #tpu.memory_space<vmem>> -> memref<128xi32, #tpu.memory_space<vmem>>
          %dma_start3A_769 = arith.constant 0 : i32
          %dma_start3A_770 = arith.constant 0 : i32
          %dma_start3A_771 = tpu.memref_slice %arg5[%dma_start3A_769, %dma_start3A_770] : memref<10000x16xf32, #tpu.memory_space<hbm>> -> memref<10000x16xf32, #tpu.memory_space<hbm>>
          tpu.enqueue_indirect_dma source(%dma_start3A_771 : memref<10000x16xf32, #tpu.memory_space<hbm>>) target(%arg21 : memref<128x16xf32, #tpu.memory_space<vmem>>) offsets(%dma_start3A : memref<128xi32, #tpu.memory_space<vmem>>) semaphore(%arg26 : memref<!tpu.dma_semaphore, #tpu.memory_space<semaphore_mem>>)
          %dma_start3A_772 = tpu.memref_slice %arg15[%multiple_of3A_768] : memref<5632xi32, #tpu.memory_space<vmem>> -> memref<128xi32, #tpu.memory_space<vmem>>
          %dma_start3A_773 = arith.constant 0 : i32
          %dma_start3A_774 = arith.constant 0 : i32
          %dma_start3A_775 = tpu.memref_slice %arg5[%dma_start3A_773, %dma_start3A_774] : memref<10000x16xf32, #tpu.memory_space<hbm>> -> memref<10000x16xf32, #tpu.memory_space<hbm>>
          tpu.enqueue_indirect_dma source(%dma_start3A_775 : memref<10000x16xf32, #tpu.memory_space<hbm>>) target(%arg22 : memref<128x16xf32, #tpu.memory_space<vmem>>) offsets(%dma_start3A_772 : memref<128xi32, #tpu.memory_space<vmem>>) semaphore(%arg27 : memref<!tpu.dma_semaphore, #tpu.memory_space<semaphore_mem>>)
        } else {
        }
        %dma_wait3A = arith.constant 0 : i32
        %dma_wait3A_704 = arith.constant 0 : i32
        %dma_wait3A_705 = tpu.memref_slice %arg5[%dma_wait3A, %dma_wait3A_704] : memref<10000x16xf32, #tpu.memory_space<hbm>> -> memref<128x16xf32, #tpu.memory_space<hbm>>
        %dma_wait3A_706 = arith.constant 0 : i32
        %dma_wait3A_707 = arith.constant 0 : i32
        %dma_wait3A_708 = tpu.memref_slice %arg5[%dma_wait3A_706, %dma_wait3A_707] : memref<10000x16xf32, #tpu.memory_space<hbm>> -> memref<128x16xf32, #tpu.memory_space<hbm>>
        tpu.wait_dma2 semaphore(%arg24 : memref<!tpu.dma_semaphore, #tpu.memory_space<semaphore_mem>>) src(%dma_wait3A_708 : memref<128x16xf32, #tpu.memory_space<hbm>>) dst(%arg19 : memref<128x16xf32, #tpu.memory_space<vmem>>)
        %dma_wait3A_709 = arith.constant 0 : i32
        %dma_wait3A_710 = arith.constant 0 : i32
        %dma_wait3A_711 = tpu.memref_slice %arg5[%dma_wait3A_709, %dma_wait3A_710] : memref<10000x16xf32, #tpu.memory_space<hbm>> -> memref<128x16xf32, #tpu.memory_space<hbm>>
        %dma_wait3A_712 = arith.constant 0 : i32
        %dma_wait3A_713 = arith.constant 0 : i32
        %dma_wait3A_714 = tpu.memref_slice %arg5[%dma_wait3A_712, %dma_wait3A_713] : memref<10000x16xf32, #tpu.memory_space<hbm>> -> memref<128x16xf32, #tpu.memory_space<hbm>>
        tpu.wait_dma2 semaphore(%arg25 : memref<!tpu.dma_semaphore, #tpu.memory_space<semaphore_mem>>) src(%dma_wait3A_714 : memref<128x16xf32, #tpu.memory_space<hbm>>) dst(%arg20 : memref<128x16xf32, #tpu.memory_space<vmem>>)
        %ge3A = arith.cmpi sge, %while3A_655, %select_n3A_566 : i32
        %jit3A_715 = arith.constant 1 : i32
        %jit3A_716 = arith.constant 0 : i32
        %select_n3A_717 = arith.select %ge3A, %jit3A_715, %jit3A_716 : i32
        %ge3A_718 = arith.cmpi sge, %while3A_655, %add3A_637 : i32
        %jit3A_719 = arith.constant 1 : i32
        %jit3A_720 = arith.constant 0 : i32
        %select_n3A_721 = arith.select %ge3A_718, %jit3A_719, %jit3A_720 : i32
        %add3A_722 = arith.addi %select_n3A_717, %select_n3A_721 : i32
        %eq3A_723 = arith.constant 0 : i32
        %eq3A_724 = arith.cmpi eq, %add3A_722, %eq3A_723 : i32
        %mul3A_725 = arith.constant 128 : i32
        %mul3A_726 = arith.muli %while3A_655, %mul3A_725 : i32
        %add3A_727 = arith.addi %add3A_459, %mul3A_726 : i32
        %eq3A_728 = arith.constant 1 : i32
        %eq3A_729 = arith.cmpi eq, %add3A_722, %eq3A_728 : i32
        %sub3A_730 = arith.subi %while3A_655, %select_n3A_566 : i32
        %mul3A_731 = arith.constant 128 : i32
        %mul3A_732 = arith.muli %sub3A_730, %mul3A_731 : i32
        %add3A_733 = arith.addi %add3A_474, %mul3A_732 : i32
        %sub3A_734 = arith.subi %while3A_655, %add3A_637 : i32
        %mul3A_735 = arith.constant 128 : i32
        %mul3A_736 = arith.muli %sub3A_734, %mul3A_735 : i32
        %add3A_737 = arith.addi %add3A_489, %mul3A_736 : i32
        %select_n3A_738 = arith.select %eq3A_729, %add3A_733, %add3A_737 : i32
        %select_n3A_739 = arith.select %eq3A_724, %add3A_727, %select_n3A_738 : i32
        %multiple_of3A = tpu.assume_multiple %select_n3A_739, 128 : i32
        "tpu.region"() ({
          %run_scoped3A = tpu.sem_alloc : memref<!tpu.dma_semaphore, #tpu.memory_space<semaphore_mem>>
          %dma_start3A = arith.constant 0 : i32
          %dma_start3A_740 = tpu.memref_slice %arg6[%multiple_of3A, %dma_start3A] : memref<204800x16xf32, #tpu.memory_space<hbm>> -> memref<128x16xf32, #tpu.memory_space<hbm>>
          %dma_start3A_741 = arith.constant 0 : i32
          %dma_start3A_742 = tpu.memref_slice %arg6[%multiple_of3A, %dma_start3A_741] : memref<204800x16xf32, #tpu.memory_space<hbm>> -> memref<128x16xf32, #tpu.memory_space<hbm>>
          tpu.enqueue_dma source(%arg19 : memref<128x16xf32, #tpu.memory_space<vmem>>) target(%dma_start3A_742 : memref<128x16xf32, #tpu.memory_space<hbm>>) target_semaphore(%run_scoped3A : memref<!tpu.dma_semaphore, #tpu.memory_space<semaphore_mem>>)
          %dma_wait3A_743 = arith.constant 0 : i32
          %dma_wait3A_744 = tpu.memref_slice %arg6[%multiple_of3A, %dma_wait3A_743] : memref<204800x16xf32, #tpu.memory_space<hbm>> -> memref<128x16xf32, #tpu.memory_space<hbm>>
          %dma_wait3A_745 = arith.constant 0 : i32
          %dma_wait3A_746 = tpu.memref_slice %arg6[%multiple_of3A, %dma_wait3A_745] : memref<204800x16xf32, #tpu.memory_space<hbm>> -> memref<128x16xf32, #tpu.memory_space<hbm>>
          tpu.wait_dma2 semaphore(%run_scoped3A : memref<!tpu.dma_semaphore, #tpu.memory_space<semaphore_mem>>) src(%arg19 : memref<128x16xf32, #tpu.memory_space<vmem>>) dst(%dma_wait3A_746 : memref<128x16xf32, #tpu.memory_space<hbm>>)
          tpu.yield
        }) : () -> ()
        "tpu.region"() ({
          %run_scoped3A = tpu.sem_alloc : memref<!tpu.dma_semaphore, #tpu.memory_space<semaphore_mem>>
          %dma_start3A = arith.constant 0 : i32
          %dma_start3A_740 = tpu.memref_slice %arg7[%multiple_of3A, %dma_start3A] : memref<204800x16xf32, #tpu.memory_space<hbm>> -> memref<128x16xf32, #tpu.memory_space<hbm>>
          %dma_start3A_741 = arith.constant 0 : i32
          %dma_start3A_742 = tpu.memref_slice %arg7[%multiple_of3A, %dma_start3A_741] : memref<204800x16xf32, #tpu.memory_space<hbm>> -> memref<128x16xf32, #tpu.memory_space<hbm>>
          tpu.enqueue_dma source(%arg20 : memref<128x16xf32, #tpu.memory_space<vmem>>) target(%dma_start3A_742 : memref<128x16xf32, #tpu.memory_space<hbm>>) target_semaphore(%run_scoped3A : memref<!tpu.dma_semaphore, #tpu.memory_space<semaphore_mem>>)
          %dma_wait3A_743 = arith.constant 0 : i32
          %dma_wait3A_744 = tpu.memref_slice %arg7[%multiple_of3A, %dma_wait3A_743] : memref<204800x16xf32, #tpu.memory_space<hbm>> -> memref<128x16xf32, #tpu.memory_space<hbm>>
          %dma_wait3A_745 = arith.constant 0 : i32
          %dma_wait3A_746 = tpu.memref_slice %arg7[%multiple_of3A, %dma_wait3A_745] : memref<204800x16xf32, #tpu.memory_space<hbm>> -> memref<128x16xf32, #tpu.memory_space<hbm>>
          tpu.wait_dma2 semaphore(%run_scoped3A : memref<!tpu.dma_semaphore, #tpu.memory_space<semaphore_mem>>) src(%arg20 : memref<128x16xf32, #tpu.memory_space<vmem>>) dst(%dma_wait3A_746 : memref<128x16xf32, #tpu.memory_space<hbm>>)
          tpu.yield
        }) : () -> ()
      } else {
      }
      %jit3A_677 = arith.constant 2 : i32
      %eq3A_678 = arith.constant 0 : i32
      %eq3A_679 = arith.cmpi eq, %jit3A_677, %eq3A_678 : i32
      %jit3A_680 = arith.constant 1 : i32
      %select_n3A_681 = arith.select %eq3A_679, %jit3A_680, %jit3A_677 : i32
      %rem3A_682 = arith.remsi %while3A_655, %select_n3A_681 : i32
      %ne3A_683 = arith.constant 0 : i32
      %ne3A_684 = arith.cmpi ne, %rem3A_682, %ne3A_683 : i32
      %lt3A_685 = arith.constant 0 : i32
      %lt3A_686 = arith.cmpi slt, %rem3A_682, %lt3A_685 : i32
      %lt3A_687 = arith.constant 0 : i32
      %lt3A_688 = arith.cmpi slt, %select_n3A_681, %lt3A_687 : i32
      %ne3A_689 = arith.xori %lt3A_686, %lt3A_688 : i1
      %and3A_690 = arith.andi %ne3A_689, %ne3A_684 : i1
      %add3A_691 = arith.addi %rem3A_682, %select_n3A_681 : i32
      %select_n3A_692 = arith.select %and3A_690, %add3A_691, %rem3A_682 : i32
      %eq3A_693 = arith.constant 1 : i32
      %eq3A_694 = arith.cmpi eq, %select_n3A_692, %eq3A_693 : i32
      %convert_element_type3A_695 = arith.extui %eq3A_694 : i1 to i32
      %cond3A_696 = arith.constant 0 : i32
      %cond3A_697 = arith.cmpi ne, %convert_element_type3A_695, %cond3A_696 : i32
      scf.if %cond3A_697 {
        %add3A_698 = arith.constant 1 : i32
        %add3A_699 = arith.addi %while3A_655, %add3A_698 : i32
        %lt3A_700 = arith.cmpi slt, %add3A_699, %add3A_638 : i32
        %convert_element_type3A_701 = arith.extui %lt3A_700 : i1 to i32
        %cond3A_702 = arith.constant 0 : i32
        %cond3A_703 = arith.cmpi ne, %convert_element_type3A_701, %cond3A_702 : i32
        scf.if %cond3A_703 {
          %add3A_740 = arith.constant 1 : i32
          %add3A_741 = arith.addi %while3A_655, %add3A_740 : i32
          %ge3A_742 = arith.cmpi sge, %add3A_741, %select_n3A_566 : i32
          %jit3A_743 = arith.constant 1 : i32
          %jit3A_744 = arith.constant 0 : i32
          %select_n3A_745 = arith.select %ge3A_742, %jit3A_743, %jit3A_744 : i32
          %ge3A_746 = arith.cmpi sge, %add3A_741, %add3A_637 : i32
          %jit3A_747 = arith.constant 1 : i32
          %jit3A_748 = arith.constant 0 : i32
          %select_n3A_749 = arith.select %ge3A_746, %jit3A_747, %jit3A_748 : i32
          %add3A_750 = arith.addi %select_n3A_745, %select_n3A_749 : i32
          %eq3A_751 = arith.constant 0 : i32
          %eq3A_752 = arith.cmpi eq, %add3A_750, %eq3A_751 : i32
          %mul3A_753 = arith.constant 128 : i32
          %mul3A_754 = arith.muli %add3A_741, %mul3A_753 : i32
          %add3A_755 = arith.addi %while3A_645, %mul3A_754 : i32
          %eq3A_756 = arith.constant 1 : i32
          %eq3A_757 = arith.cmpi eq, %add3A_750, %eq3A_756 : i32
          %sub3A_758 = arith.subi %add3A_741, %select_n3A_566 : i32
          %mul3A_759 = arith.constant 128 : i32
          %mul3A_760 = arith.muli %sub3A_758, %mul3A_759 : i32
          %add3A_761 = arith.addi %add3A_407, %mul3A_760 : i32
          %sub3A_762 = arith.subi %add3A_741, %add3A_637 : i32
          %mul3A_763 = arith.constant 128 : i32
          %mul3A_764 = arith.muli %sub3A_762, %mul3A_763 : i32
          %add3A_765 = arith.addi %add3A_419, %mul3A_764 : i32
          %select_n3A_766 = arith.select %eq3A_757, %add3A_761, %add3A_765 : i32
          %select_n3A_767 = arith.select %eq3A_752, %add3A_755, %select_n3A_766 : i32
          %multiple_of3A_768 = tpu.assume_multiple %select_n3A_767, 128 : i32
          %dma_start3A = tpu.memref_slice %arg14[%multiple_of3A_768] : memref<5632xi32, #tpu.memory_space<vmem>> -> memref<128xi32, #tpu.memory_space<vmem>>
          %dma_start3A_769 = arith.constant 0 : i32
          %dma_start3A_770 = arith.constant 0 : i32
          %dma_start3A_771 = tpu.memref_slice %arg5[%dma_start3A_769, %dma_start3A_770] : memref<10000x16xf32, #tpu.memory_space<hbm>> -> memref<10000x16xf32, #tpu.memory_space<hbm>>
          tpu.enqueue_indirect_dma source(%dma_start3A_771 : memref<10000x16xf32, #tpu.memory_space<hbm>>) target(%arg19 : memref<128x16xf32, #tpu.memory_space<vmem>>) offsets(%dma_start3A : memref<128xi32, #tpu.memory_space<vmem>>) semaphore(%arg24 : memref<!tpu.dma_semaphore, #tpu.memory_space<semaphore_mem>>)
          %dma_start3A_772 = tpu.memref_slice %arg15[%multiple_of3A_768] : memref<5632xi32, #tpu.memory_space<vmem>> -> memref<128xi32, #tpu.memory_space<vmem>>
          %dma_start3A_773 = arith.constant 0 : i32
          %dma_start3A_774 = arith.constant 0 : i32
          %dma_start3A_775 = tpu.memref_slice %arg5[%dma_start3A_773, %dma_start3A_774] : memref<10000x16xf32, #tpu.memory_space<hbm>> -> memref<10000x16xf32, #tpu.memory_space<hbm>>
          tpu.enqueue_indirect_dma source(%dma_start3A_775 : memref<10000x16xf32, #tpu.memory_space<hbm>>) target(%arg20 : memref<128x16xf32, #tpu.memory_space<vmem>>) offsets(%dma_start3A_772 : memref<128xi32, #tpu.memory_space<vmem>>) semaphore(%arg25 : memref<!tpu.dma_semaphore, #tpu.memory_space<semaphore_mem>>)
        } else {
        }
        %dma_wait3A = arith.constant 0 : i32
        %dma_wait3A_704 = arith.constant 0 : i32
        %dma_wait3A_705 = tpu.memref_slice %arg5[%dma_wait3A, %dma_wait3A_704] : memref<10000x16xf32, #tpu.memory_space<hbm>> -> memref<128x16xf32, #tpu.memory_space<hbm>>
        %dma_wait3A_706 = arith.constant 0 : i32
        %dma_wait3A_707 = arith.constant 0 : i32
        %dma_wait3A_708 = tpu.memref_slice %arg5[%dma_wait3A_706, %dma_wait3A_707] : memref<10000x16xf32, #tpu.memory_space<hbm>> -> memref<128x16xf32, #tpu.memory_space<hbm>>
        tpu.wait_dma2 semaphore(%arg26 : memref<!tpu.dma_semaphore, #tpu.memory_space<semaphore_mem>>) src(%dma_wait3A_708 : memref<128x16xf32, #tpu.memory_space<hbm>>) dst(%arg21 : memref<128x16xf32, #tpu.memory_space<vmem>>)
        %dma_wait3A_709 = arith.constant 0 : i32
        %dma_wait3A_710 = arith.constant 0 : i32
        %dma_wait3A_711 = tpu.memref_slice %arg5[%dma_wait3A_709, %dma_wait3A_710] : memref<10000x16xf32, #tpu.memory_space<hbm>> -> memref<128x16xf32, #tpu.memory_space<hbm>>
        %dma_wait3A_712 = arith.constant 0 : i32
        %dma_wait3A_713 = arith.constant 0 : i32
        %dma_wait3A_714 = tpu.memref_slice %arg5[%dma_wait3A_712, %dma_wait3A_713] : memref<10000x16xf32, #tpu.memory_space<hbm>> -> memref<128x16xf32, #tpu.memory_space<hbm>>
        tpu.wait_dma2 semaphore(%arg27 : memref<!tpu.dma_semaphore, #tpu.memory_space<semaphore_mem>>) src(%dma_wait3A_714 : memref<128x16xf32, #tpu.memory_space<hbm>>) dst(%arg22 : memref<128x16xf32, #tpu.memory_space<vmem>>)
        %ge3A = arith.cmpi sge, %while3A_655, %select_n3A_566 : i32
        %jit3A_715 = arith.constant 1 : i32
        %jit3A_716 = arith.constant 0 : i32
        %select_n3A_717 = arith.select %ge3A, %jit3A_715, %jit3A_716 : i32
        %ge3A_718 = arith.cmpi sge, %while3A_655, %add3A_637 : i32
        %jit3A_719 = arith.constant 1 : i32
        %jit3A_720 = arith.constant 0 : i32
        %select_n3A_721 = arith.select %ge3A_718, %jit3A_719, %jit3A_720 : i32
        %add3A_722 = arith.addi %select_n3A_717, %select_n3A_721 : i32
        %eq3A_723 = arith.constant 0 : i32
        %eq3A_724 = arith.cmpi eq, %add3A_722, %eq3A_723 : i32
        %mul3A_725 = arith.constant 128 : i32
        %mul3A_726 = arith.muli %while3A_655, %mul3A_725 : i32
        %add3A_727 = arith.addi %add3A_459, %mul3A_726 : i32
        %eq3A_728 = arith.constant 1 : i32
        %eq3A_729 = arith.cmpi eq, %add3A_722, %eq3A_728 : i32
        %sub3A_730 = arith.subi %while3A_655, %select_n3A_566 : i32
        %mul3A_731 = arith.constant 128 : i32
        %mul3A_732 = arith.muli %sub3A_730, %mul3A_731 : i32
        %add3A_733 = arith.addi %add3A_474, %mul3A_732 : i32
        %sub3A_734 = arith.subi %while3A_655, %add3A_637 : i32
        %mul3A_735 = arith.constant 128 : i32
        %mul3A_736 = arith.muli %sub3A_734, %mul3A_735 : i32
        %add3A_737 = arith.addi %add3A_489, %mul3A_736 : i32
        %select_n3A_738 = arith.select %eq3A_729, %add3A_733, %add3A_737 : i32
        %select_n3A_739 = arith.select %eq3A_724, %add3A_727, %select_n3A_738 : i32
        %multiple_of3A = tpu.assume_multiple %select_n3A_739, 128 : i32
        "tpu.region"() ({
          %run_scoped3A = tpu.sem_alloc : memref<!tpu.dma_semaphore, #tpu.memory_space<semaphore_mem>>
          %dma_start3A = arith.constant 0 : i32
          %dma_start3A_740 = tpu.memref_slice %arg6[%multiple_of3A, %dma_start3A] : memref<204800x16xf32, #tpu.memory_space<hbm>> -> memref<128x16xf32, #tpu.memory_space<hbm>>
          %dma_start3A_741 = arith.constant 0 : i32
          %dma_start3A_742 = tpu.memref_slice %arg6[%multiple_of3A, %dma_start3A_741] : memref<204800x16xf32, #tpu.memory_space<hbm>> -> memref<128x16xf32, #tpu.memory_space<hbm>>
          tpu.enqueue_dma source(%arg21 : memref<128x16xf32, #tpu.memory_space<vmem>>) target(%dma_start3A_742 : memref<128x16xf32, #tpu.memory_space<hbm>>) target_semaphore(%run_scoped3A : memref<!tpu.dma_semaphore, #tpu.memory_space<semaphore_mem>>)
          %dma_wait3A_743 = arith.constant 0 : i32
          %dma_wait3A_744 = tpu.memref_slice %arg6[%multiple_of3A, %dma_wait3A_743] : memref<204800x16xf32, #tpu.memory_space<hbm>> -> memref<128x16xf32, #tpu.memory_space<hbm>>
          %dma_wait3A_745 = arith.constant 0 : i32
          %dma_wait3A_746 = tpu.memref_slice %arg6[%multiple_of3A, %dma_wait3A_745] : memref<204800x16xf32, #tpu.memory_space<hbm>> -> memref<128x16xf32, #tpu.memory_space<hbm>>
          tpu.wait_dma2 semaphore(%run_scoped3A : memref<!tpu.dma_semaphore, #tpu.memory_space<semaphore_mem>>) src(%arg21 : memref<128x16xf32, #tpu.memory_space<vmem>>) dst(%dma_wait3A_746 : memref<128x16xf32, #tpu.memory_space<hbm>>)
          tpu.yield
        }) : () -> ()
        "tpu.region"() ({
          %run_scoped3A = tpu.sem_alloc : memref<!tpu.dma_semaphore, #tpu.memory_space<semaphore_mem>>
          %dma_start3A = arith.constant 0 : i32
          %dma_start3A_740 = tpu.memref_slice %arg7[%multiple_of3A, %dma_start3A] : memref<204800x16xf32, #tpu.memory_space<hbm>> -> memref<128x16xf32, #tpu.memory_space<hbm>>
          %dma_start3A_741 = arith.constant 0 : i32
          %dma_start3A_742 = tpu.memref_slice %arg7[%multiple_of3A, %dma_start3A_741] : memref<204800x16xf32, #tpu.memory_space<hbm>> -> memref<128x16xf32, #tpu.memory_space<hbm>>
          tpu.enqueue_dma source(%arg22 : memref<128x16xf32, #tpu.memory_space<vmem>>) target(%dma_start3A_742 : memref<128x16xf32, #tpu.memory_space<hbm>>) target_semaphore(%run_scoped3A : memref<!tpu.dma_semaphore, #tpu.memory_space<semaphore_mem>>)
          %dma_wait3A_743 = arith.constant 0 : i32
          %dma_wait3A_744 = tpu.memref_slice %arg7[%multiple_of3A, %dma_wait3A_743] : memref<204800x16xf32, #tpu.memory_space<hbm>> -> memref<128x16xf32, #tpu.memory_space<hbm>>
          %dma_wait3A_745 = arith.constant 0 : i32
          %dma_wait3A_746 = tpu.memref_slice %arg7[%multiple_of3A, %dma_wait3A_745] : memref<204800x16xf32, #tpu.memory_space<hbm>> -> memref<128x16xf32, #tpu.memory_space<hbm>>
          tpu.wait_dma2 semaphore(%run_scoped3A : memref<!tpu.dma_semaphore, #tpu.memory_space<semaphore_mem>>) src(%arg22 : memref<128x16xf32, #tpu.memory_space<vmem>>) dst(%dma_wait3A_746 : memref<128x16xf32, #tpu.memory_space<hbm>>)
          tpu.yield
        }) : () -> ()
      } else {
      }
    }
    %while3A_654 = arith.constant 1 : i32
    scf.for %while3A_655 = %while3A_652 to %while3A_648 step %while3A_654  : i32 {
      %jit3A_656 = arith.constant 2 : i32
      %eq3A_657 = arith.constant 0 : i32
      %eq3A_658 = arith.cmpi eq, %jit3A_656, %eq3A_657 : i32
      %jit3A_659 = arith.constant 1 : i32
      %select_n3A_660 = arith.select %eq3A_658, %jit3A_659, %jit3A_656 : i32
      %rem3A_661 = arith.remsi %while3A_655, %select_n3A_660 : i32
      %ne3A_662 = arith.constant 0 : i32
      %ne3A_663 = arith.cmpi ne, %rem3A_661, %ne3A_662 : i32
      %lt3A_664 = arith.constant 0 : i32
      %lt3A_665 = arith.cmpi slt, %rem3A_661, %lt3A_664 : i32
      %lt3A_666 = arith.constant 0 : i32
      %lt3A_667 = arith.cmpi slt, %select_n3A_660, %lt3A_666 : i32
      %ne3A_668 = arith.xori %lt3A_665, %lt3A_667 : i1
      %and3A_669 = arith.andi %ne3A_668, %ne3A_663 : i1
      %add3A_670 = arith.addi %rem3A_661, %select_n3A_660 : i32
      %select_n3A_671 = arith.select %and3A_669, %add3A_670, %rem3A_661 : i32
      %eq3A_672 = arith.constant 0 : i32
      %eq3A_673 = arith.cmpi eq, %select_n3A_671, %eq3A_672 : i32
      %convert_element_type3A_674 = arith.extui %eq3A_673 : i1 to i32
      %cond3A_675 = arith.constant 0 : i32
      %cond3A_676 = arith.cmpi ne, %convert_element_type3A_674, %cond3A_675 : i32
      scf.if %cond3A_676 {
        %add3A_698 = arith.constant 1 : i32
        %add3A_699 = arith.addi %while3A_655, %add3A_698 : i32
        %lt3A_700 = arith.cmpi slt, %add3A_699, %add3A_638 : i32
        %convert_element_type3A_701 = arith.extui %lt3A_700 : i1 to i32
        %cond3A_702 = arith.constant 0 : i32
        %cond3A_703 = arith.cmpi ne, %convert_element_type3A_701, %cond3A_702 : i32
        scf.if %cond3A_703 {
          %add3A_740 = arith.constant 1 : i32
          %add3A_741 = arith.addi %while3A_655, %add3A_740 : i32
          %ge3A_742 = arith.cmpi sge, %add3A_741, %select_n3A_566 : i32
          %jit3A_743 = arith.constant 1 : i32
          %jit3A_744 = arith.constant 0 : i32
          %select_n3A_745 = arith.select %ge3A_742, %jit3A_743, %jit3A_744 : i32
          %ge3A_746 = arith.cmpi sge, %add3A_741, %add3A_637 : i32
          %jit3A_747 = arith.constant 1 : i32
          %jit3A_748 = arith.constant 0 : i32
          %select_n3A_749 = arith.select %ge3A_746, %jit3A_747, %jit3A_748 : i32
          %add3A_750 = arith.addi %select_n3A_745, %select_n3A_749 : i32
          %eq3A_751 = arith.constant 0 : i32
          %eq3A_752 = arith.cmpi eq, %add3A_750, %eq3A_751 : i32
          %mul3A_753 = arith.constant 128 : i32
          %mul3A_754 = arith.muli %add3A_741, %mul3A_753 : i32
          %add3A_755 = arith.addi %while3A_645, %mul3A_754 : i32
          %eq3A_756 = arith.constant 1 : i32
          %eq3A_757 = arith.cmpi eq, %add3A_750, %eq3A_756 : i32
          %sub3A_758 = arith.subi %add3A_741, %select_n3A_566 : i32
          %mul3A_759 = arith.constant 128 : i32
          %mul3A_760 = arith.muli %sub3A_758, %mul3A_759 : i32
          %add3A_761 = arith.addi %add3A_407, %mul3A_760 : i32
          %sub3A_762 = arith.subi %add3A_741, %add3A_637 : i32
          %mul3A_763 = arith.constant 128 : i32
          %mul3A_764 = arith.muli %sub3A_762, %mul3A_763 : i32
          %add3A_765 = arith.addi %add3A_419, %mul3A_764 : i32
          %select_n3A_766 = arith.select %eq3A_757, %add3A_761, %add3A_765 : i32
          %select_n3A_767 = arith.select %eq3A_752, %add3A_755, %select_n3A_766 : i32
          %multiple_of3A_768 = tpu.assume_multiple %select_n3A_767, 128 : i32
          %dma_start3A = tpu.memref_slice %arg14[%multiple_of3A_768] : memref<5632xi32, #tpu.memory_space<vmem>> -> memref<128xi32, #tpu.memory_space<vmem>>
          %dma_start3A_769 = arith.constant 0 : i32
          %dma_start3A_770 = arith.constant 0 : i32
          %dma_start3A_771 = tpu.memref_slice %arg5[%dma_start3A_769, %dma_start3A_770] : memref<10000x16xf32, #tpu.memory_space<hbm>> -> memref<10000x16xf32, #tpu.memory_space<hbm>>
          tpu.enqueue_indirect_dma source(%dma_start3A_771 : memref<10000x16xf32, #tpu.memory_space<hbm>>) target(%arg21 : memref<128x16xf32, #tpu.memory_space<vmem>>) offsets(%dma_start3A : memref<128xi32, #tpu.memory_space<vmem>>) semaphore(%arg26 : memref<!tpu.dma_semaphore, #tpu.memory_space<semaphore_mem>>)
          %dma_start3A_772 = tpu.memref_slice %arg15[%multiple_of3A_768] : memref<5632xi32, #tpu.memory_space<vmem>> -> memref<128xi32, #tpu.memory_space<vmem>>
          %dma_start3A_773 = arith.constant 0 : i32
          %dma_start3A_774 = arith.constant 0 : i32
          %dma_start3A_775 = tpu.memref_slice %arg5[%dma_start3A_773, %dma_start3A_774] : memref<10000x16xf32, #tpu.memory_space<hbm>> -> memref<10000x16xf32, #tpu.memory_space<hbm>>
          tpu.enqueue_indirect_dma source(%dma_start3A_775 : memref<10000x16xf32, #tpu.memory_space<hbm>>) target(%arg22 : memref<128x16xf32, #tpu.memory_space<vmem>>) offsets(%dma_start3A_772 : memref<128xi32, #tpu.memory_space<vmem>>) semaphore(%arg27 : memref<!tpu.dma_semaphore, #tpu.memory_space<semaphore_mem>>)
        } else {
        }
        %dma_wait3A = arith.constant 0 : i32
        %dma_wait3A_704 = arith.constant 0 : i32
        %dma_wait3A_705 = tpu.memref_slice %arg5[%dma_wait3A, %dma_wait3A_704] : memref<10000x16xf32, #tpu.memory_space<hbm>> -> memref<128x16xf32, #tpu.memory_space<hbm>>
        %dma_wait3A_706 = arith.constant 0 : i32
        %dma_wait3A_707 = arith.constant 0 : i32
        %dma_wait3A_708 = tpu.memref_slice %arg5[%dma_wait3A_706, %dma_wait3A_707] : memref<10000x16xf32, #tpu.memory_space<hbm>> -> memref<128x16xf32, #tpu.memory_space<hbm>>
        tpu.wait_dma2 semaphore(%arg24 : memref<!tpu.dma_semaphore, #tpu.memory_space<semaphore_mem>>) src(%dma_wait3A_708 : memref<128x16xf32, #tpu.memory_space<hbm>>) dst(%arg19 : memref<128x16xf32, #tpu.memory_space<vmem>>)
        %dma_wait3A_709 = arith.constant 0 : i32
        %dma_wait3A_710 = arith.constant 0 : i32
        %dma_wait3A_711 = tpu.memref_slice %arg5[%dma_wait3A_709, %dma_wait3A_710] : memref<10000x16xf32, #tpu.memory_space<hbm>> -> memref<128x16xf32, #tpu.memory_space<hbm>>
        %dma_wait3A_712 = arith.constant 0 : i32
        %dma_wait3A_713 = arith.constant 0 : i32
        %dma_wait3A_714 = tpu.memref_slice %arg5[%dma_wait3A_712, %dma_wait3A_713] : memref<10000x16xf32, #tpu.memory_space<hbm>> -> memref<128x16xf32, #tpu.memory_space<hbm>>
        tpu.wait_dma2 semaphore(%arg25 : memref<!tpu.dma_semaphore, #tpu.memory_space<semaphore_mem>>) src(%dma_wait3A_714 : memref<128x16xf32, #tpu.memory_space<hbm>>) dst(%arg20 : memref<128x16xf32, #tpu.memory_space<vmem>>)
        %ge3A = arith.cmpi sge, %while3A_655, %select_n3A_566 : i32
        %jit3A_715 = arith.constant 1 : i32
        %jit3A_716 = arith.constant 0 : i32
        %select_n3A_717 = arith.select %ge3A, %jit3A_715, %jit3A_716 : i32
        %ge3A_718 = arith.cmpi sge, %while3A_655, %add3A_637 : i32
        %jit3A_719 = arith.constant 1 : i32
        %jit3A_720 = arith.constant 0 : i32
        %select_n3A_721 = arith.select %ge3A_718, %jit3A_719, %jit3A_720 : i32
        %add3A_722 = arith.addi %select_n3A_717, %select_n3A_721 : i32
        %eq3A_723 = arith.constant 0 : i32
        %eq3A_724 = arith.cmpi eq, %add3A_722, %eq3A_723 : i32
        %mul3A_725 = arith.constant 128 : i32
        %mul3A_726 = arith.muli %while3A_655, %mul3A_725 : i32
        %add3A_727 = arith.addi %add3A_459, %mul3A_726 : i32
        %eq3A_728 = arith.constant 1 : i32
        %eq3A_729 = arith.cmpi eq, %add3A_722, %eq3A_728 : i32
        %sub3A_730 = arith.subi %while3A_655, %select_n3A_566 : i32
        %mul3A_731 = arith.constant 128 : i32
        %mul3A_732 = arith.muli %sub3A_730, %mul3A_731 : i32
        %add3A_733 = arith.addi %add3A_474, %mul3A_732 : i32
        %sub3A_734 = arith.subi %while3A_655, %add3A_637 : i32
        %mul3A_735 = arith.constant 128 : i32
        %mul3A_736 = arith.muli %sub3A_734, %mul3A_735 : i32
        %add3A_737 = arith.addi %add3A_489, %mul3A_736 : i32
        %select_n3A_738 = arith.select %eq3A_729, %add3A_733, %add3A_737 : i32
        %select_n3A_739 = arith.select %eq3A_724, %add3A_727, %select_n3A_738 : i32
        %multiple_of3A = tpu.assume_multiple %select_n3A_739, 128 : i32
        "tpu.region"() ({
          %run_scoped3A = tpu.sem_alloc : memref<!tpu.dma_semaphore, #tpu.memory_space<semaphore_mem>>
          %dma_start3A = arith.constant 0 : i32
          %dma_start3A_740 = tpu.memref_slice %arg6[%multiple_of3A, %dma_start3A] : memref<204800x16xf32, #tpu.memory_space<hbm>> -> memref<128x16xf32, #tpu.memory_space<hbm>>
          %dma_start3A_741 = arith.constant 0 : i32
          %dma_start3A_742 = tpu.memref_slice %arg6[%multiple_of3A, %dma_start3A_741] : memref<204800x16xf32, #tpu.memory_space<hbm>> -> memref<128x16xf32, #tpu.memory_space<hbm>>
          tpu.enqueue_dma source(%arg19 : memref<128x16xf32, #tpu.memory_space<vmem>>) target(%dma_start3A_742 : memref<128x16xf32, #tpu.memory_space<hbm>>) target_semaphore(%run_scoped3A : memref<!tpu.dma_semaphore, #tpu.memory_space<semaphore_mem>>)
          %dma_wait3A_743 = arith.constant 0 : i32
          %dma_wait3A_744 = tpu.memref_slice %arg6[%multiple_of3A, %dma_wait3A_743] : memref<204800x16xf32, #tpu.memory_space<hbm>> -> memref<128x16xf32, #tpu.memory_space<hbm>>
          %dma_wait3A_745 = arith.constant 0 : i32
          %dma_wait3A_746 = tpu.memref_slice %arg6[%multiple_of3A, %dma_wait3A_745] : memref<204800x16xf32, #tpu.memory_space<hbm>> -> memref<128x16xf32, #tpu.memory_space<hbm>>
          tpu.wait_dma2 semaphore(%run_scoped3A : memref<!tpu.dma_semaphore, #tpu.memory_space<semaphore_mem>>) src(%arg19 : memref<128x16xf32, #tpu.memory_space<vmem>>) dst(%dma_wait3A_746 : memref<128x16xf32, #tpu.memory_space<hbm>>)
          tpu.yield
        }) : () -> ()
        "tpu.region"() ({
          %run_scoped3A = tpu.sem_alloc : memref<!tpu.dma_semaphore, #tpu.memory_space<semaphore_mem>>
          %dma_start3A = arith.constant 0 : i32
          %dma_start3A_740 = tpu.memref_slice %arg7[%multiple_of3A, %dma_start3A] : memref<204800x16xf32, #tpu.memory_space<hbm>> -> memref<128x16xf32, #tpu.memory_space<hbm>>
          %dma_start3A_741 = arith.constant 0 : i32
          %dma_start3A_742 = tpu.memref_slice %arg7[%multiple_of3A, %dma_start3A_741] : memref<204800x16xf32, #tpu.memory_space<hbm>> -> memref<128x16xf32, #tpu.memory_space<hbm>>
          tpu.enqueue_dma source(%arg20 : memref<128x16xf32, #tpu.memory_space<vmem>>) target(%dma_start3A_742 : memref<128x16xf32, #tpu.memory_space<hbm>>) target_semaphore(%run_scoped3A : memref<!tpu.dma_semaphore, #tpu.memory_space<semaphore_mem>>)
          %dma_wait3A_743 = arith.constant 0 : i32
          %dma_wait3A_744 = tpu.memref_slice %arg7[%multiple_of3A, %dma_wait3A_743] : memref<204800x16xf32, #tpu.memory_space<hbm>> -> memref<128x16xf32, #tpu.memory_space<hbm>>
          %dma_wait3A_745 = arith.constant 0 : i32
          %dma_wait3A_746 = tpu.memref_slice %arg7[%multiple_of3A, %dma_wait3A_745] : memref<204800x16xf32, #tpu.memory_space<hbm>> -> memref<128x16xf32, #tpu.memory_space<hbm>>
          tpu.wait_dma2 semaphore(%run_scoped3A : memref<!tpu.dma_semaphore, #tpu.memory_space<semaphore_mem>>) src(%arg20 : memref<128x16xf32, #tpu.memory_space<vmem>>) dst(%dma_wait3A_746 : memref<128x16xf32, #tpu.memory_space<hbm>>)
          tpu.yield
        }) : () -> ()
      } else {
      }
      %jit3A_677 = arith.constant 2 : i32
      %eq3A_678 = arith.constant 0 : i32
      %eq3A_679 = arith.cmpi eq, %jit3A_677, %eq3A_678 : i32
      %jit3A_680 = arith.constant 1 : i32
      %select_n3A_681 = arith.select %eq3A_679, %jit3A_680, %jit3A_677 : i32
      %rem3A_682 = arith.remsi %while3A_655, %select_n3A_681 : i32
      %ne3A_683 = arith.constant 0 : i32
      %ne3A_684 = arith.cmpi ne, %rem3A_682, %ne3A_683 : i32
      %lt3A_685 = arith.constant 0 : i32
      %lt3A_686 = arith.cmpi slt, %rem3A_682, %lt3A_685 : i32
      %lt3A_687 = arith.constant 0 : i32
      %lt3A_688 = arith.cmpi slt, %select_n3A_681, %lt3A_687 : i32
      %ne3A_689 = arith.xori %lt3A_686, %lt3A_688 : i1
      %and3A_690 = arith.andi %ne3A_689, %ne3A_684 : i1
      %add3A_691 = arith.addi %rem3A_682, %select_n3A_681 : i32
      %select_n3A_692 = arith.select %and3A_690, %add3A_691, %rem3A_682 : i32
      %eq3A_693 = arith.constant 1 : i32
      %eq3A_694 = arith.cmpi eq, %select_n3A_692, %eq3A_693 : i32
      %convert_element_type3A_695 = arith.extui %eq3A_694 : i1 to i32
      %cond3A_696 = arith.constant 0 : i32
      %cond3A_697 = arith.cmpi ne, %convert_element_type3A_695, %cond3A_696 : i32
      scf.if %cond3A_697 {
        %add3A_698 = arith.constant 1 : i32
        %add3A_699 = arith.addi %while3A_655, %add3A_698 : i32
        %lt3A_700 = arith.cmpi slt, %add3A_699, %add3A_638 : i32
        %convert_element_type3A_701 = arith.extui %lt3A_700 : i1 to i32
        %cond3A_702 = arith.constant 0 : i32
        %cond3A_703 = arith.cmpi ne, %convert_element_type3A_701, %cond3A_702 : i32
        scf.if %cond3A_703 {
          %add3A_740 = arith.constant 1 : i32
          %add3A_741 = arith.addi %while3A_655, %add3A_740 : i32
          %ge3A_742 = arith.cmpi sge, %add3A_741, %select_n3A_566 : i32
          %jit3A_743 = arith.constant 1 : i32
          %jit3A_744 = arith.constant 0 : i32
          %select_n3A_745 = arith.select %ge3A_742, %jit3A_743, %jit3A_744 : i32
          %ge3A_746 = arith.cmpi sge, %add3A_741, %add3A_637 : i32
          %jit3A_747 = arith.constant 1 : i32
          %jit3A_748 = arith.constant 0 : i32
          %select_n3A_749 = arith.select %ge3A_746, %jit3A_747, %jit3A_748 : i32
          %add3A_750 = arith.addi %select_n3A_745, %select_n3A_749 : i32
          %eq3A_751 = arith.constant 0 : i32
          %eq3A_752 = arith.cmpi eq, %add3A_750, %eq3A_751 : i32
          %mul3A_753 = arith.constant 128 : i32
          %mul3A_754 = arith.muli %add3A_741, %mul3A_753 : i32
          %add3A_755 = arith.addi %while3A_645, %mul3A_754 : i32
          %eq3A_756 = arith.constant 1 : i32
          %eq3A_757 = arith.cmpi eq, %add3A_750, %eq3A_756 : i32
          %sub3A_758 = arith.subi %add3A_741, %select_n3A_566 : i32
          %mul3A_759 = arith.constant 128 : i32
          %mul3A_760 = arith.muli %sub3A_758, %mul3A_759 : i32
          %add3A_761 = arith.addi %add3A_407, %mul3A_760 : i32
          %sub3A_762 = arith.subi %add3A_741, %add3A_637 : i32
          %mul3A_763 = arith.constant 128 : i32
          %mul3A_764 = arith.muli %sub3A_762, %mul3A_763 : i32
          %add3A_765 = arith.addi %add3A_419, %mul3A_764 : i32
          %select_n3A_766 = arith.select %eq3A_757, %add3A_761, %add3A_765 : i32
          %select_n3A_767 = arith.select %eq3A_752, %add3A_755, %select_n3A_766 : i32
          %multiple_of3A_768 = tpu.assume_multiple %select_n3A_767, 128 : i32
          %dma_start3A = tpu.memref_slice %arg14[%multiple_of3A_768] : memref<5632xi32, #tpu.memory_space<vmem>> -> memref<128xi32, #tpu.memory_space<vmem>>
          %dma_start3A_769 = arith.constant 0 : i32
          %dma_start3A_770 = arith.constant 0 : i32
          %dma_start3A_771 = tpu.memref_slice %arg5[%dma_start3A_769, %dma_start3A_770] : memref<10000x16xf32, #tpu.memory_space<hbm>> -> memref<10000x16xf32, #tpu.memory_space<hbm>>
          tpu.enqueue_indirect_dma source(%dma_start3A_771 : memref<10000x16xf32, #tpu.memory_space<hbm>>) target(%arg19 : memref<128x16xf32, #tpu.memory_space<vmem>>) offsets(%dma_start3A : memref<128xi32, #tpu.memory_space<vmem>>) semaphore(%arg24 : memref<!tpu.dma_semaphore, #tpu.memory_space<semaphore_mem>>)
          %dma_start3A_772 = tpu.memref_slice %arg15[%multiple_of3A_768] : memref<5632xi32, #tpu.memory_space<vmem>> -> memref<128xi32, #tpu.memory_space<vmem>>
          %dma_start3A_773 = arith.constant 0 : i32
          %dma_start3A_774 = arith.constant 0 : i32
          %dma_start3A_775 = tpu.memref_slice %arg5[%dma_start3A_773, %dma_start3A_774] : memref<10000x16xf32, #tpu.memory_space<hbm>> -> memref<10000x16xf32, #tpu.memory_space<hbm>>
          tpu.enqueue_indirect_dma source(%dma_start3A_775 : memref<10000x16xf32, #tpu.memory_space<hbm>>) target(%arg20 : memref<128x16xf32, #tpu.memory_space<vmem>>) offsets(%dma_start3A_772 : memref<128xi32, #tpu.memory_space<vmem>>) semaphore(%arg25 : memref<!tpu.dma_semaphore, #tpu.memory_space<semaphore_mem>>)
        } else {
        }
        %dma_wait3A = arith.constant 0 : i32
        %dma_wait3A_704 = arith.constant 0 : i32
        %dma_wait3A_705 = tpu.memref_slice %arg5[%dma_wait3A, %dma_wait3A_704] : memref<10000x16xf32, #tpu.memory_space<hbm>> -> memref<128x16xf32, #tpu.memory_space<hbm>>
        %dma_wait3A_706 = arith.constant 0 : i32
        %dma_wait3A_707 = arith.constant 0 : i32
        %dma_wait3A_708 = tpu.memref_slice %arg5[%dma_wait3A_706, %dma_wait3A_707] : memref<10000x16xf32, #tpu.memory_space<hbm>> -> memref<128x16xf32, #tpu.memory_space<hbm>>
        tpu.wait_dma2 semaphore(%arg26 : memref<!tpu.dma_semaphore, #tpu.memory_space<semaphore_mem>>) src(%dma_wait3A_708 : memref<128x16xf32, #tpu.memory_space<hbm>>) dst(%arg21 : memref<128x16xf32, #tpu.memory_space<vmem>>)
        %dma_wait3A_709 = arith.constant 0 : i32
        %dma_wait3A_710 = arith.constant 0 : i32
        %dma_wait3A_711 = tpu.memref_slice %arg5[%dma_wait3A_709, %dma_wait3A_710] : memref<10000x16xf32, #tpu.memory_space<hbm>> -> memref<128x16xf32, #tpu.memory_space<hbm>>
        %dma_wait3A_712 = arith.constant 0 : i32
        %dma_wait3A_713 = arith.constant 0 : i32
        %dma_wait3A_714 = tpu.memref_slice %arg5[%dma_wait3A_712, %dma_wait3A_713] : memref<10000x16xf32, #tpu.memory_space<hbm>> -> memref<128x16xf32, #tpu.memory_space<hbm>>
        tpu.wait_dma2 semaphore(%arg27 : memref<!tpu.dma_semaphore, #tpu.memory_space<semaphore_mem>>) src(%dma_wait3A_714 : memref<128x16xf32, #tpu.memory_space<hbm>>) dst(%arg22 : memref<128x16xf32, #tpu.memory_space<vmem>>)
        %ge3A = arith.cmpi sge, %while3A_655, %select_n3A_566 : i32
        %jit3A_715 = arith.constant 1 : i32
        %jit3A_716 = arith.constant 0 : i32
        %select_n3A_717 = arith.select %ge3A, %jit3A_715, %jit3A_716 : i32
        %ge3A_718 = arith.cmpi sge, %while3A_655, %add3A_637 : i32
        %jit3A_719 = arith.constant 1 : i32
        %jit3A_720 = arith.constant 0 : i32
        %select_n3A_721 = arith.select %ge3A_718, %jit3A_719, %jit3A_720 : i32
        %add3A_722 = arith.addi %select_n3A_717, %select_n3A_721 : i32
        %eq3A_723 = arith.constant 0 : i32
        %eq3A_724 = arith.cmpi eq, %add3A_722, %eq3A_723 : i32
        %mul3A_725 = arith.constant 128 : i32
        %mul3A_726 = arith.muli %while3A_655, %mul3A_725 : i32
        %add3A_727 = arith.addi %add3A_459, %mul3A_726 : i32
        %eq3A_728 = arith.constant 1 : i32
        %eq3A_729 = arith.cmpi eq, %add3A_722, %eq3A_728 : i32
        %sub3A_730 = arith.subi %while3A_655, %select_n3A_566 : i32
        %mul3A_731 = arith.constant 128 : i32
        %mul3A_732 = arith.muli %sub3A_730, %mul3A_731 : i32
        %add3A_733 = arith.addi %add3A_474, %mul3A_732 : i32
        %sub3A_734 = arith.subi %while3A_655, %add3A_637 : i32
        %mul3A_735 = arith.constant 128 : i32
        %mul3A_736 = arith.muli %sub3A_734, %mul3A_735 : i32
        %add3A_737 = arith.addi %add3A_489, %mul3A_736 : i32
        %select_n3A_738 = arith.select %eq3A_729, %add3A_733, %add3A_737 : i32
        %select_n3A_739 = arith.select %eq3A_724, %add3A_727, %select_n3A_738 : i32
        %multiple_of3A = tpu.assume_multiple %select_n3A_739, 128 : i32
        "tpu.region"() ({
          %run_scoped3A = tpu.sem_alloc : memref<!tpu.dma_semaphore, #tpu.memory_space<semaphore_mem>>
          %dma_start3A = arith.constant 0 : i32
          %dma_start3A_740 = tpu.memref_slice %arg6[%multiple_of3A, %dma_start3A] : memref<204800x16xf32, #tpu.memory_space<hbm>> -> memref<128x16xf32, #tpu.memory_space<hbm>>
          %dma_start3A_741 = arith.constant 0 : i32
          %dma_start3A_742 = tpu.memref_slice %arg6[%multiple_of3A, %dma_start3A_741] : memref<204800x16xf32, #tpu.memory_space<hbm>> -> memref<128x16xf32, #tpu.memory_space<hbm>>
          tpu.enqueue_dma source(%arg21 : memref<128x16xf32, #tpu.memory_space<vmem>>) target(%dma_start3A_742 : memref<128x16xf32, #tpu.memory_space<hbm>>) target_semaphore(%run_scoped3A : memref<!tpu.dma_semaphore, #tpu.memory_space<semaphore_mem>>)
          %dma_wait3A_743 = arith.constant 0 : i32
          %dma_wait3A_744 = tpu.memref_slice %arg6[%multiple_of3A, %dma_wait3A_743] : memref<204800x16xf32, #tpu.memory_space<hbm>> -> memref<128x16xf32, #tpu.memory_space<hbm>>
          %dma_wait3A_745 = arith.constant 0 : i32
          %dma_wait3A_746 = tpu.memref_slice %arg6[%multiple_of3A, %dma_wait3A_745] : memref<204800x16xf32, #tpu.memory_space<hbm>> -> memref<128x16xf32, #tpu.memory_space<hbm>>
          tpu.wait_dma2 semaphore(%run_scoped3A : memref<!tpu.dma_semaphore, #tpu.memory_space<semaphore_mem>>) src(%arg21 : memref<128x16xf32, #tpu.memory_space<vmem>>) dst(%dma_wait3A_746 : memref<128x16xf32, #tpu.memory_space<hbm>>)
          tpu.yield
        }) : () -> ()
        "tpu.region"() ({
          %run_scoped3A = tpu.sem_alloc : memref<!tpu.dma_semaphore, #tpu.memory_space<semaphore_mem>>
          %dma_start3A = arith.constant 0 : i32
          %dma_start3A_740 = tpu.memref_slice %arg7[%multiple_of3A, %dma_start3A] : memref<204800x16xf32, #tpu.memory_space<hbm>> -> memref<128x16xf32, #tpu.memory_space<hbm>>
          %dma_start3A_741 = arith.constant 0 : i32
          %dma_start3A_742 = tpu.memref_slice %arg7[%multiple_of3A, %dma_start3A_741] : memref<204800x16xf32, #tpu.memory_space<hbm>> -> memref<128x16xf32, #tpu.memory_space<hbm>>
          tpu.enqueue_dma source(%arg22 : memref<128x16xf32, #tpu.memory_space<vmem>>) target(%dma_start3A_742 : memref<128x16xf32, #tpu.memory_space<hbm>>) target_semaphore(%run_scoped3A : memref<!tpu.dma_semaphore, #tpu.memory_space<semaphore_mem>>)
          %dma_wait3A_743 = arith.constant 0 : i32
          %dma_wait3A_744 = tpu.memref_slice %arg7[%multiple_of3A, %dma_wait3A_743] : memref<204800x16xf32, #tpu.memory_space<hbm>> -> memref<128x16xf32, #tpu.memory_space<hbm>>
          %dma_wait3A_745 = arith.constant 0 : i32
          %dma_wait3A_746 = tpu.memref_slice %arg7[%multiple_of3A, %dma_wait3A_745] : memref<204800x16xf32, #tpu.memory_space<hbm>> -> memref<128x16xf32, #tpu.memory_space<hbm>>
          tpu.wait_dma2 semaphore(%run_scoped3A : memref<!tpu.dma_semaphore, #tpu.memory_space<semaphore_mem>>) src(%arg22 : memref<128x16xf32, #tpu.memory_space<vmem>>) dst(%dma_wait3A_746 : memref<128x16xf32, #tpu.memory_space<hbm>>)
          tpu.yield
        }) : () -> ()
      } else {
      }
    }
    return
  }
}

#map = affine_map<(d0, d1) -> (0)>
#map1 = affine_map<(d0, d1) -> (0, 0)>
module attributes {stable_mosaic.version = 14 : i64} {
  func.func @_unsort_body(%arg0: i32, %arg1: i32, %arg2: memref<163840xi32, #tpu.memory_space<hbm>>, %arg3: memref<204800x128xf32, #tpu.memory_space<hbm>>, %arg4: memref<160000x128xf32, #tpu.memory_space<hbm>>, %arg5: memref<5000xi32, #tpu.memory_space<vmem>>, %arg6: memref<128x128xf32, #tpu.memory_space<vmem>>, %arg7: memref<128x128xf32, #tpu.memory_space<vmem>>, %arg8: memref<8x128xf32, #tpu.memory_space<vmem>>, %arg9: memref<!tpu.dma_semaphore, #tpu.memory_space<semaphore_mem>>, %arg10: memref<!tpu.dma_semaphore, #tpu.memory_space<semaphore_mem>>, %arg11: memref<!tpu.dma_semaphore, #tpu.memory_space<semaphore_mem>>) attributes {dimension_semantics = [#tpu.dimension_semantics<core_parallel>, #tpu.dimension_semantics<subcore_parallel>], iteration_bounds = array<i64: 2, 16>, scalar_prefetch = 0 : i64, scratch_operands = 7 : i64, tpu.core_type = #tpu.core_type<sc_vector_subcore>, window_params = [{transform_indices = #map}, {transform_indices = #map1}, {transform_indices = #map1}]} {
    %mul3A = arith.constant 16 : i32
    %mul3A_0 = arith.muli %arg0, %mul3A : i32
    %add3A = arith.addi %mul3A_0, %arg1 : i32
    %mul3A_1 = arith.constant 5000 : i32
    %mul3A_2 = arith.muli %add3A, %mul3A_1 : i32
    "tpu.region"() ({
      %run_scoped3A = tpu.sem_alloc : memref<!tpu.dma_semaphore, #tpu.memory_space<semaphore_mem>>
      %dma_start3A_32 = tpu.memref_slice %arg2[%mul3A_2] : memref<163840xi32, #tpu.memory_space<hbm>> -> memref<5000xi32, #tpu.memory_space<hbm>>
      %dma_start3A_33 = tpu.memref_slice %arg2[%mul3A_2] : memref<163840xi32, #tpu.memory_space<hbm>> -> memref<5000xi32, #tpu.memory_space<hbm>>
      tpu.enqueue_dma source(%dma_start3A_33 : memref<5000xi32, #tpu.memory_space<hbm>>) target(%arg5 : memref<5000xi32, #tpu.memory_space<vmem>>) target_semaphore(%run_scoped3A : memref<!tpu.dma_semaphore, #tpu.memory_space<semaphore_mem>>)
      %dma_wait3A_34 = tpu.memref_slice %arg2[%mul3A_2] : memref<163840xi32, #tpu.memory_space<hbm>> -> memref<5000xi32, #tpu.memory_space<hbm>>
      %dma_wait3A_35 = tpu.memref_slice %arg2[%mul3A_2] : memref<163840xi32, #tpu.memory_space<hbm>> -> memref<5000xi32, #tpu.memory_space<hbm>>
      tpu.wait_dma2 semaphore(%run_scoped3A : memref<!tpu.dma_semaphore, #tpu.memory_space<semaphore_mem>>) src(%dma_wait3A_35 : memref<5000xi32, #tpu.memory_space<hbm>>) dst(%arg5 : memref<5000xi32, #tpu.memory_space<vmem>>)
      tpu.yield
    }) : () -> ()
    %dma_start3A = arith.constant 0 : i32
    %dma_start3A_3 = tpu.memref_slice %arg5[%dma_start3A] : memref<5000xi32, #tpu.memory_space<vmem>> -> memref<128xi32, #tpu.memory_space<vmem>>
    %dma_start3A_4 = arith.constant 0 : i32
    %dma_start3A_5 = arith.constant 0 : i32
    %dma_start3A_6 = tpu.memref_slice %arg3[%dma_start3A_4, %dma_start3A_5] : memref<204800x128xf32, #tpu.memory_space<hbm>> -> memref<204800x128xf32, #tpu.memory_space<hbm>>
    tpu.enqueue_indirect_dma source(%dma_start3A_6 : memref<204800x128xf32, #tpu.memory_space<hbm>>) target(%arg6 : memref<128x128xf32, #tpu.memory_space<vmem>>) offsets(%dma_start3A_3 : memref<128xi32, #tpu.memory_space<vmem>>) semaphore(%arg9 : memref<!tpu.dma_semaphore, #tpu.memory_space<semaphore_mem>>)
    %scan3A = arith.constant 0 : i32
    %scan3A_7 = arith.constant 0 : i32
    %scan3A_8 = arith.constant 19 : i32
    %scan3A_9 = arith.addi %scan3A_7, %scan3A_8 : i32
    %scan3A_10 = arith.constant 1 : i32
    scf.for %scan3A_32 = %scan3A_7 to %scan3A_9 step %scan3A_10  : i32 {
      %mul3A_33 = arith.constant 2 : i32
      %mul3A_34 = arith.muli %scan3A_32, %mul3A_33 : i32
      %add3A_35 = arith.constant 1 : i32
      %add3A_36 = arith.addi %mul3A_34, %add3A_35 : i32
      %mul3A_37 = arith.constant 128 : i32
      %mul3A_38 = arith.muli %add3A_36, %mul3A_37 : i32
      %dma_start3A_39 = tpu.memref_slice %arg5[%mul3A_38] : memref<5000xi32, #tpu.memory_space<vmem>> -> memref<128xi32, #tpu.memory_space<vmem>>
      %dma_start3A_40 = arith.constant 0 : i32
      %dma_start3A_41 = arith.constant 0 : i32
      %dma_start3A_42 = tpu.memref_slice %arg3[%dma_start3A_40, %dma_start3A_41] : memref<204800x128xf32, #tpu.memory_space<hbm>> -> memref<204800x128xf32, #tpu.memory_space<hbm>>
      tpu.enqueue_indirect_dma source(%dma_start3A_42 : memref<204800x128xf32, #tpu.memory_space<hbm>>) target(%arg7 : memref<128x128xf32, #tpu.memory_space<vmem>>) offsets(%dma_start3A_39 : memref<128xi32, #tpu.memory_space<vmem>>) semaphore(%arg10 : memref<!tpu.dma_semaphore, #tpu.memory_space<semaphore_mem>>)
      %dma_wait3A_43 = arith.constant 0 : i32
      %dma_wait3A_44 = arith.constant 0 : i32
      %dma_wait3A_45 = tpu.memref_slice %arg3[%dma_wait3A_43, %dma_wait3A_44] : memref<204800x128xf32, #tpu.memory_space<hbm>> -> memref<128x128xf32, #tpu.memory_space<hbm>>
      %dma_wait3A_46 = arith.constant 0 : i32
      %dma_wait3A_47 = arith.constant 0 : i32
      %dma_wait3A_48 = tpu.memref_slice %arg3[%dma_wait3A_46, %dma_wait3A_47] : memref<204800x128xf32, #tpu.memory_space<hbm>> -> memref<128x128xf32, #tpu.memory_space<hbm>>
      tpu.wait_dma2 semaphore(%arg9 : memref<!tpu.dma_semaphore, #tpu.memory_space<semaphore_mem>>) src(%dma_wait3A_48 : memref<128x128xf32, #tpu.memory_space<hbm>>) dst(%arg6 : memref<128x128xf32, #tpu.memory_space<vmem>>)
      %mul3A_49 = arith.constant 128 : i32
      %mul3A_50 = arith.muli %mul3A_34, %mul3A_49 : i32
      %add3A_51 = arith.addi %mul3A_2, %mul3A_50 : i32
      "tpu.region"() ({
        %run_scoped3A = tpu.sem_alloc : memref<!tpu.dma_semaphore, #tpu.memory_space<semaphore_mem>>
        %dma_start3A_71 = arith.constant 0 : i32
        %dma_start3A_72 = tpu.memref_slice %arg4[%add3A_51, %dma_start3A_71] : memref<160000x128xf32, #tpu.memory_space<hbm>> -> memref<128x128xf32, #tpu.memory_space<hbm>>
        %dma_start3A_73 = arith.constant 0 : i32
        %dma_start3A_74 = tpu.memref_slice %arg4[%add3A_51, %dma_start3A_73] : memref<160000x128xf32, #tpu.memory_space<hbm>> -> memref<128x128xf32, #tpu.memory_space<hbm>>
        tpu.enqueue_dma source(%arg6 : memref<128x128xf32, #tpu.memory_space<vmem>>) target(%dma_start3A_74 : memref<128x128xf32, #tpu.memory_space<hbm>>) target_semaphore(%run_scoped3A : memref<!tpu.dma_semaphore, #tpu.memory_space<semaphore_mem>>)
        %dma_wait3A_75 = arith.constant 0 : i32
        %dma_wait3A_76 = tpu.memref_slice %arg4[%add3A_51, %dma_wait3A_75] : memref<160000x128xf32, #tpu.memory_space<hbm>> -> memref<128x128xf32, #tpu.memory_space<hbm>>
        %dma_wait3A_77 = arith.constant 0 : i32
        %dma_wait3A_78 = tpu.memref_slice %arg4[%add3A_51, %dma_wait3A_77] : memref<160000x128xf32, #tpu.memory_space<hbm>> -> memref<128x128xf32, #tpu.memory_space<hbm>>
        tpu.wait_dma2 semaphore(%run_scoped3A : memref<!tpu.dma_semaphore, #tpu.memory_space<semaphore_mem>>) src(%arg6 : memref<128x128xf32, #tpu.memory_space<vmem>>) dst(%dma_wait3A_78 : memref<128x128xf32, #tpu.memory_space<hbm>>)
        tpu.yield
      }) : () -> ()
      %add3A_52 = arith.constant 2 : i32
      %add3A_53 = arith.addi %mul3A_34, %add3A_52 : i32
      %mul3A_54 = arith.constant 128 : i32
      %mul3A_55 = arith.muli %add3A_53, %mul3A_54 : i32
      %dma_start3A_56 = tpu.memref_slice %arg5[%mul3A_55] : memref<5000xi32, #tpu.memory_space<vmem>> -> memref<128xi32, #tpu.memory_space<vmem>>
      %dma_start3A_57 = arith.constant 0 : i32
      %dma_start3A_58 = arith.constant 0 : i32
      %dma_start3A_59 = tpu.memref_slice %arg3[%dma_start3A_57, %dma_start3A_58] : memref<204800x128xf32, #tpu.memory_space<hbm>> -> memref<204800x128xf32, #tpu.memory_space<hbm>>
      tpu.enqueue_indirect_dma source(%dma_start3A_59 : memref<204800x128xf32, #tpu.memory_space<hbm>>) target(%arg6 : memref<128x128xf32, #tpu.memory_space<vmem>>) offsets(%dma_start3A_56 : memref<128xi32, #tpu.memory_space<vmem>>) semaphore(%arg9 : memref<!tpu.dma_semaphore, #tpu.memory_space<semaphore_mem>>)
      %add3A_60 = arith.constant 1 : i32
      %add3A_61 = arith.addi %mul3A_34, %add3A_60 : i32
      %dma_wait3A_62 = arith.constant 0 : i32
      %dma_wait3A_63 = arith.constant 0 : i32
      %dma_wait3A_64 = tpu.memref_slice %arg3[%dma_wait3A_62, %dma_wait3A_63] : memref<204800x128xf32, #tpu.memory_space<hbm>> -> memref<128x128xf32, #tpu.memory_space<hbm>>
      %dma_wait3A_65 = arith.constant 0 : i32
      %dma_wait3A_66 = arith.constant 0 : i32
      %dma_wait3A_67 = tpu.memref_slice %arg3[%dma_wait3A_65, %dma_wait3A_66] : memref<204800x128xf32, #tpu.memory_space<hbm>> -> memref<128x128xf32, #tpu.memory_space<hbm>>
      tpu.wait_dma2 semaphore(%arg10 : memref<!tpu.dma_semaphore, #tpu.memory_space<semaphore_mem>>) src(%dma_wait3A_67 : memref<128x128xf32, #tpu.memory_space<hbm>>) dst(%arg7 : memref<128x128xf32, #tpu.memory_space<vmem>>)
      %mul3A_68 = arith.constant 128 : i32
      %mul3A_69 = arith.muli %add3A_61, %mul3A_68 : i32
      %add3A_70 = arith.addi %mul3A_2, %mul3A_69 : i32
      "tpu.region"() ({
        %run_scoped3A = tpu.sem_alloc : memref<!tpu.dma_semaphore, #tpu.memory_space<semaphore_mem>>
        %dma_start3A_71 = arith.constant 0 : i32
        %dma_start3A_72 = tpu.memref_slice %arg4[%add3A_70, %dma_start3A_71] : memref<160000x128xf32, #tpu.memory_space<hbm>> -> memref<128x128xf32, #tpu.memory_space<hbm>>
        %dma_start3A_73 = arith.constant 0 : i32
        %dma_start3A_74 = tpu.memref_slice %arg4[%add3A_70, %dma_start3A_73] : memref<160000x128xf32, #tpu.memory_space<hbm>> -> memref<128x128xf32, #tpu.memory_space<hbm>>
        tpu.enqueue_dma source(%arg7 : memref<128x128xf32, #tpu.memory_space<vmem>>) target(%dma_start3A_74 : memref<128x128xf32, #tpu.memory_space<hbm>>) target_semaphore(%run_scoped3A : memref<!tpu.dma_semaphore, #tpu.memory_space<semaphore_mem>>)
        %dma_wait3A_75 = arith.constant 0 : i32
        %dma_wait3A_76 = tpu.memref_slice %arg4[%add3A_70, %dma_wait3A_75] : memref<160000x128xf32, #tpu.memory_space<hbm>> -> memref<128x128xf32, #tpu.memory_space<hbm>>
        %dma_wait3A_77 = arith.constant 0 : i32
        %dma_wait3A_78 = tpu.memref_slice %arg4[%add3A_70, %dma_wait3A_77] : memref<160000x128xf32, #tpu.memory_space<hbm>> -> memref<128x128xf32, #tpu.memory_space<hbm>>
        tpu.wait_dma2 semaphore(%run_scoped3A : memref<!tpu.dma_semaphore, #tpu.memory_space<semaphore_mem>>) src(%arg7 : memref<128x128xf32, #tpu.memory_space<vmem>>) dst(%dma_wait3A_78 : memref<128x128xf32, #tpu.memory_space<hbm>>)
        tpu.yield
      }) : () -> ()
    }
    %scan3A_11 = arith.constant 19 : i32
    %dma_start3A_12 = arith.constant 4992 : i32
    %dma_start3A_13 = tpu.memref_slice %arg5[%dma_start3A_12] : memref<5000xi32, #tpu.memory_space<vmem>> -> memref<8xi32, #tpu.memory_space<vmem>>
    %dma_start3A_14 = arith.constant 0 : i32
    %dma_start3A_15 = arith.constant 0 : i32
    %dma_start3A_16 = tpu.memref_slice %arg3[%dma_start3A_14, %dma_start3A_15] : memref<204800x128xf32, #tpu.memory_space<hbm>> -> memref<204800x128xf32, #tpu.memory_space<hbm>>
    tpu.enqueue_indirect_dma source(%dma_start3A_16 : memref<204800x128xf32, #tpu.memory_space<hbm>>) target(%arg8 : memref<8x128xf32, #tpu.memory_space<vmem>>) offsets(%dma_start3A_13 : memref<8xi32, #tpu.memory_space<vmem>>) semaphore(%arg11 : memref<!tpu.dma_semaphore, #tpu.memory_space<semaphore_mem>>)
    %dma_wait3A = arith.constant 0 : i32
    %dma_wait3A_17 = arith.constant 0 : i32
    %dma_wait3A_18 = tpu.memref_slice %arg3[%dma_wait3A, %dma_wait3A_17] : memref<204800x128xf32, #tpu.memory_space<hbm>> -> memref<128x128xf32, #tpu.memory_space<hbm>>
    %dma_wait3A_19 = arith.constant 0 : i32
    %dma_wait3A_20 = arith.constant 0 : i32
    %dma_wait3A_21 = tpu.memref_slice %arg3[%dma_wait3A_19, %dma_wait3A_20] : memref<204800x128xf32, #tpu.memory_space<hbm>> -> memref<128x128xf32, #tpu.memory_space<hbm>>
    tpu.wait_dma2 semaphore(%arg9 : memref<!tpu.dma_semaphore, #tpu.memory_space<semaphore_mem>>) src(%dma_wait3A_21 : memref<128x128xf32, #tpu.memory_space<hbm>>) dst(%arg6 : memref<128x128xf32, #tpu.memory_space<vmem>>)
    %add3A_22 = arith.constant 4864 : i32
    %add3A_23 = arith.addi %mul3A_2, %add3A_22 : i32
    "tpu.region"() ({
      %run_scoped3A = tpu.sem_alloc : memref<!tpu.dma_semaphore, #tpu.memory_space<semaphore_mem>>
      %dma_start3A_32 = arith.constant 0 : i32
      %dma_start3A_33 = tpu.memref_slice %arg4[%add3A_23, %dma_start3A_32] : memref<160000x128xf32, #tpu.memory_space<hbm>> -> memref<128x128xf32, #tpu.memory_space<hbm>>
      %dma_start3A_34 = arith.constant 0 : i32
      %dma_start3A_35 = tpu.memref_slice %arg4[%add3A_23, %dma_start3A_34] : memref<160000x128xf32, #tpu.memory_space<hbm>> -> memref<128x128xf32, #tpu.memory_space<hbm>>
      tpu.enqueue_dma source(%arg6 : memref<128x128xf32, #tpu.memory_space<vmem>>) target(%dma_start3A_35 : memref<128x128xf32, #tpu.memory_space<hbm>>) target_semaphore(%run_scoped3A : memref<!tpu.dma_semaphore, #tpu.memory_space<semaphore_mem>>)
      %dma_wait3A_36 = arith.constant 0 : i32
      %dma_wait3A_37 = tpu.memref_slice %arg4[%add3A_23, %dma_wait3A_36] : memref<160000x128xf32, #tpu.memory_space<hbm>> -> memref<128x128xf32, #tpu.memory_space<hbm>>
      %dma_wait3A_38 = arith.constant 0 : i32
      %dma_wait3A_39 = tpu.memref_slice %arg4[%add3A_23, %dma_wait3A_38] : memref<160000x128xf32, #tpu.memory_space<hbm>> -> memref<128x128xf32, #tpu.memory_space<hbm>>
      tpu.wait_dma2 semaphore(%run_scoped3A : memref<!tpu.dma_semaphore, #tpu.memory_space<semaphore_mem>>) src(%arg6 : memref<128x128xf32, #tpu.memory_space<vmem>>) dst(%dma_wait3A_39 : memref<128x128xf32, #tpu.memory_space<hbm>>)
      tpu.yield
    }) : () -> ()
    %dma_wait3A_24 = arith.constant 0 : i32
    %dma_wait3A_25 = arith.constant 0 : i32
    %dma_wait3A_26 = tpu.memref_slice %arg3[%dma_wait3A_24, %dma_wait3A_25] : memref<204800x128xf32, #tpu.memory_space<hbm>> -> memref<8x128xf32, #tpu.memory_space<hbm>>
    %dma_wait3A_27 = arith.constant 0 : i32
    %dma_wait3A_28 = arith.constant 0 : i32
    %dma_wait3A_29 = tpu.memref_slice %arg3[%dma_wait3A_27, %dma_wait3A_28] : memref<204800x128xf32, #tpu.memory_space<hbm>> -> memref<8x128xf32, #tpu.memory_space<hbm>>
    tpu.wait_dma2 semaphore(%arg11 : memref<!tpu.dma_semaphore, #tpu.memory_space<semaphore_mem>>) src(%dma_wait3A_29 : memref<8x128xf32, #tpu.memory_space<hbm>>) dst(%arg8 : memref<8x128xf32, #tpu.memory_space<vmem>>)
    %add3A_30 = arith.constant 4992 : i32
    %add3A_31 = arith.addi %mul3A_2, %add3A_30 : i32
    "tpu.region"() ({
      %run_scoped3A = tpu.sem_alloc : memref<!tpu.dma_semaphore, #tpu.memory_space<semaphore_mem>>
      %dma_start3A_32 = arith.constant 0 : i32
      %dma_start3A_33 = tpu.memref_slice %arg4[%add3A_31, %dma_start3A_32] : memref<160000x128xf32, #tpu.memory_space<hbm>> -> memref<8x128xf32, #tpu.memory_space<hbm>>
      %dma_start3A_34 = arith.constant 0 : i32
      %dma_start3A_35 = tpu.memref_slice %arg4[%add3A_31, %dma_start3A_34] : memref<160000x128xf32, #tpu.memory_space<hbm>> -> memref<8x128xf32, #tpu.memory_space<hbm>>
      tpu.enqueue_dma source(%arg8 : memref<8x128xf32, #tpu.memory_space<vmem>>) target(%dma_start3A_35 : memref<8x128xf32, #tpu.memory_space<hbm>>) target_semaphore(%run_scoped3A : memref<!tpu.dma_semaphore, #tpu.memory_space<semaphore_mem>>)
      %dma_wait3A_36 = arith.constant 0 : i32
      %dma_wait3A_37 = tpu.memref_slice %arg4[%add3A_31, %dma_wait3A_36] : memref<160000x128xf32, #tpu.memory_space<hbm>> -> memref<8x128xf32, #tpu.memory_space<hbm>>
      %dma_wait3A_38 = arith.constant 0 : i32
      %dma_wait3A_39 = tpu.memref_slice %arg4[%add3A_31, %dma_wait3A_38] : memref<160000x128xf32, #tpu.memory_space<hbm>> -> memref<8x128xf32, #tpu.memory_space<hbm>>
      tpu.wait_dma2 semaphore(%run_scoped3A : memref<!tpu.dma_semaphore, #tpu.memory_space<semaphore_mem>>) src(%arg8 : memref<8x128xf32, #tpu.memory_space<vmem>>) dst(%dma_wait3A_39 : memref<8x128xf32, #tpu.memory_space<hbm>>)
      tpu.yield
    }) : () -> ()
    return
  }
}

module attributes {stable_mosaic.version = 14 : i64} {
  func.func @_edge_body(%arg0: i32, %arg1: memref<2x16xi32, #tpu.memory_space<smem>>, %arg2: memref<4096x16xf32, #tpu.memory_space<vmem>>, %arg3: memref<4096x16xf32, #tpu.memory_space<vmem>>, %arg4: memref<3x16x128xf32, #tpu.memory_space<vmem>>, %arg5: memref<3x16x128xf32, #tpu.memory_space<vmem>>, %arg6: memref<3x128xf32, #tpu.memory_space<vmem>>, %arg7: memref<3x128xf32, #tpu.memory_space<vmem>>, %arg8: memref<3x128xf32, #tpu.memory_space<vmem>>, %arg9: memref<3x128x128xf32, #tpu.memory_space<vmem>>, %arg10: memref<3x128xf32, #tpu.memory_space<vmem>>, %arg11: memref<3x128xf32, #tpu.memory_space<vmem>>, %arg12: memref<3x128xf32, #tpu.memory_space<vmem>>, %arg13: memref<4096x128xf32, #tpu.memory_space<vmem>>) attributes {dimension_semantics = [#tpu.dimension_semantics<arbitrary>], iteration_bounds = array<i64: 50>, scalar_prefetch = 1 : i64, scratch_operands = 0 : i64, tpu.core_type = #tpu.core_type<tc>, window_params = [{transform_indices = @transform_0, window_bounds = array<i64: 4096, 16>}, {transform_indices = @transform_1, window_bounds = array<i64: 4096, 16>}, {pipeline_mode = #tpu.pipeline_mode<synchronous>, transform_indices = @transform_2, window_bounds = array<i64: 3, 16, 128>}, {pipeline_mode = #tpu.pipeline_mode<synchronous>, transform_indices = @transform_3, window_bounds = array<i64: 3, 16, 128>}, {pipeline_mode = #tpu.pipeline_mode<synchronous>, transform_indices = @transform_4, window_bounds = array<i64: 3, 128>}, {pipeline_mode = #tpu.pipeline_mode<synchronous>, transform_indices = @transform_5, window_bounds = array<i64: 3, 128>}, {pipeline_mode = #tpu.pipeline_mode<synchronous>, transform_indices = @transform_6, window_bounds = array<i64: 3, 128>}, {pipeline_mode = #tpu.pipeline_mode<synchronous>, transform_indices = @transform_7, window_bounds = array<i64: 3, 128, 128>}, {pipeline_mode = #tpu.pipeline_mode<synchronous>, transform_indices = @transform_8, window_bounds = array<i64: 3, 128>}, {pipeline_mode = #tpu.pipeline_mode<synchronous>, transform_indices = @transform_9, window_bounds = array<i64: 3, 128>}, {pipeline_mode = #tpu.pipeline_mode<synchronous>, transform_indices = @transform_10, window_bounds = array<i64: 3, 128>}, {transform_indices = @transform_11, window_bounds = array<i64: 4096, 128>}]} {
    %mul3A = arith.constant 4096 : i32
    %mul3A_0 = arith.muli %arg0, %mul3A : i32
    %ge3A = arith.constant 102400 : i32
    %ge3A_1 = arith.cmpi sge, %mul3A_0, %ge3A : i32
    %jit3A = arith.constant 1 : i32
    %jit3A_2 = arith.constant 0 : i32
    %select_n3A = arith.select %ge3A_1, %jit3A, %jit3A_2 : i32
    %mul3A_3 = arith.constant 102400 : i32
    %mul3A_4 = arith.muli %select_n3A, %mul3A_3 : i32
    %sub3A = arith.subi %mul3A_0, %mul3A_4 : i32
    %get3A = arith.index_cast %select_n3A : i32 to index
    %get3A_5 = arith.constant 0 : index
    %get3A_6 = memref.load %arg1[%get3A, %get3A_5] : memref<2x16xi32, #tpu.memory_space<smem>>
    %get3A_7 = arith.index_cast %select_n3A : i32 to index
    %get3A_8 = arith.constant 1 : index
    %get3A_9 = memref.load %arg1[%get3A_7, %get3A_8] : memref<2x16xi32, #tpu.memory_space<smem>>
    %get3A_10 = arith.index_cast %select_n3A : i32 to index
    %get3A_11 = arith.constant 2 : index
    %get3A_12 = memref.load %arg1[%get3A_10, %get3A_11] : memref<2x16xi32, #tpu.memory_space<smem>>
    %ge3A_13 = arith.cmpi sge, %sub3A, %get3A_6 : i32
    %jit3A_14 = arith.constant 1 : i32
    %jit3A_15 = arith.constant 0 : i32
    %select_n3A_16 = arith.select %ge3A_13, %jit3A_14, %jit3A_15 : i32
    %ge3A_17 = arith.cmpi sge, %sub3A, %get3A_9 : i32
    %jit3A_18 = arith.constant 1 : i32
    %jit3A_19 = arith.constant 0 : i32
    %select_n3A_20 = arith.select %ge3A_17, %jit3A_18, %jit3A_19 : i32
    %add3A = arith.addi %select_n3A_16, %select_n3A_20 : i32
    %lt3A = arith.cmpi slt, %sub3A, %get3A_12 : i32
    %convert_element_type3A = arith.extui %lt3A : i1 to i32
    %cond3A = arith.constant 0 : i32
    %cond3A_21 = arith.cmpi ne, %convert_element_type3A, %cond3A : i32
    scf.if %cond3A_21 {
      %get3A_26 = arith.constant 0 : index
      %get3A_27 = arith.constant 0 : index
      %get3A_28 = vector.load %arg2[%get3A_26, %get3A_27] : memref<4096x16xf32, #tpu.memory_space<vmem>>, vector<4096x16xf32>
      %get3A_29 = arith.constant 0 : index
      %get3A_30 = arith.constant 0 : index
      %get3A_31 = vector.load %arg3[%get3A_29, %get3A_30] : memref<4096x16xf32, #tpu.memory_space<vmem>>, vector<4096x16xf32>
      %get3A_32 = arith.index_cast %add3A : i32 to index
      %get3A_33 = arith.constant 0 : index
      %get3A_34 = arith.constant 0 : index
      %get3A_35 = vector.load %arg4[%get3A_32, %get3A_33, %get3A_34] : memref<3x16x128xf32, #tpu.memory_space<vmem>>, vector<1x16x128xf32>
      %get3A_36 = vector.shape_cast %get3A_35 : vector<1x16x128xf32> to vector<16x128xf32>
      %dot_general3A = arith.constant dense<0.000000e+00> : vector<4096x128xf32>
      %dot_general3A_37 = tpu.matmul %get3A_28, %get3A_36, %dot_general3A {dimension_numbers = #tpu.dot_dimension_numbers<[1], [0], [0], [1], [0, 0, 1, 1], [], []>, transpose_lhs_hint = false} : vector<4096x16xf32>, vector<16x128xf32>, vector<4096x128xf32> -> vector<4096x128xf32>
      %get3A_38 = arith.index_cast %add3A : i32 to index
      %get3A_39 = arith.constant 0 : index
      %get3A_40 = arith.constant 0 : index
      %get3A_41 = vector.load %arg5[%get3A_38, %get3A_39, %get3A_40] : memref<3x16x128xf32, #tpu.memory_space<vmem>>, vector<1x16x128xf32>
      %get3A_42 = vector.shape_cast %get3A_41 : vector<1x16x128xf32> to vector<16x128xf32>
      %dot_general3A_43 = arith.constant dense<0.000000e+00> : vector<4096x128xf32>
      %dot_general3A_44 = tpu.matmul %get3A_31, %get3A_42, %dot_general3A_43 {dimension_numbers = #tpu.dot_dimension_numbers<[1], [0], [0], [1], [0, 0, 1, 1], [], []>, transpose_lhs_hint = false} : vector<4096x16xf32>, vector<16x128xf32>, vector<4096x128xf32> -> vector<4096x128xf32>
      %add3A_45 = arith.addf %dot_general3A_37, %dot_general3A_44 : vector<4096x128xf32>
      %get3A_46 = arith.index_cast %add3A : i32 to index
      %get3A_47 = arith.constant 0 : index
      %get3A_48 = vector.load %arg6[%get3A_46, %get3A_47] : memref<3x128xf32, #tpu.memory_space<vmem>>, vector<1x128xf32>
      %get3A_49 = vector.shape_cast %get3A_48 : vector<1x128xf32> to vector<128xf32>
      %broadcast_in_dim3A = vector.shape_cast %get3A_49 : vector<128xf32> to vector<1x128xf32>
      %add3A_50 = vector.broadcast %broadcast_in_dim3A : vector<1x128xf32> to vector<4096x128xf32>
      %add3A_51 = arith.addf %add3A_45, %add3A_50 : vector<4096x128xf32>
      %get3A_52 = arith.index_cast %add3A : i32 to index
      %get3A_53 = arith.constant 0 : index
      %get3A_54 = vector.load %arg7[%get3A_52, %get3A_53] : memref<3x128xf32, #tpu.memory_space<vmem>>, vector<1x128xf32>
      %get3A_55 = vector.shape_cast %get3A_54 : vector<1x128xf32> to vector<128xf32>
      %get3A_56 = arith.index_cast %add3A : i32 to index
      %get3A_57 = arith.constant 0 : index
      %get3A_58 = vector.load %arg8[%get3A_56, %get3A_57] : memref<3x128xf32, #tpu.memory_space<vmem>>, vector<1x128xf32>
      %get3A_59 = vector.shape_cast %get3A_58 : vector<1x128xf32> to vector<128xf32>
      %reduce_sum3A = arith.constant dense<0.000000e+00> : vector<4096xf32>
      %reduce_sum3A_60 = vector.multi_reduction <add>, %add3A_51, %reduce_sum3A [1] : vector<4096x128xf32> to vector<4096xf32>
      %broadcast_in_dim3A_61 = vector.shape_cast %reduce_sum3A_60 : vector<4096xf32> to vector<4096x1xf32>
      %div3A = arith.constant 1.280000e+02 : f32
      %div3A_62 = vector.broadcast %div3A : f32 to vector<4096x1xf32>
      %div3A_63 = arith.divf %broadcast_in_dim3A_61, %div3A_62 : vector<4096x1xf32>
      %mul3A_64 = arith.mulf %add3A_51, %add3A_51 : vector<4096x128xf32>
      %reduce_sum3A_65 = arith.constant dense<0.000000e+00> : vector<4096xf32>
      %reduce_sum3A_66 = vector.multi_reduction <add>, %mul3A_64, %reduce_sum3A_65 [1] : vector<4096x128xf32> to vector<4096xf32>
      %broadcast_in_dim3A_67 = vector.shape_cast %reduce_sum3A_66 : vector<4096xf32> to vector<4096x1xf32>
      %div3A_68 = arith.constant 1.280000e+02 : f32
      %div3A_69 = vector.broadcast %div3A_68 : f32 to vector<4096x1xf32>
      %div3A_70 = arith.divf %broadcast_in_dim3A_67, %div3A_69 : vector<4096x1xf32>
      %mul3A_71 = arith.mulf %div3A_63, %div3A_63 : vector<4096x1xf32>
      %sub3A_72 = arith.subf %div3A_70, %mul3A_71 : vector<4096x1xf32>
      %sub3A_73 = vector.broadcast %div3A_63 : vector<4096x1xf32> to vector<4096x128xf32>
      %sub3A_74 = arith.subf %add3A_51, %sub3A_73 : vector<4096x128xf32>
      %add3A_75 = arith.constant 9.99999974E-6 : f32
      %add3A_76 = vector.broadcast %add3A_75 : f32 to vector<4096x1xf32>
      %add3A_77 = arith.addf %sub3A_72, %add3A_76 : vector<4096x1xf32>
      %rsqrt3A = math.rsqrt %add3A_77 : vector<4096x1xf32>
      %mul3A_78 = vector.broadcast %rsqrt3A : vector<4096x1xf32> to vector<4096x128xf32>
      %mul3A_79 = arith.mulf %sub3A_74, %mul3A_78 : vector<4096x128xf32>
      %broadcast_in_dim3A_80 = vector.shape_cast %get3A_55 : vector<128xf32> to vector<1x128xf32>
      %mul3A_81 = vector.broadcast %broadcast_in_dim3A_80 : vector<1x128xf32> to vector<4096x128xf32>
      %mul3A_82 = arith.mulf %mul3A_79, %mul3A_81 : vector<4096x128xf32>
      %broadcast_in_dim3A_83 = vector.shape_cast %get3A_59 : vector<128xf32> to vector<1x128xf32>
      %add3A_84 = vector.broadcast %broadcast_in_dim3A_83 : vector<1x128xf32> to vector<4096x128xf32>
      %add3A_85 = arith.addf %mul3A_82, %add3A_84 : vector<4096x128xf32>
      %max3A = arith.constant 0.000000e+00 : f32
      %max3A_86 = vector.broadcast %max3A : f32 to vector<4096x128xf32>
      %max3A_87 = arith.maximumf %add3A_85, %max3A_86 : vector<4096x128xf32>
      %get3A_88 = arith.index_cast %add3A : i32 to index
      %get3A_89 = arith.constant 0 : index
      %get3A_90 = arith.constant 0 : index
      %get3A_91 = vector.load %arg9[%get3A_88, %get3A_89, %get3A_90] : memref<3x128x128xf32, #tpu.memory_space<vmem>>, vector<1x128x128xf32>
      %get3A_92 = vector.shape_cast %get3A_91 : vector<1x128x128xf32> to vector<128x128xf32>
      %dot_general3A_93 = arith.constant dense<0.000000e+00> : vector<4096x128xf32>
      %dot_general3A_94 = tpu.matmul %max3A_87, %get3A_92, %dot_general3A_93 {dimension_numbers = #tpu.dot_dimension_numbers<[1], [0], [0], [1], [0, 0, 1, 1], [], []>, transpose_lhs_hint = false} : vector<4096x128xf32>, vector<128x128xf32>, vector<4096x128xf32> -> vector<4096x128xf32>
      %get3A_95 = arith.index_cast %add3A : i32 to index
      %get3A_96 = arith.constant 0 : index
      %get3A_97 = vector.load %arg10[%get3A_95, %get3A_96] : memref<3x128xf32, #tpu.memory_space<vmem>>, vector<1x128xf32>
      %get3A_98 = vector.shape_cast %get3A_97 : vector<1x128xf32> to vector<128xf32>
      %broadcast_in_dim3A_99 = vector.shape_cast %get3A_98 : vector<128xf32> to vector<1x128xf32>
      %add3A_100 = vector.broadcast %broadcast_in_dim3A_99 : vector<1x128xf32> to vector<4096x128xf32>
      %add3A_101 = arith.addf %dot_general3A_94, %add3A_100 : vector<4096x128xf32>
      %get3A_102 = arith.index_cast %add3A : i32 to index
      %get3A_103 = arith.constant 0 : index
      %get3A_104 = vector.load %arg11[%get3A_102, %get3A_103] : memref<3x128xf32, #tpu.memory_space<vmem>>, vector<1x128xf32>
      %get3A_105 = vector.shape_cast %get3A_104 : vector<1x128xf32> to vector<128xf32>
      %get3A_106 = arith.index_cast %add3A : i32 to index
      %get3A_107 = arith.constant 0 : index
      %get3A_108 = vector.load %arg12[%get3A_106, %get3A_107] : memref<3x128xf32, #tpu.memory_space<vmem>>, vector<1x128xf32>
      %get3A_109 = vector.shape_cast %get3A_108 : vector<1x128xf32> to vector<128xf32>
      %reduce_sum3A_110 = arith.constant dense<0.000000e+00> : vector<4096xf32>
      %reduce_sum3A_111 = vector.multi_reduction <add>, %add3A_101, %reduce_sum3A_110 [1] : vector<4096x128xf32> to vector<4096xf32>
      %broadcast_in_dim3A_112 = vector.shape_cast %reduce_sum3A_111 : vector<4096xf32> to vector<4096x1xf32>
      %div3A_113 = arith.constant 1.280000e+02 : f32
      %div3A_114 = vector.broadcast %div3A_113 : f32 to vector<4096x1xf32>
      %div3A_115 = arith.divf %broadcast_in_dim3A_112, %div3A_114 : vector<4096x1xf32>
      %mul3A_116 = arith.mulf %add3A_101, %add3A_101 : vector<4096x128xf32>
      %reduce_sum3A_117 = arith.constant dense<0.000000e+00> : vector<4096xf32>
      %reduce_sum3A_118 = vector.multi_reduction <add>, %mul3A_116, %reduce_sum3A_117 [1] : vector<4096x128xf32> to vector<4096xf32>
      %broadcast_in_dim3A_119 = vector.shape_cast %reduce_sum3A_118 : vector<4096xf32> to vector<4096x1xf32>
      %div3A_120 = arith.constant 1.280000e+02 : f32
      %div3A_121 = vector.broadcast %div3A_120 : f32 to vector<4096x1xf32>
      %div3A_122 = arith.divf %broadcast_in_dim3A_119, %div3A_121 : vector<4096x1xf32>
      %mul3A_123 = arith.mulf %div3A_115, %div3A_115 : vector<4096x1xf32>
      %sub3A_124 = arith.subf %div3A_122, %mul3A_123 : vector<4096x1xf32>
      %sub3A_125 = vector.broadcast %div3A_115 : vector<4096x1xf32> to vector<4096x128xf32>
      %sub3A_126 = arith.subf %add3A_101, %sub3A_125 : vector<4096x128xf32>
      %add3A_127 = arith.constant 9.99999974E-6 : f32
      %add3A_128 = vector.broadcast %add3A_127 : f32 to vector<4096x1xf32>
      %add3A_129 = arith.addf %sub3A_124, %add3A_128 : vector<4096x1xf32>
      %rsqrt3A_130 = math.rsqrt %add3A_129 : vector<4096x1xf32>
      %mul3A_131 = vector.broadcast %rsqrt3A_130 : vector<4096x1xf32> to vector<4096x128xf32>
      %mul3A_132 = arith.mulf %sub3A_126, %mul3A_131 : vector<4096x128xf32>
      %broadcast_in_dim3A_133 = vector.shape_cast %get3A_105 : vector<128xf32> to vector<1x128xf32>
      %mul3A_134 = vector.broadcast %broadcast_in_dim3A_133 : vector<1x128xf32> to vector<4096x128xf32>
      %mul3A_135 = arith.mulf %mul3A_132, %mul3A_134 : vector<4096x128xf32>
      %broadcast_in_dim3A_136 = vector.shape_cast %get3A_109 : vector<128xf32> to vector<1x128xf32>
      %add3A_137 = vector.broadcast %broadcast_in_dim3A_136 : vector<1x128xf32> to vector<4096x128xf32>
      %add3A_138 = arith.addf %mul3A_135, %add3A_137 : vector<4096x128xf32>
      %tanh3A = math.tanh %add3A_138 : vector<4096x128xf32>
      %swap3A = arith.constant 0 : index
      %swap3A_139 = arith.constant 0 : index
      %swap3A_140 = vector.load %arg13[%swap3A, %swap3A_139] : memref<4096x128xf32, #tpu.memory_space<vmem>>, vector<4096x128xf32>
      tpu.vector_store %arg13[%swap3A, %swap3A_139], %tanh3A {strides = array<i32>} : memref<4096x128xf32, #tpu.memory_space<vmem>>, vector<4096x128xf32>,
    } else {
    }
    %not3A = arith.constant true
    %not3A_22 = arith.xori %lt3A, %not3A : i1
    %convert_element_type3A_23 = arith.extui %not3A_22 : i1 to i32
    %cond3A_24 = arith.constant 0 : i32
    %cond3A_25 = arith.cmpi ne, %convert_element_type3A_23, %cond3A_24 : i32
    scf.if %cond3A_25 {
      %broadcast_in_dim3A = arith.constant 0.000000e+00 : f32
      %broadcast_in_dim3A_26 = vector.broadcast %broadcast_in_dim3A : f32 to vector<4096x128xf32>
      %swap3A = arith.constant 0 : index
      %swap3A_27 = arith.constant 0 : index
      %swap3A_28 = vector.load %arg13[%swap3A, %swap3A_27] : memref<4096x128xf32, #tpu.memory_space<vmem>>, vector<4096x128xf32>
      tpu.vector_store %arg13[%swap3A, %swap3A_27], %broadcast_in_dim3A_26 {strides = array<i32>} : memref<4096x128xf32, #tpu.memory_space<vmem>>, vector<4096x128xf32>,
    } else {
    }
    return
  }
  func.func @transform_0(%arg0: i32, %arg1: memref<2x16xi32, #tpu.memory_space<smem>>) -> (i32, i32) {
    %c0_i32 = arith.constant 0 : i32
    %c0_i32_0 = arith.constant 0 : i32
    return %arg0, %c0_i32 : i32, i32
  }
  func.func @transform_1(%arg0: i32, %arg1: memref<2x16xi32, #tpu.memory_space<smem>>) -> (i32, i32) {
    %c0_i32 = arith.constant 0 : i32
    %c0_i32_0 = arith.constant 0 : i32
    return %arg0, %c0_i32 : i32, i32
  }
  func.func @transform_2(%arg0: i32, %arg1: memref<2x16xi32, #tpu.memory_space<smem>>) -> (i32, i32, i32) {
    %c0_i32 = arith.constant 0 : i32
    %c0_i32_0 = arith.constant 0 : i32
    %c0_i32_1 = arith.constant 0 : i32
    %c0_i32_2 = arith.constant 0 : i32
    return %c0_i32, %c0_i32_0, %c0_i32_1 : i32, i32, i32
  }
  func.func @transform_3(%arg0: i32, %arg1: memref<2x16xi32, #tpu.memory_space<smem>>) -> (i32, i32, i32) {
    %c0_i32 = arith.constant 0 : i32
    %c0_i32_0 = arith.constant 0 : i32
    %c0_i32_1 = arith.constant 0 : i32
    %c0_i32_2 = arith.constant 0 : i32
    return %c0_i32, %c0_i32_0, %c0_i32_1 : i32, i32, i32
  }
  func.func @transform_4(%arg0: i32, %arg1: memref<2x16xi32, #tpu.memory_space<smem>>) -> (i32, i32) {
    %c0_i32 = arith.constant 0 : i32
    %c0_i32_0 = arith.constant 0 : i32
    %c0_i32_1 = arith.constant 0 : i32
    return %c0_i32, %c0_i32_0 : i32, i32
  }
  func.func @transform_5(%arg0: i32, %arg1: memref<2x16xi32, #tpu.memory_space<smem>>) -> (i32, i32) {
    %c0_i32 = arith.constant 0 : i32
    %c0_i32_0 = arith.constant 0 : i32
    %c0_i32_1 = arith.constant 0 : i32
    return %c0_i32, %c0_i32_0 : i32, i32
  }
  func.func @transform_6(%arg0: i32, %arg1: memref<2x16xi32, #tpu.memory_space<smem>>) -> (i32, i32) {
    %c0_i32 = arith.constant 0 : i32
    %c0_i32_0 = arith.constant 0 : i32
    %c0_i32_1 = arith.constant 0 : i32
    return %c0_i32, %c0_i32_0 : i32, i32
  }
  func.func @transform_7(%arg0: i32, %arg1: memref<2x16xi32, #tpu.memory_space<smem>>) -> (i32, i32, i32) {
    %c0_i32 = arith.constant 0 : i32
    %c0_i32_0 = arith.constant 0 : i32
    %c0_i32_1 = arith.constant 0 : i32
    %c0_i32_2 = arith.constant 0 : i32
    return %c0_i32, %c0_i32_0, %c0_i32_1 : i32, i32, i32
  }
  func.func @transform_8(%arg0: i32, %arg1: memref<2x16xi32, #tpu.memory_space<smem>>) -> (i32, i32) {
    %c0_i32 = arith.constant 0 : i32
    %c0_i32_0 = arith.constant 0 : i32
    %c0_i32_1 = arith.constant 0 : i32
    return %c0_i32, %c0_i32_0 : i32, i32
  }
  func.func @transform_9(%arg0: i32, %arg1: memref<2x16xi32, #tpu.memory_space<smem>>) -> (i32, i32) {
    %c0_i32 = arith.constant 0 : i32
    %c0_i32_0 = arith.constant 0 : i32
    %c0_i32_1 = arith.constant 0 : i32
    return %c0_i32, %c0_i32_0 : i32, i32
  }
  func.func @transform_10(%arg0: i32, %arg1: memref<2x16xi32, #tpu.memory_space<smem>>) -> (i32, i32) {
    %c0_i32 = arith.constant 0 : i32
    %c0_i32_0 = arith.constant 0 : i32
    %c0_i32_1 = arith.constant 0 : i32
    return %c0_i32, %c0_i32_0 : i32, i32
  }
  func.func @transform_11(%arg0: i32, %arg1: memref<2x16xi32, #tpu.memory_space<smem>>) -> (i32, i32) {
    %c0_i32 = arith.constant 0 : i32
    %c0_i32_0 = arith.constant 0 : i32
    return %arg0, %c0_i32 : i32, i32
  }
}

module attributes {stable_mosaic.version = 14 : i64} {
  func.func @_node_body(%arg0: i32, %arg1: memref<1000x8xf32, #tpu.memory_space<vmem>>, %arg2: memref<2x8x128xf32, #tpu.memory_space<vmem>>, %arg3: memref<2x128xf32, #tpu.memory_space<vmem>>, %arg4: memref<2x128xf32, #tpu.memory_space<vmem>>, %arg5: memref<2x128xf32, #tpu.memory_space<vmem>>, %arg6: memref<2x128x128xf32, #tpu.memory_space<vmem>>, %arg7: memref<2x128xf32, #tpu.memory_space<vmem>>, %arg8: memref<2x128xf32, #tpu.memory_space<vmem>>, %arg9: memref<2x128xf32, #tpu.memory_space<vmem>>, %arg10: memref<1000x128xf32, #tpu.memory_space<vmem>>) attributes {dimension_semantics = [#tpu.dimension_semantics<arbitrary>], iteration_bounds = array<i64: 10>, scalar_prefetch = 0 : i64, scratch_operands = 0 : i64, tpu.core_type = #tpu.core_type<tc>, window_params = [{transform_indices = @transform_0, window_bounds = array<i64: 1000, 8>}, {pipeline_mode = #tpu.pipeline_mode<synchronous>, transform_indices = @transform_1, window_bounds = array<i64: 2, 8, 128>}, {pipeline_mode = #tpu.pipeline_mode<synchronous>, transform_indices = @transform_2, window_bounds = array<i64: 2, 128>}, {pipeline_mode = #tpu.pipeline_mode<synchronous>, transform_indices = @transform_3, window_bounds = array<i64: 2, 128>}, {pipeline_mode = #tpu.pipeline_mode<synchronous>, transform_indices = @transform_4, window_bounds = array<i64: 2, 128>}, {pipeline_mode = #tpu.pipeline_mode<synchronous>, transform_indices = @transform_5, window_bounds = array<i64: 2, 128, 128>}, {pipeline_mode = #tpu.pipeline_mode<synchronous>, transform_indices = @transform_6, window_bounds = array<i64: 2, 128>}, {pipeline_mode = #tpu.pipeline_mode<synchronous>, transform_indices = @transform_7, window_bounds = array<i64: 2, 128>}, {pipeline_mode = #tpu.pipeline_mode<synchronous>, transform_indices = @transform_8, window_bounds = array<i64: 2, 128>}, {transform_indices = @transform_9, window_bounds = array<i64: 1000, 128>}]} {
    %get3A = arith.constant 0 : index
    %get3A_0 = arith.constant 0 : index
    %get3A_1 = vector.load %arg1[%get3A, %get3A_0] : memref<1000x8xf32, #tpu.memory_space<vmem>>, vector<1000x8xf32>
    %slice3A = vector.extract_strided_slice %get3A_1 {offsets = [0, 3], sizes = [1000, 1], strides = [1, 1]} : vector<1000x8xf32> to vector<1000x1xf32>
    %get3A_2 = arith.constant 0 : index
    %get3A_3 = arith.constant 0 : index
    %get3A_4 = arith.constant 0 : index
    %get3A_5 = vector.load %arg2[%get3A_2, %get3A_3, %get3A_4] : memref<2x8x128xf32, #tpu.memory_space<vmem>>, vector<1x8x128xf32>
    %get3A_6 = vector.shape_cast %get3A_5 : vector<1x8x128xf32> to vector<8x128xf32>
    %dot_general3A = arith.constant dense<0.000000e+00> : vector<1000x128xf32>
    %dot_general3A_7 = tpu.matmul %get3A_1, %get3A_6, %dot_general3A {dimension_numbers = #tpu.dot_dimension_numbers<[1], [0], [0], [1], [0, 0, 1, 1], [], []>, transpose_lhs_hint = false} : vector<1000x8xf32>, vector<8x128xf32>, vector<1000x128xf32> -> vector<1000x128xf32>
    %get3A_8 = arith.constant 0 : index
    %get3A_9 = arith.constant 0 : index
    %get3A_10 = vector.load %arg3[%get3A_8, %get3A_9] : memref<2x128xf32, #tpu.memory_space<vmem>>, vector<1x128xf32>
    %get3A_11 = vector.shape_cast %get3A_10 : vector<1x128xf32> to vector<128xf32>
    %broadcast_in_dim3A = vector.shape_cast %get3A_11 : vector<128xf32> to vector<1x128xf32>
    %add3A = vector.broadcast %broadcast_in_dim3A : vector<1x128xf32> to vector<1000x128xf32>
    %add3A_12 = arith.addf %dot_general3A_7, %add3A : vector<1000x128xf32>
    %get3A_13 = arith.constant 0 : index
    %get3A_14 = arith.constant 0 : index
    %get3A_15 = vector.load %arg4[%get3A_13, %get3A_14] : memref<2x128xf32, #tpu.memory_space<vmem>>, vector<1x128xf32>
    %get3A_16 = vector.shape_cast %get3A_15 : vector<1x128xf32> to vector<128xf32>
    %get3A_17 = arith.constant 0 : index
    %get3A_18 = arith.constant 0 : index
    %get3A_19 = vector.load %arg5[%get3A_17, %get3A_18] : memref<2x128xf32, #tpu.memory_space<vmem>>, vector<1x128xf32>
    %get3A_20 = vector.shape_cast %get3A_19 : vector<1x128xf32> to vector<128xf32>
    %reduce_sum3A = arith.constant dense<0.000000e+00> : vector<1000xf32>
    %reduce_sum3A_21 = vector.multi_reduction <add>, %add3A_12, %reduce_sum3A [1] : vector<1000x128xf32> to vector<1000xf32>
    %broadcast_in_dim3A_22 = vector.shape_cast %reduce_sum3A_21 : vector<1000xf32> to vector<1000x1xf32>
    %div3A = arith.constant 1.280000e+02 : f32
    %div3A_23 = vector.broadcast %div3A : f32 to vector<1000x1xf32>
    %div3A_24 = arith.divf %broadcast_in_dim3A_22, %div3A_23 : vector<1000x1xf32>
    %mul3A = arith.mulf %add3A_12, %add3A_12 : vector<1000x128xf32>
    %reduce_sum3A_25 = arith.constant dense<0.000000e+00> : vector<1000xf32>
    %reduce_sum3A_26 = vector.multi_reduction <add>, %mul3A, %reduce_sum3A_25 [1] : vector<1000x128xf32> to vector<1000xf32>
    %broadcast_in_dim3A_27 = vector.shape_cast %reduce_sum3A_26 : vector<1000xf32> to vector<1000x1xf32>
    %div3A_28 = arith.constant 1.280000e+02 : f32
    %div3A_29 = vector.broadcast %div3A_28 : f32 to vector<1000x1xf32>
    %div3A_30 = arith.divf %broadcast_in_dim3A_27, %div3A_29 : vector<1000x1xf32>
    %mul3A_31 = arith.mulf %div3A_24, %div3A_24 : vector<1000x1xf32>
    %sub3A = arith.subf %div3A_30, %mul3A_31 : vector<1000x1xf32>
    %sub3A_32 = vector.broadcast %div3A_24 : vector<1000x1xf32> to vector<1000x128xf32>
    %sub3A_33 = arith.subf %add3A_12, %sub3A_32 : vector<1000x128xf32>
    %add3A_34 = arith.constant 9.99999974E-6 : f32
    %add3A_35 = vector.broadcast %add3A_34 : f32 to vector<1000x1xf32>
    %add3A_36 = arith.addf %sub3A, %add3A_35 : vector<1000x1xf32>
    %rsqrt3A = math.rsqrt %add3A_36 : vector<1000x1xf32>
    %mul3A_37 = vector.broadcast %rsqrt3A : vector<1000x1xf32> to vector<1000x128xf32>
    %mul3A_38 = arith.mulf %sub3A_33, %mul3A_37 : vector<1000x128xf32>
    %broadcast_in_dim3A_39 = vector.shape_cast %get3A_16 : vector<128xf32> to vector<1x128xf32>
    %mul3A_40 = vector.broadcast %broadcast_in_dim3A_39 : vector<1x128xf32> to vector<1000x128xf32>
    %mul3A_41 = arith.mulf %mul3A_38, %mul3A_40 : vector<1000x128xf32>
    %broadcast_in_dim3A_42 = vector.shape_cast %get3A_20 : vector<128xf32> to vector<1x128xf32>
    %add3A_43 = vector.broadcast %broadcast_in_dim3A_42 : vector<1x128xf32> to vector<1000x128xf32>
    %add3A_44 = arith.addf %mul3A_41, %add3A_43 : vector<1000x128xf32>
    %max3A = arith.constant 0.000000e+00 : f32
    %max3A_45 = vector.broadcast %max3A : f32 to vector<1000x128xf32>
    %max3A_46 = arith.maximumf %add3A_44, %max3A_45 : vector<1000x128xf32>
    %get3A_47 = arith.constant 0 : index
    %get3A_48 = arith.constant 0 : index
    %get3A_49 = arith.constant 0 : index
    %get3A_50 = vector.load %arg6[%get3A_47, %get3A_48, %get3A_49] : memref<2x128x128xf32, #tpu.memory_space<vmem>>, vector<1x128x128xf32>
    %get3A_51 = vector.shape_cast %get3A_50 : vector<1x128x128xf32> to vector<128x128xf32>
    %dot_general3A_52 = arith.constant dense<0.000000e+00> : vector<1000x128xf32>
    %dot_general3A_53 = tpu.matmul %max3A_46, %get3A_51, %dot_general3A_52 {dimension_numbers = #tpu.dot_dimension_numbers<[1], [0], [0], [1], [0, 0, 1, 1], [], []>, transpose_lhs_hint = false} : vector<1000x128xf32>, vector<128x128xf32>, vector<1000x128xf32> -> vector<1000x128xf32>
    %get3A_54 = arith.constant 0 : index
    %get3A_55 = arith.constant 0 : index
    %get3A_56 = vector.load %arg7[%get3A_54, %get3A_55] : memref<2x128xf32, #tpu.memory_space<vmem>>, vector<1x128xf32>
    %get3A_57 = vector.shape_cast %get3A_56 : vector<1x128xf32> to vector<128xf32>
    %broadcast_in_dim3A_58 = vector.shape_cast %get3A_57 : vector<128xf32> to vector<1x128xf32>
    %add3A_59 = vector.broadcast %broadcast_in_dim3A_58 : vector<1x128xf32> to vector<1000x128xf32>
    %add3A_60 = arith.addf %dot_general3A_53, %add3A_59 : vector<1000x128xf32>
    %get3A_61 = arith.constant 0 : index
    %get3A_62 = arith.constant 0 : index
    %get3A_63 = vector.load %arg8[%get3A_61, %get3A_62] : memref<2x128xf32, #tpu.memory_space<vmem>>, vector<1x128xf32>
    %get3A_64 = vector.shape_cast %get3A_63 : vector<1x128xf32> to vector<128xf32>
    %get3A_65 = arith.constant 0 : index
    %get3A_66 = arith.constant 0 : index
    %get3A_67 = vector.load %arg9[%get3A_65, %get3A_66] : memref<2x128xf32, #tpu.memory_space<vmem>>, vector<1x128xf32>
    %get3A_68 = vector.shape_cast %get3A_67 : vector<1x128xf32> to vector<128xf32>
    %reduce_sum3A_69 = arith.constant dense<0.000000e+00> : vector<1000xf32>
    %reduce_sum3A_70 = vector.multi_reduction <add>, %add3A_60, %reduce_sum3A_69 [1] : vector<1000x128xf32> to vector<1000xf32>
    %broadcast_in_dim3A_71 = vector.shape_cast %reduce_sum3A_70 : vector<1000xf32> to vector<1000x1xf32>
    %div3A_72 = arith.constant 1.280000e+02 : f32
    %div3A_73 = vector.broadcast %div3A_72 : f32 to vector<1000x1xf32>
    %div3A_74 = arith.divf %broadcast_in_dim3A_71, %div3A_73 : vector<1000x1xf32>
    %mul3A_75 = arith.mulf %add3A_60, %add3A_60 : vector<1000x128xf32>
    %reduce_sum3A_76 = arith.constant dense<0.000000e+00> : vector<1000xf32>
    %reduce_sum3A_77 = vector.multi_reduction <add>, %mul3A_75, %reduce_sum3A_76 [1] : vector<1000x128xf32> to vector<1000xf32>
    %broadcast_in_dim3A_78 = vector.shape_cast %reduce_sum3A_77 : vector<1000xf32> to vector<1000x1xf32>
    %div3A_79 = arith.constant 1.280000e+02 : f32
    %div3A_80 = vector.broadcast %div3A_79 : f32 to vector<1000x1xf32>
    %div3A_81 = arith.divf %broadcast_in_dim3A_78, %div3A_80 : vector<1000x1xf32>
    %mul3A_82 = arith.mulf %div3A_74, %div3A_74 : vector<1000x1xf32>
    %sub3A_83 = arith.subf %div3A_81, %mul3A_82 : vector<1000x1xf32>
    %sub3A_84 = vector.broadcast %div3A_74 : vector<1000x1xf32> to vector<1000x128xf32>
    %sub3A_85 = arith.subf %add3A_60, %sub3A_84 : vector<1000x128xf32>
    %add3A_86 = arith.constant 9.99999974E-6 : f32
    %add3A_87 = vector.broadcast %add3A_86 : f32 to vector<1000x1xf32>
    %add3A_88 = arith.addf %sub3A_83, %add3A_87 : vector<1000x1xf32>
    %rsqrt3A_89 = math.rsqrt %add3A_88 : vector<1000x1xf32>
    %mul3A_90 = vector.broadcast %rsqrt3A_89 : vector<1000x1xf32> to vector<1000x128xf32>
    %mul3A_91 = arith.mulf %sub3A_85, %mul3A_90 : vector<1000x128xf32>
    %broadcast_in_dim3A_92 = vector.shape_cast %get3A_64 : vector<128xf32> to vector<1x128xf32>
    %mul3A_93 = vector.broadcast %broadcast_in_dim3A_92 : vector<1x128xf32> to vector<1000x128xf32>
    %mul3A_94 = arith.mulf %mul3A_91, %mul3A_93 : vector<1000x128xf32>
    %broadcast_in_dim3A_95 = vector.shape_cast %get3A_68 : vector<128xf32> to vector<1x128xf32>
    %add3A_96 = vector.broadcast %broadcast_in_dim3A_95 : vector<1x128xf32> to vector<1000x128xf32>
    %add3A_97 = arith.addf %mul3A_94, %add3A_96 : vector<1000x128xf32>
    %tanh3A = math.tanh %add3A_97 : vector<1000x128xf32>
    %get3A_98 = arith.constant 1 : index
    %get3A_99 = arith.constant 0 : index
    %get3A_100 = arith.constant 0 : index
    %get3A_101 = vector.load %arg2[%get3A_98, %get3A_99, %get3A_100] : memref<2x8x128xf32, #tpu.memory_space<vmem>>, vector<1x8x128xf32>
    %get3A_102 = vector.shape_cast %get3A_101 : vector<1x8x128xf32> to vector<8x128xf32>
    %dot_general3A_103 = arith.constant dense<0.000000e+00> : vector<1000x128xf32>
    %dot_general3A_104 = tpu.matmul %get3A_1, %get3A_102, %dot_general3A_103 {dimension_numbers = #tpu.dot_dimension_numbers<[1], [0], [0], [1], [0, 0, 1, 1], [], []>, transpose_lhs_hint = false} : vector<1000x8xf32>, vector<8x128xf32>, vector<1000x128xf32> -> vector<1000x128xf32>
    %get3A_105 = arith.constant 1 : index
    %get3A_106 = arith.constant 0 : index
    %get3A_107 = vector.load %arg3[%get3A_105, %get3A_106] : memref<2x128xf32, #tpu.memory_space<vmem>>, vector<1x128xf32>
    %get3A_108 = vector.shape_cast %get3A_107 : vector<1x128xf32> to vector<128xf32>
    %broadcast_in_dim3A_109 = vector.shape_cast %get3A_108 : vector<128xf32> to vector<1x128xf32>
    %add3A_110 = vector.broadcast %broadcast_in_dim3A_109 : vector<1x128xf32> to vector<1000x128xf32>
    %add3A_111 = arith.addf %dot_general3A_104, %add3A_110 : vector<1000x128xf32>
    %get3A_112 = arith.constant 1 : index
    %get3A_113 = arith.constant 0 : index
    %get3A_114 = vector.load %arg4[%get3A_112, %get3A_113] : memref<2x128xf32, #tpu.memory_space<vmem>>, vector<1x128xf32>
    %get3A_115 = vector.shape_cast %get3A_114 : vector<1x128xf32> to vector<128xf32>
    %get3A_116 = arith.constant 1 : index
    %get3A_117 = arith.constant 0 : index
    %get3A_118 = vector.load %arg5[%get3A_116, %get3A_117] : memref<2x128xf32, #tpu.memory_space<vmem>>, vector<1x128xf32>
    %get3A_119 = vector.shape_cast %get3A_118 : vector<1x128xf32> to vector<128xf32>
    %reduce_sum3A_120 = arith.constant dense<0.000000e+00> : vector<1000xf32>
    %reduce_sum3A_121 = vector.multi_reduction <add>, %add3A_111, %reduce_sum3A_120 [1] : vector<1000x128xf32> to vector<1000xf32>
    %broadcast_in_dim3A_122 = vector.shape_cast %reduce_sum3A_121 : vector<1000xf32> to vector<1000x1xf32>
    %div3A_123 = arith.constant 1.280000e+02 : f32
    %div3A_124 = vector.broadcast %div3A_123 : f32 to vector<1000x1xf32>
    %div3A_125 = arith.divf %broadcast_in_dim3A_122, %div3A_124 : vector<1000x1xf32>
    %mul3A_126 = arith.mulf %add3A_111, %add3A_111 : vector<1000x128xf32>
    %reduce_sum3A_127 = arith.constant dense<0.000000e+00> : vector<1000xf32>
    %reduce_sum3A_128 = vector.multi_reduction <add>, %mul3A_126, %reduce_sum3A_127 [1] : vector<1000x128xf32> to vector<1000xf32>
    %broadcast_in_dim3A_129 = vector.shape_cast %reduce_sum3A_128 : vector<1000xf32> to vector<1000x1xf32>
    %div3A_130 = arith.constant 1.280000e+02 : f32
    %div3A_131 = vector.broadcast %div3A_130 : f32 to vector<1000x1xf32>
    %div3A_132 = arith.divf %broadcast_in_dim3A_129, %div3A_131 : vector<1000x1xf32>
    %mul3A_133 = arith.mulf %div3A_125, %div3A_125 : vector<1000x1xf32>
    %sub3A_134 = arith.subf %div3A_132, %mul3A_133 : vector<1000x1xf32>
    %sub3A_135 = vector.broadcast %div3A_125 : vector<1000x1xf32> to vector<1000x128xf32>
    %sub3A_136 = arith.subf %add3A_111, %sub3A_135 : vector<1000x128xf32>
    %add3A_137 = arith.constant 9.99999974E-6 : f32
    %add3A_138 = vector.broadcast %add3A_137 : f32 to vector<1000x1xf32>
    %add3A_139 = arith.addf %sub3A_134, %add3A_138 : vector<1000x1xf32>
    %rsqrt3A_140 = math.rsqrt %add3A_139 : vector<1000x1xf32>
    %mul3A_141 = vector.broadcast %rsqrt3A_140 : vector<1000x1xf32> to vector<1000x128xf32>
    %mul3A_142 = arith.mulf %sub3A_136, %mul3A_141 : vector<1000x128xf32>
    %broadcast_in_dim3A_143 = vector.shape_cast %get3A_115 : vector<128xf32> to vector<1x128xf32>
    %mul3A_144 = vector.broadcast %broadcast_in_dim3A_143 : vector<1x128xf32> to vector<1000x128xf32>
    %mul3A_145 = arith.mulf %mul3A_142, %mul3A_144 : vector<1000x128xf32>
    %broadcast_in_dim3A_146 = vector.shape_cast %get3A_119 : vector<128xf32> to vector<1x128xf32>
    %add3A_147 = vector.broadcast %broadcast_in_dim3A_146 : vector<1x128xf32> to vector<1000x128xf32>
    %add3A_148 = arith.addf %mul3A_145, %add3A_147 : vector<1000x128xf32>
    %max3A_149 = arith.constant 0.000000e+00 : f32
    %max3A_150 = vector.broadcast %max3A_149 : f32 to vector<1000x128xf32>
    %max3A_151 = arith.maximumf %add3A_148, %max3A_150 : vector<1000x128xf32>
    %get3A_152 = arith.constant 1 : index
    %get3A_153 = arith.constant 0 : index
    %get3A_154 = arith.constant 0 : index
    %get3A_155 = vector.load %arg6[%get3A_152, %get3A_153, %get3A_154] : memref<2x128x128xf32, #tpu.memory_space<vmem>>, vector<1x128x128xf32>
    %get3A_156 = vector.shape_cast %get3A_155 : vector<1x128x128xf32> to vector<128x128xf32>
    %dot_general3A_157 = arith.constant dense<0.000000e+00> : vector<1000x128xf32>
    %dot_general3A_158 = tpu.matmul %max3A_151, %get3A_156, %dot_general3A_157 {dimension_numbers = #tpu.dot_dimension_numbers<[1], [0], [0], [1], [0, 0, 1, 1], [], []>, transpose_lhs_hint = false} : vector<1000x128xf32>, vector<128x128xf32>, vector<1000x128xf32> -> vector<1000x128xf32>
    %get3A_159 = arith.constant 1 : index
    %get3A_160 = arith.constant 0 : index
    %get3A_161 = vector.load %arg7[%get3A_159, %get3A_160] : memref<2x128xf32, #tpu.memory_space<vmem>>, vector<1x128xf32>
    %get3A_162 = vector.shape_cast %get3A_161 : vector<1x128xf32> to vector<128xf32>
    %broadcast_in_dim3A_163 = vector.shape_cast %get3A_162 : vector<128xf32> to vector<1x128xf32>
    %add3A_164 = vector.broadcast %broadcast_in_dim3A_163 : vector<1x128xf32> to vector<1000x128xf32>
    %add3A_165 = arith.addf %dot_general3A_158, %add3A_164 : vector<1000x128xf32>
    %get3A_166 = arith.constant 1 : index
    %get3A_167 = arith.constant 0 : index
    %get3A_168 = vector.load %arg8[%get3A_166, %get3A_167] : memref<2x128xf32, #tpu.memory_space<vmem>>, vector<1x128xf32>
    %get3A_169 = vector.shape_cast %get3A_168 : vector<1x128xf32> to vector<128xf32>
    %get3A_170 = arith.constant 1 : index
    %get3A_171 = arith.constant 0 : index
    %get3A_172 = vector.load %arg9[%get3A_170, %get3A_171] : memref<2x128xf32, #tpu.memory_space<vmem>>, vector<1x128xf32>
    %get3A_173 = vector.shape_cast %get3A_172 : vector<1x128xf32> to vector<128xf32>
    %reduce_sum3A_174 = arith.constant dense<0.000000e+00> : vector<1000xf32>
    %reduce_sum3A_175 = vector.multi_reduction <add>, %add3A_165, %reduce_sum3A_174 [1] : vector<1000x128xf32> to vector<1000xf32>
    %broadcast_in_dim3A_176 = vector.shape_cast %reduce_sum3A_175 : vector<1000xf32> to vector<1000x1xf32>
    %div3A_177 = arith.constant 1.280000e+02 : f32
    %div3A_178 = vector.broadcast %div3A_177 : f32 to vector<1000x1xf32>
    %div3A_179 = arith.divf %broadcast_in_dim3A_176, %div3A_178 : vector<1000x1xf32>
    %mul3A_180 = arith.mulf %add3A_165, %add3A_165 : vector<1000x128xf32>
    %reduce_sum3A_181 = arith.constant dense<0.000000e+00> : vector<1000xf32>
    %reduce_sum3A_182 = vector.multi_reduction <add>, %mul3A_180, %reduce_sum3A_181 [1] : vector<1000x128xf32> to vector<1000xf32>
    %broadcast_in_dim3A_183 = vector.shape_cast %reduce_sum3A_182 : vector<1000xf32> to vector<1000x1xf32>
    %div3A_184 = arith.constant 1.280000e+02 : f32
    %div3A_185 = vector.broadcast %div3A_184 : f32 to vector<1000x1xf32>
    %div3A_186 = arith.divf %broadcast_in_dim3A_183, %div3A_185 : vector<1000x1xf32>
    %mul3A_187 = arith.mulf %div3A_179, %div3A_179 : vector<1000x1xf32>
    %sub3A_188 = arith.subf %div3A_186, %mul3A_187 : vector<1000x1xf32>
    %sub3A_189 = vector.broadcast %div3A_179 : vector<1000x1xf32> to vector<1000x128xf32>
    %sub3A_190 = arith.subf %add3A_165, %sub3A_189 : vector<1000x128xf32>
    %add3A_191 = arith.constant 9.99999974E-6 : f32
    %add3A_192 = vector.broadcast %add3A_191 : f32 to vector<1000x1xf32>
    %add3A_193 = arith.addf %sub3A_188, %add3A_192 : vector<1000x1xf32>
    %rsqrt3A_194 = math.rsqrt %add3A_193 : vector<1000x1xf32>
    %mul3A_195 = vector.broadcast %rsqrt3A_194 : vector<1000x1xf32> to vector<1000x128xf32>
    %mul3A_196 = arith.mulf %sub3A_190, %mul3A_195 : vector<1000x128xf32>
    %broadcast_in_dim3A_197 = vector.shape_cast %get3A_169 : vector<128xf32> to vector<1x128xf32>
    %mul3A_198 = vector.broadcast %broadcast_in_dim3A_197 : vector<1x128xf32> to vector<1000x128xf32>
    %mul3A_199 = arith.mulf %mul3A_196, %mul3A_198 : vector<1000x128xf32>
    %broadcast_in_dim3A_200 = vector.shape_cast %get3A_173 : vector<128xf32> to vector<1x128xf32>
    %add3A_201 = vector.broadcast %broadcast_in_dim3A_200 : vector<1x128xf32> to vector<1000x128xf32>
    %add3A_202 = arith.addf %mul3A_199, %add3A_201 : vector<1000x128xf32>
    %tanh3A_203 = math.tanh %add3A_202 : vector<1000x128xf32>
    %eq3A = arith.constant 0.000000e+00 : f32
    %eq3A_204 = vector.broadcast %eq3A : f32 to vector<1000x1xf32>
    %eq3A_205 = arith.cmpf oeq, %slice3A, %eq3A_204 : vector<1000x1xf32>
    %broadcast_in_dim3A_206 = vector.shape_cast %eq3A_205 : vector<1000x1xi1> to vector<1000x1xi1>
    %broadcast_in_dim3A_207 = vector.broadcast %broadcast_in_dim3A_206 : vector<1000x1xi1> to vector<1000x128xi1>
    %select_n3A = arith.select %broadcast_in_dim3A_207, %tanh3A, %tanh3A_203 : vector<1000x128xi1>, vector<1000x128xf32>
    %swap3A = arith.constant 0 : index
    %swap3A_208 = arith.constant 0 : index
    %swap3A_209 = vector.load %arg10[%swap3A, %swap3A_208] : memref<1000x128xf32, #tpu.memory_space<vmem>>, vector<1000x128xf32>
    tpu.vector_store %arg10[%swap3A, %swap3A_208], %select_n3A {strides = array<i32>} : memref<1000x128xf32, #tpu.memory_space<vmem>>, vector<1000x128xf32>,
    return
  }
  func.func @transform_0(%arg0: i32) -> (i32, i32) {
    %c0_i32 = arith.constant 0 : i32
    %c0_i32_0 = arith.constant 0 : i32
    return %arg0, %c0_i32 : i32, i32
  }
  func.func @transform_1(%arg0: i32) -> (i32, i32, i32) {
    %c0_i32 = arith.constant 0 : i32
    %c0_i32_0 = arith.constant 0 : i32
    %c0_i32_1 = arith.constant 0 : i32
    %c0_i32_2 = arith.constant 0 : i32
    return %c0_i32, %c0_i32_0, %c0_i32_1 : i32, i32, i32
  }
  func.func @transform_2(%arg0: i32) -> (i32, i32) {
    %c0_i32 = arith.constant 0 : i32
    %c0_i32_0 = arith.constant 0 : i32
    %c0_i32_1 = arith.constant 0 : i32
    return %c0_i32, %c0_i32_0 : i32, i32
  }
  func.func @transform_3(%arg0: i32) -> (i32, i32) {
    %c0_i32 = arith.constant 0 : i32
    %c0_i32_0 = arith.constant 0 : i32
    %c0_i32_1 = arith.constant 0 : i32
    return %c0_i32, %c0_i32_0 : i32, i32
  }
  func.func @transform_4(%arg0: i32) -> (i32, i32) {
    %c0_i32 = arith.constant 0 : i32
    %c0_i32_0 = arith.constant 0 : i32
    %c0_i32_1 = arith.constant 0 : i32
    return %c0_i32, %c0_i32_0 : i32, i32
  }
  func.func @transform_5(%arg0: i32) -> (i32, i32, i32) {
    %c0_i32 = arith.constant 0 : i32
    %c0_i32_0 = arith.constant 0 : i32
    %c0_i32_1 = arith.constant 0 : i32
    %c0_i32_2 = arith.constant 0 : i32
    return %c0_i32, %c0_i32_0, %c0_i32_1 : i32, i32, i32
  }
  func.func @transform_6(%arg0: i32) -> (i32, i32) {
    %c0_i32 = arith.constant 0 : i32
    %c0_i32_0 = arith.constant 0 : i32
    %c0_i32_1 = arith.constant 0 : i32
    return %c0_i32, %c0_i32_0 : i32, i32
  }
  func.func @transform_7(%arg0: i32) -> (i32, i32) {
    %c0_i32 = arith.constant 0 : i32
    %c0_i32_0 = arith.constant 0 : i32
    %c0_i32_1 = arith.constant 0 : i32
    return %c0_i32, %c0_i32_0 : i32, i32
  }
  func.func @transform_8(%arg0: i32) -> (i32, i32) {
    %c0_i32 = arith.constant 0 : i32
    %c0_i32_0 = arith.constant 0 : i32
    %c0_i32_1 = arith.constant 0 : i32
    return %c0_i32, %c0_i32_0 : i32, i32
  }
  func.func @transform_9(%arg0: i32) -> (i32, i32) {
    %c0_i32 = arith.constant 0 : i32
    %c0_i32_0 = arith.constant 0 : i32
    return %arg0, %c0_i32 : i32, i32
  }
}

</mosaic_0001>

<sc_bundles>
// kernel: kernel.6.cloned.1.call-start
scs
__scs_entry_jumppad:
0x0: {  	(pc) =	sbr.rel $0x88, $3  }
0x1: {  	(tag) =	ssettag $0x0;
	lr =	simm.s32 $0x1  }
0x2: {  	[smem:$0x3F76] =	sst lr;
	_ =	strace $0xD0000000  }
0x3: {  	_ = 	snop  }
0x4: {  	_ = 	snop  }
0x5: {  	_ = 	snop  }
0x6: {  	_ = 	snop  }
0x7: {  	_ = 	snop  }
__scs_overlays_trampoline_lowered:
0x8: {  	[smem:$0x3F85] =	sst s0  }
0x9: {  	[smem:$0x3F86] =	sst s1  }
0xa: {  	[smem:$0x3F87] =	sst s2  }
0xb: {  	[smem:$0x3F88] =	sst s3  }
0xc: {  	[smem:$0x3F89] =	sst s4  }
0xd: {  	[smem:$0x3F8A] =	sst s5  }
0xe: {  	[smem:$0x3F8B] =	sst s6  }
0xf: {  	[smem:$0x3F8C] =	sst s7  }
0x10: {  	[smem:$0x3F8D] =	sst s8  }
0x11: {  	[smem:$0x3F8E] =	sst s9;
	s0 =	simm.s32 @!p0 $0x0  }
0x12: {  	s1 =	sld [smem:$0x3F74];
	s0 =	simm.s32 @p0 $0x1  }
0x13: {  	[smem:$0x3F8F] =	sst s0;
	s0 =	simm.s32 @!p1 $0x0  }
0x14: {  	s2 =	sld [smem:$0x3F73];
	s0 =	simm.s32 @p1 $0x1  }
0x15: {  	[smem:$0x3F90] =	sst s0;
	s0 =	simm.s32 @!p2 $0x0  }
0x16: {  	s3 =	sld [smem:$0x3FDB];
	s0 =	simm.s32 @p2 $0x1  }
0x17: {  	s4 =	simm.s32 $0x1BF5;
	[smem:$0x3F92] =	sst s0  }
0x18: {  	s0 =	sld [smem:$0x3F75];
	_ =	swait.ge [sflag:s4], $0x0  }
0x19: {  	s7 =	sld [smem:$0x3F76]  }
0x1a: {  	s8 =	sadd.s32 $0xFFFFE003, lr  }
0x1b: {  	s9 =	sadd.s32 $0xFFFFFEF7, lr;
	s5 =	simm.s32 $0xFFFFFFFF;
	p2 =	slt.u32 s8, $0xFFFFF086  }
0x1c: {  	p1 =	slt.u32 s9, $0xF7A;
	s5 =	simm.s32 @!p2 $0x0  }
0x1d: {  	s5 =	simm.s32 @p1 $0x1;
	p0 =	seq.s32 s7, s2  }
0x1e: {  	s7 =	smul.u32 @!p0 $0xF7A, s2;
	p2 =	seq.s32 @!p0 s5, $0x0  }
0x1f: {  	s9 =	smul.u32 $0xF7A, s1;
	s8 =	simm.s32 @!p0 $0x1BF5;
	p2 =	por !p2, p0  }
0x20: {  	[sflag:s8] =	ssyncset.s32 @!p0 $0xFFFFF086;
	s6 =	sadd.s32 @!p0 s3, s7;
	s7 =	simm.s32 @!p0 $0x108  }
0x21: {  	s3 =	sadd.s32 s3, s9;
	s6 =	sadd.s32 @!p0 $0x88, s6;
	s7 =	simm.s32 @p2 $0x1082  }
0x22: {  	[simem:s7], [sflag:s8] =	dma.local @!p0 [hbm:s6], $0xF7A  }
0x23: {  	s9 =	sor.u32 $0xD0000000, s2;
	s6 =	simm.s32 $0x108;
	_ =	swait.ge @!p0 [sflag:s8], $0x0  }
0x24: {  	s3 =	sadd.s32 $0x88, s3;
	s6 =	simm.s32 @!p1 $0x1082;
	[sflag:s4] =	ssyncset.s32 $0xFFFFF086  }
0x25: {  	[simem:s6], [sflag:s4] =	dma.local [hbm:s3], $0xF7A  }
0x26: {  	[smem:$0x3F76] =	sst s1;
	(tag) =	ssettag s2;
	_ =	strace s9  }
0x27: {  	s1 =	sld [smem:$0x3F86]  }
0x28: {  	s2 =	sld [smem:$0x3F87]  }
0x29: {  	s4 =	sld [smem:$0x3F89]  }
0x2a: {  	p0 =	seq.s32 s5, $0x0;
	s5 =	sld [smem:$0x3F8A]  }
0x2b: {  	s6 =	sld [smem:$0x3F8B]  }
0x2c: {  	s7 =	sld [smem:$0x3F8C]  }
0x2d: {  	s3 =	simm.s32 $0x108;
	s8 =	sld [smem:$0x3F8D]  }
0x2e: {  	s3 =	simm.s32 @!p0 $0x1082;
	s9 =	sld [smem:$0x3F8E]  }
0x2f: {  	lr =	sadd.s32 s0, s3;
	s0 =	sld [smem:$0x3F85]  }
0x30: {  	s3 =	sld [smem:$0x3F88]  }
0x31: {  	[smem:$0x3F91] =	sst s10  }
0x32: {  	s10 =	sld [smem:$0x3F8F];
	_ =	sdelay $0x3  }
0x33: {  	p0 =	seq.s32 s10, $0x1;
	s10 =	sld [smem:$0x3F91];
	_ =	sdelay $0x3  }
0x34: {  	[smem:$0x3F91] =	sst s10  }
0x35: {  	s10 =	sld [smem:$0x3F90];
	_ =	sdelay $0x3  }
0x36: {  	p1 =	seq.s32 s10, $0x1;
	s10 =	sld [smem:$0x3F91];
	_ =	sdelay $0x3  }
0x37: {  	[smem:$0x3F91] =	sst s10  }
0x38: {  	s10 =	sld [smem:$0x3F92]  }
0x39: {  	_ = 	snop;
	(pc) =	sbr.ind lr, $3  }
0x3a: {  	_ = 	snop  }
0x3b: {  	_ = 	snop  }
0x3c: {  	p2 =	seq.s32 s10, $0x1;
	s10 =	sld [smem:$0x3F91]  }
0x3d: {  	_ =	shalt  }
0x3e: {  	_ =	shalt  }
0x3f: {  	_ =	shalt  }
0x40: {  	_ =	shalt  }
0x41: {  	_ =	shalt  }
0x42: {  	_ =	shalt  }
0x43: {  	_ =	shalt  }
0x44: {  	_ =	shalt  }
0x45: {  	_ =	shalt  }
0x46: {  	_ =	shalt  }
0x47: {  	_ =	shalt  }
0x48: {  	_ =	shalt  }
0x49: {  	_ =	shalt  }
0x4a: {  	_ =	shalt  }
0x4b: {  	_ =	shalt  }
0x4c: {  	_ =	shalt  }
0x4d: {  	_ =	shalt  }
0x4e: {  	_ =	shalt  }
0x4f: {  	_ =	shalt  }
0x50: {  	_ =	shalt  }
0x51: {  	_ =	shalt  }
0x52: {  	_ =	shalt  }
0x53: {  	_ =	shalt  }
0x54: {  	_ =	shalt  }
0x55: {  	_ =	shalt  }
0x56: {  	_ =	shalt  }
0x57: {  	_ =	shalt  }
0x58: {  	_ =	shalt  }
0x59: {  	_ =	shalt  }
0x5a: {  	_ =	shalt  }
0x5b: {  	_ =	shalt  }
0x5c: {  	_ =	shalt  }
0x5d: {  	_ =	shalt  }
0x5e: {  	_ =	shalt  }
0x5f: {  	_ =	shalt  }
0x60: {  	_ =	shalt  }
0x61: {  	_ =	shalt  }
0x62: {  	_ =	shalt  }
0x63: {  	_ =	shalt  }
0x64: {  	_ =	shalt  }
0x65: {  	_ =	shalt  }
0x66: {  	_ =	shalt  }
0x67: {  	_ =	shalt  }
0x68: {  	_ =	shalt  }
0x69: {  	_ =	shalt  }
0x6a: {  	_ =	shalt  }
0x6b: {  	_ =	shalt  }
0x6c: {  	_ =	shalt  }
0x6d: {  	_ =	shalt  }
0x6e: {  	_ =	shalt  }
0x6f: {  	_ =	shalt  }
0x70: {  	_ =	shalt  }
0x71: {  	_ =	shalt  }
0x72: {  	_ =	shalt  }
0x73: {  	_ =	shalt  }
0x74: {  	_ =	shalt  }
0x75: {  	_ =	shalt  }
0x76: {  	_ =	shalt  }
0x77: {  	_ =	shalt  }
0x78: {  	_ =	shalt  }
0x79: {  	_ =	shalt  }
0x7a: {  	_ =	shalt  }
0x7b: {  	_ =	shalt  }
0x7c: {  	_ =	shalt  }
0x7d: {  	_ =	shalt  }
0x7e: {  	_ =	shalt  }
0x7f: {  	_ =	shalt  }
0x80: {  	_ =	shalt  }
0x81: {  	_ =	shalt  }
0x82: {  	_ =	shalt  }
0x83: {  	_ =	shalt  }
0x84: {  	_ =	shalt  }
0x85: {  	_ =	shalt  }
0x86: {  	_ =	shalt  }
0x87: {  	_ =	shalt  }
.Lfunc_end0:
.L_simem_size_0:
called_computation_lowered:
.L_overlay_start_0:
0x88: {  	s2 =	sld [smem:$0x3FD9]  }
0x89: {  	s3 =	sld [smem:$0x3FFE];
	_ =	sdelay $0x1  }
0x8a: {  	s1 =	srdreg.scid  }
0x8b: {  	s0 =	sand.u32 $0x1, s1  }
0x8c: {  	s14 =	sshll.u32 s0, $0xA;
	s2 =	sadd.s32 s3, s2  }
0x8d: {  	s2 =	sadd.s32 s2, s14  }
0x8e: {  	[smem:$0x3F9D] =	sst s2  }
0x8f: {  	_ = 	snop  }
0x90: {  	s2 =	sld [smem:$0x3FD0];
	_ =	sdelay $0x2  }
0x91: {  	s4 =	simm.s32 $0xA;
	s5 =	simm.s32 $0x10;
	s15 =	sld [smem:$0x3FC7]  }
0x92: {  	[smem:s5], [sflag:s4] =	dma.local [hbm:s2], $0x1  }
0x93: {  	_ =	swait.eq [sflag:s4], $0x1  }
0x94: {  	[sflag:s4] =	ssyncset.done $0x0  }
0x95: {  	s16 =	sld [smem:$0x10];
	[sflag:s4] =	ssyncadd.s32 $0xFFFFFFFF  }
0x96: {  	s17 =	sld [smem:$0x11];
	(tm) =	ssettm $0x1  }
0x97: {  	s18 =	sld [smem:$0x3FFB];
	_ =	sdelay $0x3  }
0x98: {  	_ =	strace s18  }
0x99: {  	s5 =	sld [smem:$0x3FFC];
	_ =	sdelay $0x3  }
0x9a: {  	_ =	strace s5  }
0x9b: {  	s5 =	sld [smem:$0x3FFD];
	_ =	sdelay $0x3  }
0x9c: {  	_ =	strace s5  }
0x9d: {  	_ =	strace $0x8FFFFFFF  }
0x9e: {  	s19 =	sld [smem:$0x3FDB];
	_ =	sdelay $0x1  }
0x9f: {  	s6 =	simm.s32 $_scs_section_size  }
0xa0: {  	s7 =	simm.s32 $_size__tile_overlayer_lowered;
	s8 =	simm.s32 $_tile_overlayer_lowered  }
0xa1: {  	s22 =	simm.s32 $0x1BFF;
	s21 =	sshll.u32 s8, $0x1;
	s5 =	sadd.s32 s6, s19  }
0xa2: {  	s9 =	simm.s32 $0x0;
	s20 =	sshll.u32 s7, $0x1;
	s7 =	sadd.s32 s21, s5  }
0xa3: {  	[timem:s9], [sflag:s22] =	dma.local [hbm:s7], s20  }
0xa4: {  	_ =	swait.ge [sflag:s22], s20  }
0xa5: {  	s6 =	ssub.s32 $0x0, s20;
	[sflag:s22] =	ssyncset.done $0x0  }
0xa6: {  	[sflag:s22] =	ssyncadd.s32 s6;
	_ =	sdelay $0x1  }
0xa7: {  	s23 =	simm.s32 $0x1B8B  }
0xa8: {  	_ =	swait.ge [sflag:s23], $0x1  }
0xa9: {  	[sflag:s23] =	ssyncset.done $0x0  }
0xaa: {  	s25 =	simm.s32 $0x1B8E;
	s24 =	sld [smem:$0x3FFE];
	[sflag:s23] =	ssyncadd.s32 $0xFFFFFFFF  }
0xab: {  	s26 =	simm.s32 $execute0_lowered;
	[smem:$0x3FD2] =	sst s25  }
0xac: {  	s7 =	sshll.u32 s26, $0x1;
	_ =	strace $0x80000046;
	[dreg:$0x1] =	wrdreg $0xFFFFFFFF  }
0xad: {  	s28 =	simm.s32 $_size_execute0_lowered;
	s5 =	sadd.s32 s5, s7;
	[dreg:$0x0] =	wrdreg $0x0  }
0xae: {  	s7 =	sshll.u32 s28, $0x1;
	[dreg:$0x2] =	wrdreg s5  }
0xaf: {  	[dreg:$0x3] =	wrdreg s7  }
0xb0: {  	[dreg:$0x4] =	wrdreg $0xC0  }
0xb1: {  	_ =	task [dreg:s9], $0x5FFFF  }
0xb2: {  	[dreg:$0x1] =	wrdreg $0xFFFFFFFF  }
0xb3: {  	[dreg:$0x0] =	wrdreg $0x60  }
0xb4: {  	[dreg:$0x2] =	wrdreg s15  }
0xb5: {  	[dreg:$0x3] =	wrdreg s16  }
0xb6: {  	[dreg:$0x4] =	wrdreg s24  }
0xb7: {  	[dreg:$0x5] =	wrdreg s17  }
0xb8: {  	[dreg:$0x6] =	wrdreg $0xC4200  }
0xb9: {  	[dreg:$0x7] =	wrdreg $0x9  }
0xba: {  	_ =	task.clear_ibuf [dreg:s9], $0x8FFFF;
	_ =	strace $0x90000046  }
0xbb: {  	s29 =	simm.s32 $0x9;
	_ =	strace $0x80000048  }
0xbc: {  	_ =	swait.ge [sflag:s29], $0x1  }
0xbd: {  	[sflag:s29] =	ssyncadd.s32 $0xFFFFFFFF  }
0xbe: {  	_ =	strace $0x90000048  }
0xbf: {  	_ =	sfence  }
0xc0: {  	s30 =	sld [smem:$0x0];
	_ =	sdelay $0x2  }
0xc1: {  	s31 =	sshll.u32 s1, $0xD;
	s1 =	sshrl.u32 s1, $0x2  }
0xc2: {  	s3 =	sand.u32 $0x4000, s31;
	s1 =	sadd.s32 s1, s30  }
0xc3: {  	s0 =	sor.u32 s3, s0;
	s1 =	sshll.u32 s1, $0x11  }
0xc4: {  	s0 =	sor.u32 s1, s0  }
0xc5: {  	s0 =	sadd.s32 $0x8F2B, s0  }
0xc6: {  	[sflag:s0] =	ssyncadd.remote.s32 $0x1  }
0xc7: {  	_ =	sfence.sel $0xFFFF  }
0xc8: {  	[dreg:$0x0] =	wrdreg $0xFFFFFFFF;
	(pc) =	sbr.abs _section_cstart, $3  }
0xc9: {  	[dreg:$0x1] =	wrdreg $0xFFFFFFFF  }
0xca: {  	_ =	task.clear_ibuf [dreg:s9], $0x2FFFF;
	_ =	strace $0x9FFFFFFF  }
0xcb: {  	(tm) =	ssettm $0x7FFFFFFF  }
tec
execute0_lowered:
.L_overlay_start_1:
0x0: {  	(tag) =	ssettag $0x1  }
0x1: {  	s1 =	rddreg [dreg:$0x1]  }
0x2: {  	s3 =	rddreg [dreg:$0x2]  }
0x3: {  	s2 =	rddreg [dreg:$0x3];
	s0 =	srdreg.scid  }
0x4: {  	s13 =	rddreg [dreg:$0x4];
	s7 =	sand.u32 $0x1, s0  }
0x5: {  	s4 =	simm.s32 $0x0;
	s18 =	stileid.u32;
	s5 =	sshll.u32 s7, $0x4  }
0x6: {  	s14 =	simm.s32 $0x5;
	s19 =	simm.s32 $0x1;
	s5 =	sor.u32 s18, s5  }
0x7: {  	s28 =	simm.s32 $0x6;
	s29 =	simm.s32 $0x3;
	s8 =	smul.u32 $0x280, s5  }
0x8: {  	s30 =	simm.s32 $0x4;
	s31 =	simm.s32 $0xB420;
	[smem:$0x7FF] =	sst s4  }
0x9: {  	s6 =	sadd.s32 $0x11C00, s3;
	p0 =	seq.s32 s18, $0xF;
	s1 =	sadd.s32 s1, s8  }
0xa: {  	_ =	strace $0x80000047;
	[dreg:$0x6] =	wrdreg s1;
	s1 =	simm.s32 @!p0 $0x0  }
0xb: {  	s20 =	sshll.u32 s18, $0x4;
	s1 =	simm.s32 @p0 $0x1;
	p0 =	sgt.u32 s18, $0xD  }
0xc: {  	p4 =	sne.s32 s18, $0x0;
	[smem:$0x7F0] =	sst s1;
	s1 =	simm.s32 @!p0 $0x0  }
0xd: {  	p1 =	seq.s32 s18, $0x0;
	s1 =	simm.s32 @p0 $0x1;
	p0 =	sgt.u32 s18, $0xC  }
0xe: {  	s0 =	simm.s32 $0x0;
	[smem:$0x7F1] =	sst s1;
	s1 =	simm.s32 @!p0 $0x0  }
0xf: {  	s9 =	ssub.s32 $0x2, s7;
	s1 =	simm.s32 @p0 $0x1;
	p0 =	sgt.u32 s18, $0xB  }
0x10: {  	s10 =	sshll.u32 s7, $0x1;
	[smem:$0x7F2] =	sst s1;
	s1 =	simm.s32 @!p0 $0x0  }
0x11: {  	s22 =	sadd.s32 s20, s13;
	s1 =	simm.s32 @p0 $0x1;
	p0 =	sgt.u32 s18, $0xA  }
0x12: {  	s23 =	smul.u32 $0x19000, s7;
	[smem:$0x7F3] =	sst s1;
	s1 =	simm.s32 @!p0 $0x0  }
0x13: {  	s20 =	simm.s32 $0x6310;
	s1 =	simm.s32 @p0 $0x1;
	p0 =	sgt.u32 s18, $0x9  }
0x14: {  	s12 =	sshrl.u32 s9, $0x1;
	[smem:$0x7F4] =	sst s1;
	s1 =	simm.s32 @!p0 $0x0  }
0x15: {  	[dreg:$0x8] =	wrdreg s22;
	s1 =	simm.s32 @p0 $0x1;
	p0 =	sgt.u32 s18, $0x8  }
0x16: {  	s5 =	sadd.s32 $0x7C00, s3;
	[smem:$0x7F5] =	sst s1;
	s1 =	simm.s32 @!p0 $0x0  }
0x17: {  	[dreg:$0x9] =	wrdreg s23;
	s1 =	simm.s32 @p0 $0x1;
	p0 =	sgt.u32 s18, $0x7  }
0x18: {  	s9 =	ssub.s32 s9, s12;
	[smem:$0x7F6] =	sst s1;
	s1 =	simm.s32 @!p0 $0x0  }
0x19: {  	s26 =	smax.u32 s9, $0x1;
	s1 =	simm.s32 @p0 $0x1;
	p0 =	sgt.u32 s18, $0x6  }
0x1a: {  	s11 =	sadd.s32 s8, s3;
	[smem:$0x7F7] =	sst s1;
	s1 =	simm.s32 @!p0 $0x0  }
0x1b: {  	[dreg:$0xc] =	wrdreg s26;
	s1 =	simm.s32 @p0 $0x1;
	p0 =	sgt.u32 s18, $0x5  }
0x1c: {  	s3 =	sadd.s32 s10, s3;
	[smem:$0x7F8] =	sst s1;
	s1 =	simm.s32 @!p0 $0x0  }
0x1d: {  	s21 =	sadd.s32 $0xCC00, s11;
	s1 =	simm.s32 @p0 $0x1;
	p0 =	sgt.u32 s18, $0x4  }
0x1e: {  	s24 =	sadd.s32 $0x75C00, s3;
	[smem:$0x7F9] =	sst s1;
	s1 =	simm.s32 @!p0 $0x0  }
0x1f: {  	v0 =	vimm.s32 $0x0;
	vm0 =	vmmov $0x1;
	[dreg:$0x7] =	wrdreg s21;
	s1 =	simm.s32 @p0 $0x1;
	p0 =	sgt.u32 s18, $0x3  }
0x20: {  	vm1 =	vcmask $0x308;
	vm2 =	vcmask $0x70C;
	vm5 =	vcmask $0x704;
	s25 =	sadd.s32 $0x75E00, s11;
	[smem:$0x7FA] =	sst s1;
	s1 =	simm.s32 @!p0 $0x0  }
0x21: {  	vm3 =	vcmask $0xB10;
	vm4 =	vmmov $0xf;
	vm6 =	vcmask $0x3F08;
	[dreg:$0xa] =	wrdreg s24;
	s1 =	simm.s32 @p0 $0x1;
	p0 =	sgt.u32 s18, $0x2  }
.Ltmp0:
0x22: {  	vm7 =	vcmask $0xB08;
	vm8 =	vcmask $0xF0C;
	vm5 =	vmneg vm5;
	[smem:$0x7FB] =	sst s1;
	s1 =	simm.s32 @!p0 $0x0;
	(pc) =	sbr.rel .LBB2_1-.Ltmp0, $4  }
0x23: {  	vm9 =	vmneg vm6;
	vm7 =	vmneg vm7;
	vm10 =	vmneg vm8;
	[dreg:$0xb] =	wrdreg s25;
	s1 =	simm.s32 @p0 $0x1;
	p0 =	sgt.u32 s18, $0x1  }
0x24: {  	vm9 =	vmand vm9, vm5;
	vm5 =	vcmask $0x3F04;
	vm7 =	vmand vm10, vm7;
	s26 =	simm.s32 $0x2;
	[smem:$0x7FC] =	sst s1;
	s1 =	simm.s32 @!p0 $0x0  }
0x25: {  	vm10 =	vcmask @!p4 $0xB08;
	vm5 =	vmneg vm5;
	vm6 =	vmor vm6, vm9;
	s21 =	simm.s32 $0x7910;
	s24 =	simm.s32 $0xA420;
	s1 =	simm.s32 @p0 $0x1  }
0x26: {  	vm7 =	vmor vm8, vm7;
	vm8 =	vcmask @!p4 $0x300;
	vm9 =	vcmask @!p4 $0x704;
	s25 =	simm.s32 $0xAC20;
	[smem:$0x7FD] =	sst s1;
	s1 =	simm.s32 $0xBC20  }
.LBB2_15:
0x27: {  	s0 =	sadd.s32 $0x1, s0;
	s3 =	rddreg [dreg:$0xc]  }
0x28: {  	p0 =	sne.s32 s0, s3  }
.Ltmp1:
0x29: {  	_ = 	snop;
	(pc) =	sbr.rel @!p0 .LBB2_16-.Ltmp1, $1  }
0x2a: {  	_ =	sdelay $0x3  }
.LBB2_1:
0x2b: {  	s3 =	rddreg [dreg:$0x0]  }
0x2c: {  	[tilespmem:s4], [sflag:$0x5] =	stream.linear.gather [hbm4b:s3+s4], $0x2710, $0x38;
	[tilespmem:$0xC430] =	vst v63  }
0x2d: {  	_ =	swait.ge [sflag:s14], $0x2710  }
0x2e: {  	[sflag:s14] =	ssyncset.done $0x0  }
0x2f: {  	s7 =	simm.s32 $0x2710;
	s18 =	rddreg [dreg:$0x6];
	[sflag:s14] =	ssyncadd.s32 $0xFFFFD8F0  }
0x30: {  	[tilespmem:s7], [sflag:$0x5] =	stream.linear.gather [hbm4b:s18+s4], $0x1400, $0x38;
	[tilespmem:$0xC430] =	vst v63  }
0x31: {  	_ =	swait.ge [sflag:s14], $0x1400  }
0x32: {  	[sflag:s14] =	ssyncset.done $0x0  }
0x33: {  	s23 =	simm.s32 $0x3B10;
	s22 =	rddreg [dreg:$0x7];
	[sflag:s14] =	ssyncadd.s32 $0xFFFFEC00  }
0x34: {  	[tilespmem:s23], [sflag:$0x5] =	stream.linear.gather [hbm4b:s22+s4], $0x1400, $0x38;
	[tilespmem:$0xC430] =	vst v63  }
0x35: {  	_ =	swait.ge [sflag:s14], $0x1400  }
0x36: {  	[sflag:s14] =	ssyncset.done $0x0  }
0x37: {  	s3 =	simm.s32 $0x0;
	s7 =	simm.s32 $0x40;
	[sflag:s14] =	ssyncadd.s32 $0xFFFFEC00  }
.LBB2_2:
0x38: {  	p2 =	sne.s32 s7, $0x9C00;
	v1 =	vld [tilespmem:s3+$0x0];
	_ =	sdelay $0x2  }
.Ltmp2:
0x39: {  	(pc) =	sbr.rel @p2 .LBB2_2-.Ltmp2, $4  }
0x3a: {  	_ = 	snop  }
0x3b: {  	vm11 =	vgt.s32 v1, $0x2  }
0x3c: {  	v1 =	vsel vm11, $0x1, v0  }
0x3d: {  	[tilespmem:s3+$0x0] =	vst v1;
	s3 =	sshra.s32 s7, $0x2;
	s7 =	sadd.s32 $0x40, s7  }
0x3e: {  	v1 =	vld [tilespmem:s3+$0x0];
	_ =	sdelay $0x4  }
0x3f: {  	vm11 =	vgt.s32 v1, $0x2  }
0x40: {  	v1 =	vsel vm11, $0x1, v0  }
0x41: {  	[tilespmem:s3+$0x0] =	vst v1;
	s3 =	simm.s32 $0x0  }
0x42: {  	v1 =	vld [tilespmem:s3+$0x3B10]  }
0x43: {  	v3 =	vld [tilespmem:s3+$0x2710];
	_ =	sdelay $0x5  }
0x44: {  	s8 =	simm.s32 $0x0  }
0x45: {  	v2 =	vld.idx.msk [tilespmem:v1+s8+$0x0], $0xffff  }
0x46: {  	v3 =	vld.idx.msk [tilespmem:v3+s8+$0x0], $0xffff  }
0x47: {  	s11 =	simm.s32 $0x10  }
0x48: {  	v4 =	vld [tilespmem:s11+$0x3B10]  }
0x49: {  	v5 =	vld [tilespmem:s11+$0x2710]  }
0x4a: {  	v6 =	vsub.s32 $0x1, v2  }
0x4b: {  	s7 =	simm.s32 $0x40;
	v6 =	vmul.u32 v6, v3  }
0x4c: {  	s9 =	simm.s32 $0x80;
	s15 =	simm.s32 $0xC0;
	s16 =	simm.s32 $0x0;
	v1 =	vimm.s32 $0x0  }
.LBB2_4:
0x4d: {  	p2 =	sne.s32 s15, $0x4FC0;
	v2 =	vadd.s32 v3, v2;
	v3 =	vshll.u32 v6, $0x1  }
0x4e: {  	v3 =	vadd.s32 v3, v2  }
0x4f: {  	[tilespmem:s16+$0x4F10] =	vst v3;
	vm11 =	veq.s32 v3, $0x0;
	vm12 =	veq.s32 v3, $0x1;
	vm13 =	veq.s32 v3, $0x2;
	s16 =	smov.u32 s11  }
0x50: {  	v2 =	vld.idx.msk [tilespmem:v4+s8+$0x0], $0xffff;
	v4 =	vmpcnt.ones.xlane vm11;
	v6 =	vmpcnt.ones.xlane vm12;
	vm11 =	veq.s32 v3, $0x3  }
0x51: {  	v3 =	vld.idx.msk [tilespmem:v5+s8+$0x0], $0xffff;
	v5 =	vmpcnt.ones.xlane vm13;
	v7 =	vmpcnt.ones.xlane vm11  }
0x52: {  	v4 =	vnsel vm0, $0x0, v4;
	v6 =	vsel vm1, $0x0, v6  }
0x53: {  	s11 =	sshra.s32 s9, $0x2;
	s9 =	smov.u32 s15;
	v1 =	vadd.s32 v1, v4;
	v8 =	vsel vm2, $0x0, v5;
	v7 =	vsel vm3, $0x0, v7  }
.Ltmp3:
0x54: {  	v4 =	vld [tilespmem:s11+$0x3B10];
	v1 =	vadd.s32 v6, v1;
	(pc) =	sbr.rel @p2 .LBB2_4-.Ltmp3, $4  }
0x55: {  	v5 =	vld [tilespmem:s11+$0x2710];
	v1 =	vadd.s32 v8, v1  }
0x56: {  	v6 =	vsub.s32 $0x1, v2;
	v1 =	vadd.s32 v7, v1  }
0x57: {  	v6 =	vmul.u32 v6, v3  }
0x58: {  	s15 =	sadd.s32 $0x40, s15  }
0x59: {  	_ = 	snop  }
0x5a: {  	v2 =	vadd.s32 v3, v2;
	v3 =	vshll.u32 v6, $0x1  }
0x5b: {  	v2 =	vadd.s32 v3, v2  }
0x5c: {  	[tilespmem:s16+$0x4F10] =	vst v2  }
0x5d: {  	v3 =	vld.idx.msk [tilespmem:v4+s8+$0x0], $0xffff  }
0x5e: {  	v46 =	vld.idx.msk [tilespmem:v5+s8+$0x0], $0xffff  }
0x5f: {  	s9 =	sshra.s32 s9, $0x2  }
0x60: {  	v47 =	vld [tilespmem:s9+$0x3B10]  }
0x61: {  	v48 =	vld [tilespmem:s9+$0x2710]  }
0x62: {  	v7 =	vsub.s32 $0x1, v3  }
0x63: {  	v7 =	vmul.u32 v7, v46;
	_ =	sdelay $0x1  }
0x64: {  	v3 =	vadd.s32 v46, v3;
	v49 =	vshll.u32 v7, $0x1  }
0x65: {  	vm11 =	veq.s32 v2, $0x0;
	v3 =	vadd.s32 v49, v3  }
0x66: {  	vm12 =	veq.s32 v2, $0x1;
	v50 =	vmpcnt.ones.xlane vm11;
	vm11 =	veq.s32 v2, $0x2;
	[tilespmem:s11+$0x4F10] =	vst v3  }
0x67: {  	v51 =	vmpcnt.ones.xlane vm12;
	vm12 =	veq.s32 v2, $0x3;
	v2 =	vmpcnt.ones.xlane vm11;
	v5 =	vld.idx.msk [tilespmem:v47+s8+$0x0], $0xffff  }
0x68: {  	v52 =	vmpcnt.ones.xlane vm12;
	v7 =	vnsel vm0, $0x0, v50;
	v6 =	vld.idx.msk [tilespmem:v48+s8+$0x0], $0xffff  }
0x69: {  	v4 =	vsel vm1, $0x0, v51;
	v2 =	vsel vm2, $0x0, v2;
	v1 =	vadd.s32 v1, v7  }
0x6a: {  	v53 =	vsel vm3, $0x0, v52;
	v1 =	vadd.s32 v4, v1;
	vm11 =	veq.s32 v3, $0x0  }
0x6b: {  	vm12 =	veq.s32 v3, $0x1;
	vm13 =	veq.s32 v3, $0x2;
	v1 =	vadd.s32 v2, v1  }
0x6c: {  	v2 =	vmpcnt.ones.xlane vm11;
	v55 =	vmpcnt.ones.xlane vm12;
	v54 =	vsub.s32 $0x1, v5  }
0x6d: {  	vm11 =	veq.s32 v3, $0x3;
	v57 =	vmpcnt.ones.xlane vm13;
	v3 =	vmul.u32 v54, v6  }
0x6e: {  	v1 =	vadd.s32 v53, v1;
	v58 =	vmpcnt.ones.xlane vm11;
	v2 =	vnsel vm0, $0x0, v2  }
0x6f: {  	v7 =	vsel vm1, $0x0, v55;
	v56 =	vadd.s32 v6, v5;
	v3 =	vshll.u32 v3, $0x1  }
0x70: {  	v1 =	vadd.s32 v1, v2;
	v2 =	vsel vm2, $0x0, v57;
	v3 =	vadd.s32 v3, v56  }
0x71: {  	v59 =	vsel vm3, $0x0, v58;
	v1 =	vadd.s32 v7, v1;
	vm11 =	veq.s32 v3, $0x0  }
0x72: {  	v1 =	vadd.s32 v2, v1;
	vm12 =	veq.s32 v3, $0x1;
	v2 =	vmpcnt.ones.xlane vm11  }
0x73: {  	v1 =	vadd.s32 v59, v1;
	vm11 =	veq.s32 v3, $0x2;
	v60 =	vmpcnt.ones.xlane vm12  }
0x74: {  	vm12 =	veq.s32 v3, $0x3;
	v61 =	vmpcnt.ones.xlane vm11;
	v2 =	vnsel vm0, $0x0, v2  }
0x75: {  	v62 =	vmpcnt.ones.xlane vm12;
	v4 =	vsel vm1, $0x0, v60;
	v1 =	vadd.s32 v1, v2  }
0x76: {  	v2 =	vsel vm2, $0x0, v61;
	v1 =	vadd.s32 v4, v1  }
0x77: {  	v63 =	vsel vm3, $0x0, v62;
	v1 =	vadd.s32 v2, v1  }
0x78: {  	[tilespmem:s9+$0x4F10] =	vst v3;
	v1 =	vadd.s32 v63, v1  }
.LBB2_6:
0x79: {  	p2 =	sne.s32 s7, $0x57C0;
	[tilespmem:s3+$0x6310] =	vst v0;
	s8 =	smov.u32 s7;
	s7 =	sadd.s32 $0x40, s7  }
.Ltmp4:
0x7a: {  	[tilespmem:s3+$0x7910] =	vst v0;
	(pc) =	sbr.rel @p2 .LBB2_6-.Ltmp4, $2  }
0x7b: {  	_ =	sdelay $0x2  }
0x7c: {  	s3 =	sshra.s32 s8, $0x2  }
0x7d: {  	v1 =	vadd.s32 $0x7F, v1  }
0x7e: {  	v2 =	vshra.s32 v1, $0x1F;
	v3 =	vand.u32 $0x7F, v1  }
0x7f: {  	vm11 =	vlt.s32 v1, $0x1;
	v2 =	vshrl.u32 v2, $0x19;
	vm12 =	vne.s32 v3, $0x0  }
0x80: {  	v1 =	vadd.s32 v2, v1;
	vm11 =	vmand vm11, vm12  }
0x81: {  	v1 =	vshrl.u32 v1, $0x7;
	v2 =	vsel vm11, $0xFFFFFFFF, v0  }
0x82: {  	v1 =	vadd.s32 v2, v1  }
0x83: {  	[tilespmem:s3+$0x6310] =	vst v0;
	v1 =	vshll.u32 v1, $0x7  }
0x84: {  	[tilespmem:s3+$0x7910] =	vst v0;
	v1 =	vnsel vm4, $0x0, v1  }
0x85: {  	s15 =	rddreg [dreg:$0x8];
	s7 =	simm.s32 $0xA410;
	[tilespmem:$0xA410] =	vst v1  }
0x86: {  	[spmem:s15] =	stream.linear.scatter [tilespmem:s7], [sflag:$0x5], $0x10, $0x38;
	[tilespmem:$0xC430] =	vst v63  }
0x87: {  	_ =	swait.ge [sflag:s14], $0x10  }
0x88: {  	[sflag:s14] =	ssyncset.done $0x0  }
0x89: {  	[sflag:s14] =	ssyncadd.s32 $0xFFFFFFF0  }
0x8a: {  	[bflag:$0x0] =	sbarrier.arrive $0xFFFF  }
0x8b: {  	s17 =	simm.s32 $0xA310;
	s16 =	rddreg [dreg:$0x4]  }
0x8c: {  	[tilespmem:s17], [sflag:$0x5] =	stream.linear.gather [spmem:s16], $0x100, $0x38;
	[tilespmem:$0xC430] =	vst v63  }
0x8d: {  	_ =	swait.ge [sflag:s14], $0x100  }
0x8e: {  	[sflag:s14] =	ssyncset.done $0x0  }
0x8f: {  	[sflag:s14] =	ssyncadd.s32 $0xFFFFFF00  }
0x90: {  	v2 =	vld [tilespmem:$0xA310]  }
0x91: {  	v3 =	vld [tilespmem:$0xA320]  }
0x92: {  	v4 =	vld [tilespmem:$0xA330]  }
0x93: {  	v5 =	vld [tilespmem:$0xA340]  }
0x94: {  	v6 =	vld [tilespmem:$0xA350]  }
0x95: {  	v7 =	vld [tilespmem:$0xA360]  }
0x96: {  	v9 =	vld [tilespmem:$0xA370];
	v8 =	vadd.s32 v2, v3  }
0x97: {  	v10 =	vld [tilespmem:$0xA380];
	v8 =	vadd.s32 v4, v8  }
0x98: {  	v11 =	vld [tilespmem:$0xA390];
	v8 =	vadd.s32 v5, v8  }
0x99: {  	v12 =	vld [tilespmem:$0xA3A0];
	v8 =	vadd.s32 v6, v8  }
0x9a: {  	v13 =	vld [tilespmem:$0xA3B0];
	v8 =	vadd.s32 v7, v8  }
0x9b: {  	v14 =	vld [tilespmem:$0xA3C0];
	v8 =	vadd.s32 v9, v8  }
0x9c: {  	v15 =	vld [tilespmem:$0xA3D0];
	v8 =	vadd.s32 v10, v8  }
0x9d: {  	v16 =	vld [tilespmem:$0xA3E0];
	v8 =	vadd.s32 v11, v8  }
0x9e: {  	v17 =	vld [tilespmem:$0xA3F0];
	v8 =	vadd.s32 v12, v8  }
0x9f: {  	v18 =	vld [tilespmem:$0xA400];
	v8 =	vadd.s32 v13, v8  }
0xa0: {  	v8 =	vadd.s32 v14, v8  }
0xa1: {  	v8 =	vadd.s32 v15, v8  }
0xa2: {  	v8 =	vadd.s32 v16, v8  }
0xa3: {  	v8 =	vadd.s32 v17, v8  }
0xa4: {  	v8 =	vadd.s32 v18, v8  }
0xa5: {  	v18 =	vnsel vm0, $0x0, v8  }
0xa6: {  	s18 =	sld [smem:$0x7FD];
	(xrf0) =	vadd.scan.msk.s32 $0xffff, v18  }
0xa7: {  	s22 =	sld [smem:$0x7FC]  }
0xa8: {  	s23 =	sld [smem:$0x7FB]  }
0xa9: {  	s7 =	sld [smem:$0x7FA];
	p0 =	seq.s32 s18, $0x1  }
0xaa: {  	s8 =	sld [smem:$0x7F9];
	p5 =	seq.s32 s22, $0x1;
	v2 =	vpsel p1, $0x0, v2;
	v3 =	vpsel !p0, $0x0, v3  }
0xab: {  	s9 =	sld [smem:$0x7F8];
	p6 =	seq.s32 s23, $0x1;
	v2 =	vadd.s32 v2, v3;
	v3 =	vpsel !p5, $0x0, v4  }
0xac: {  	s10 =	sld [smem:$0x7F7];
	p2 =	seq.s32 s7, $0x1;
	v2 =	vadd.s32 v3, v2;
	v3 =	vpsel !p6, $0x0, v5;
	v19 =	vsel vm1, $0x0, v8;
	v18, _, _ =	vpop (xrf0)  }
0xad: {  	s11 =	sld [smem:$0x7F6];
	p3 =	seq.s32 s8, $0x1;
	v2 =	vadd.s32 v3, v2;
	v3 =	vpsel !p2, $0x0, v6;
	(xrf0) =	vadd.scan.msk.s32 $0xffff, v19;
	(v2sf) =	vpush v18, $0xF  }
0xae: {  	s12 =	sld [smem:$0x7F5];
	p5 =	seq.s32 s9, $0x1;
	v2 =	vadd.s32 v3, v2;
	v3 =	vpsel !p3, $0x0, v7  }
0xaf: {  	s13 =	sld [smem:$0x7F4];
	p6 =	seq.s32 s10, $0x1;
	v2 =	vadd.s32 v3, v2;
	v3 =	vpsel !p5, $0x0, v9  }
0xb0: {  	s15 =	sld [smem:$0x7F3];
	p2 =	seq.s32 s11, $0x1;
	v2 =	vadd.s32 v3, v2;
	v3 =	vpsel !p6, $0x0, v10  }
0xb1: {  	s16 =	sld [smem:$0x7F2];
	p3 =	seq.s32 s12, $0x1;
	v2 =	vadd.s32 v3, v2;
	v3 =	vpsel !p2, $0x0, v11  }
0xb2: {  	s17 =	sld [smem:$0x7F1];
	p5 =	seq.s32 s13, $0x1;
	v2 =	vadd.s32 v3, v2;
	v3 =	vpsel !p3, $0x0, v12;
	v5 =	vsel vm2, $0x0, v8  }
0xb3: {  	p6 =	seq.s32 s15, $0x1;
	v2 =	vadd.s32 v3, v2;
	v3 =	vpsel !p5, $0x0, v13;
	(xrf0) =	vadd.scan.msk.s32 $0xffff, v5;
	v4, _, _ =	vpop (xrf0)  }
0xb4: {  	p2 =	seq.s32 s16, $0x1;
	v2 =	vadd.s32 v3, v2;
	v3 =	vpsel !p6, $0x0, v14;
	(v2sf) =	vpush v4, $0xF  }
0xb5: {  	p3 =	seq.s32 s17, $0x1;
	v2 =	vadd.s32 v3, v2;
	v3 =	vpsel !p2, $0x0, v15  }
0xb6: {  	s18 =	sld [smem:$0x7F0];
	v2 =	vadd.s32 v3, v2;
	v3 =	vpsel !p3, $0x0, v16;
	_ =	sdelay $0x2  }
0xb7: {  	p5 =	seq.s32 s18, $0x1;
	v2 =	vadd.s32 v3, v2;
	v3, _, _ =	vpop (xrf0);
	v4 =	vnsel vm5, $0x0, v1  }
0xb8: {  	v5 =	vpsel !p5, $0x0, v17;
	(v2sf) =	vpush v3, $0xF;
	(xrf0) =	vadd.scan.msk.s32 $0xffff, v4;
	v3 =	vsel vm6, $0x0, v1  }
0xb9: {  	v2 =	vadd.s32 v5, v2;
	v1 =	vsel vm7, $0x0, v1;
	(xrf0) =	vadd.scan.msk.s32 $0xffff, v3  }
0xba: {  	(xrf0) =	vadd.scan.msk.s32 $0xffff, v1;
	v1 =	vnsel vm0, $0x0, v2;
	s22 =	spop (v2sf)  }
0xbb: {  	(xrf0) =	vadd.scan.msk.s32 $0xffff, v1;
	v1 =	vsel vm1, $0x0, v2;
	s3 =	sadd.s32 $0xFFF, s22  }
0xbc: {  	(xrf0) =	vadd.scan.msk.s32 $0xffff, v1;
	v1 =	vsel vm2, $0x0, v2;
	s23 =	sand.u32 $0xFFF, s3  }
0xbd: {  	s8 =	sshra.s32 s3, $0x1F;
	p2 =	slt.s32 s3, $0x1;
	p3 =	sne.s32 s23, $0x0  }
0xbe: {  	v2 =	vsel vm3, $0x0, v2;
	(xrf0) =	vadd.scan.msk.s32 $0xffff, v1;
	s8 =	sshrl.u32 s8, $0x14;
	p2 =	por !p2, !p3  }
0xbf: {  	s7 =	simm.s32 $0x1;
	v1, _, _ =	vpop (xrf0);
	s3 =	sadd.s32 s8, s3;
	p2 =	por !p2, !p2  }
0xc0: {  	v3, _, _ =	vpop (xrf0);
	(xrf0) =	vadd.scan.msk.s32 $0xffff, v2;
	(v2sf) =	vpush v1, $0xF;
	s3 =	sshrl.u32 s3, $0xC;
	s7 =	simm.s32 @!p2 $0x0  }
0xc1: {  	v2, _, _ =	vpop (xrf0);
	s9 =	spop (v2sf);
	(v2sf) =	vpush v3, $0xF;
	s3 =	ssub.s32 s3, s7  }
0xc2: {  	v3, _, _ =	vpop (xrf0);
	s10 =	sadd.s32 $0xFFF, s9;
	(v2sf) =	vpush v2, $0xF;
	s8 =	sshll.u32 s3, $0xC  }
0xc3: {  	v2, _, _ =	vpop (xrf0);
	(v2sf) =	vpush v3, $0xF;
	s3 =	sand.u32 $0xFFF, s10;
	s7 =	sadd.s32 s8, s10  }
0xc4: {  	(v2sf) =	vpush v2, $0xF;
	v2, _, _ =	vpop (xrf0);
	p0 =	sne.s32 s3, $0x0;
	s9 =	sshra.s32 s7, $0x1F;
	p6 =	slt.s32 s7, $0x1  }
0xc5: {  	(v2sf) =	vpush v2, $0xF;
	s11 =	sshrl.u32 s9, $0x14;
	p2 =	por !p6, !p0  }
0xc6: {  	v2, _, _ =	vpop (xrf0);
	s3 =	sadd.s32 s11, s7;
	p2 =	por !p2, !p2;
	s7 =	simm.s32 $0x1  }
0xc7: {  	(v2sf) =	vpush v2, $0xF;
	s3 =	sshrl.u32 s3, $0xC;
	s7 =	simm.s32 @!p2 $0x0  }
0xc8: {  	s11 =	spop (v2sf);
	s3 =	ssub.s32 s3, s7  }
0xc9: {  	s12 =	sadd.s32 $0xFFF, s11;
	s9 =	sshll.u32 s3, $0xC  }
0xca: {  	s3 =	sand.u32 $0xFFF, s12;
	s13 =	sadd.s32 s9, s12  }
0xcb: {  	p6 =	sne.s32 s3, $0x0;
	s15 =	sshra.s32 s13, $0x1F;
	p5 =	slt.s32 s13, $0x1  }
0xcc: {  	p2 =	por !p5, !p6;
	s16 =	sshrl.u32 s15, $0x14  }
0xcd: {  	s7 =	simm.s32 $0x1;
	s3 =	sadd.s32 s16, s13;
	p2 =	por !p2, !p2  }
0xce: {  	s7 =	simm.s32 @!p2 $0x0;
	s17 =	sshrl.u32 s3, $0xC  }
0xcf: {  	s3 =	spop (v2sf);
	s7 =	ssub.s32 s17, s7  }
0xd0: {  	v2 =	vmov @!p4 s8;
	v3 =	vmov @!p4 s9;
	s23 =	spop (v2sf);
	s11 =	sshll.u32 s7, $0xC  }
0xd1: {  	v2 =	vnsel @!p4 vm8, $0x0, v2;
	v3 =	vnsel @!p4 vm9, $0x0, v3;
	s22 =	spop (v2sf);
	v4 =	vmov @!p4 s11  }
0xd2: {  	v2 =	vadd.s32 @!p4 v2, v3;
	s16 =	spop (v2sf);
	v3 =	vnsel @!p4 vm10, $0x0, v4  }
0xd3: {  	s10 =	rddreg [dreg:$0xa];
	s17 =	spop (v2sf);
	v2 =	vadd.s32 @!p4 v3, v2  }
0xd4: {  	s15 =	simm.s32 @!p4 $0xA410;
	s7 =	simm.s32 @!p4 $0x0;
	s18 =	spop (v2sf);
	[tilespmem:$0xA410] =	vst @!p4 v2  }
0xd5: {  	[hbm4b:s10+s7] =	stream.linear.scatter @!p4 [tilespmem:s15], [sflag:$0x5], $0x10, $0x38;
	[tilespmem:$0xC430] =	vst v63  }
0xd6: {  	s12 =	spop (v2sf);
	s7 =	simm.s32 @!p4 $0x5  }
0xd7: {  	_ =	swait.ge @!p4 [sflag:s7], $0x10  }
0xd8: {  	[sflag:s7] =	ssyncset.done @!p4 $0x0  }
0xd9: {  	[sflag:s7] =	ssyncadd.s32 @!p4 $0xFFFFFFF0;
	s7 =	simm.s32 $0x0  }
0xda: {  	v2 =	vld [tilespmem:s7+$0x4F10];
	_ =	sdelay $0x4  }
0xdb: {  	vm14 =	veq.s32 v2, $0x0  }
0xdc: {  	v3 =	vsel vm14, $0x1, v0  }
0xdd: {  	(xrf0) =	vadd.scan.msk.s32 $0xffff, v3;
	_ =	sdelay $0x1  }
0xde: {  	vm12 =	veq.s32 v2, $0x1  }
0xdf: {  	v3 =	vsel vm12, $0x1, v0  }
0xe0: {  	vm13 =	veq.s32 v2, $0x2;
	(xrf0) =	vadd.scan.msk.s32 $0xffff, v3  }
0xe1: {  	v3 =	vsel vm13, $0x1, v0  }
0xe2: {  	(xrf0) =	vadd.scan.msk.s32 $0xffff, v3;
	v3 =	vimm.s32 $0x0;
	v4, _, _ =	vpop (xrf0)  }
0xe3: {  	v6 =	vbroadcast v1, $0xF;
	v1 =	vadd.s32 v4, v3;
	_ =	sdelay $0x2  }
0xe4: {  	vm11 =	veq.s32 v2, $0x3;
	v4 =	vadd.s32 $0xFFFFFFFF, v1;
	v1, _, _ =	vpop (xrf0)  }
0xe5: {  	v2 =	vsel vm11, $0x1, v0;
	v1 =	vadd.s32 v1, v6  }
0xe6: {  	(xrf0) =	vadd.scan.msk.s32 $0xffff, v2  }
0xe7: {  	s15 =	sadd.s32 s23, s3  }
0xe8: {  	v10 =	vmov s15;
	v8 =	vld [tilespmem:s7+$0x2710];
	v12 =	vadd.s32 $0xFFFFFFFF, v1;
	v1, _, _ =	vpop (xrf0)  }
0xe9: {  	v9 =	vld [tilespmem:s7+$0x3B10];
	v2 =	vadd.s32 v1, v10;
	_ =	sdelay $0x1  }
0xea: {  	s13 =	sadd.s32 s22, s15  }
0xeb: {  	s10 =	rddreg [dreg:$0x9];
	v11 =	vmov s13;
	v7 =	vmpcnt.ones.xlane vm12;
	v13 =	vadd.s32 $0xFFFFFFFF, v2;
	v2, _, _ =	vpop (xrf0)  }
0xec: {  	s17 =	sadd.s32 s10, s17;
	s18 =	sadd.s32 s10, s18;
	[tilespmem:v4+s20+$0x0] =	vst.idx.msk vm14, v8;
	v14 =	vadd.s32 v2, v11  }
0xed: {  	s16 =	sadd.s32 s10, s16;
	s17 =	sadd.s32 s8, s17;
	s18 =	sadd.s32 s9, s18;
	v5 =	vmpcnt.ones.xlane vm14;
	v7 =	vadd.s32 v6, v7;
	[tilespmem:v4+s21+$0x0] =	vst.idx.msk vm14, v9;
	v14 =	vadd.s32 $0xFFFFFFFF, v14  }
0xee: {  	s12 =	sadd.s32 s10, s12;
	s9 =	ssub.s32 s18, s15;
	v1 =	vmov s16;
	[tilespmem:v12+s20+$0x0] =	vst.idx.msk vm12, v8;
	v2 =	vsub.s32 s17, v6;
	v6 =	vmpcnt.ones.xlane vm11  }
0xef: {  	s8 =	sadd.s32 s11, s12;
	v5 =	vadd.s32 v3, v5;
	v3 =	vmov s9;
	v4 =	vadd.s32 v1, v4;
	[tilespmem:v12+s21+$0x0] =	vst.idx.msk vm12, v9  }
0xf0: {  	s8 =	ssub.s32 s8, s13;
	v12 =	vadd.s32 v12, v2;
	v11 =	vadd.s32 v11, v6;
	v6 =	vnsel vm14, $0x0, v4;
	[tilespmem:v13+s20+$0x0] =	vst.idx.msk vm13, v8  }
0xf1: {  	v4 =	vmov s8;
	v6 =	vsel vm12, v12, v6;
	v12 =	vadd.s32 v13, v3;
	[tilespmem:v13+s21+$0x0] =	vst.idx.msk vm13, v9  }
0xf2: {  	v15 =	vmpcnt.ones.xlane vm13;
	v6 =	vsel vm13, v12, v6;
	[tilespmem:v14+s20+$0x0] =	vst.idx.msk vm11, v8;
	v8 =	vadd.s32 v14, v4;
	_ =	sdelay $0x1  }
0xf3: {  	v10 =	vadd.s32 v10, v15;
	v12 =	vmov v5  }
0xf4: {  	s11 =	simm.s32 $0x10;
	s8 =	simm.s32 $0x80;
	[tilespmem:v14+s21+$0x0] =	vst.idx.msk vm11, v9;
	v13 =	vsel vm11, v8, v6;
	v9 =	vmovc v7;
	v6 =	vmov v11;
	v8 =	vmov v10  }
.LBB2_8:
0xf5: {  	p2 =	sne.s32 s8, $0x4FC0;
	v14 =	vld [tilespmem:s11+$0x4F10];
	[tilespmem:s7+$0x8F10] =	vst v13;
	s9 =	smov.u32 s8;
	s8 =	sadd.s32 $0x40, s8  }
0xf6: {  	s7 =	smov.u32 s11;
	_ =	sdelay $0x3  }
0xf7: {  	vm12 =	veq.s32 v14, $0x0  }
0xf8: {  	v13 =	vsel vm12, $0x1, v0;
	v15 =	vmpcnt.ones.xlane vm12  }
0xf9: {  	vm11 =	veq.s32 v14, $0x1;
	(xrf0) =	vadd.scan.msk.s32 $0xffff, v13  }
0xfa: {  	v13 =	vsel vm11, $0x1, v0;
	v5 =	vadd.s32 v5, v15;
	v15 =	vmpcnt.ones.xlane vm11  }
0xfb: {  	vm13 =	veq.s32 v14, $0x2;
	(xrf0) =	vadd.scan.msk.s32 $0xffff, v13  }
0xfc: {  	v16 =	vmpcnt.ones.xlane vm13;
	v13 =	vsel vm13, $0x1, v0;
	v7 =	vadd.s32 v7, v15  }
0xfd: {  	vm14 =	veq.s32 v14, $0x3;
	(xrf0) =	vadd.scan.msk.s32 $0xffff, v13  }
0xfe: {  	v14 =	vmpcnt.ones.xlane vm14;
	v10 =	vadd.s32 v10, v16;
	v13 =	vsel vm14, $0x1, v0  }
0xff: {  	v15, _, _ =	vpop (xrf0);
	(xrf0) =	vadd.scan.msk.s32 $0xffff, v13  }
0x100: {  	v11 =	vadd.s32 v11, v14;
	v13 =	vadd.s32 v15, v12;
	v12 =	vmov v5  }
0x101: {  	v14 =	vld [tilespmem:s7+$0x2710];
	v13 =	vadd.s32 $0xFFFFFFFF, v13;
	v15, _, _ =	vpop (xrf0)  }
0x102: {  	v16 =	vld [tilespmem:s7+$0x3B10];
	v17 =	vadd.s32 v1, v13;
	v15 =	vadd.s32 v15, v9;
	v9 =	vmov v7  }
0x103: {  	v17 =	vnsel vm12, $0x0, v17;
	v15 =	vadd.s32 $0xFFFFFFFF, v15;
	v18, _, _ =	vpop (xrf0)  }
0x104: {  	v20 =	vadd.s32 v15, v2;
	v18 =	vadd.s32 v18, v8;
	v8 =	vmov v10  }
0x105: {  	v17 =	vsel vm11, v20, v17;
	v18 =	vadd.s32 $0xFFFFFFFF, v18;
	v19, _, _ =	vpop (xrf0)  }
0x106: {  	[tilespmem:v13+s20+$0x0] =	vst.idx.msk vm12, v14;
	v20 =	vadd.s32 v18, v3;
	v19 =	vadd.s32 v19, v6;
	v6 =	vmov v11  }
0x107: {  	[tilespmem:v13+s21+$0x0] =	vst.idx.msk vm12, v16;
	v13 =	vsel vm13, v20, v17;
	v17 =	vadd.s32 $0xFFFFFFFF, v19  }
0x108: {  	[tilespmem:v15+s20+$0x0] =	vst.idx.msk vm11, v14  }
.Ltmp5:
0x109: {  	[tilespmem:v15+s21+$0x0] =	vst.idx.msk vm11, v16;
	(pc) =	sbr.rel @p2 .LBB2_8-.Ltmp5, $4  }
0x10a: {  	[tilespmem:v18+s20+$0x0] =	vst.idx.msk vm13, v14  }
0x10b: {  	[tilespmem:v18+s21+$0x0] =	vst.idx.msk vm13, v16  }
0x10c: {  	[tilespmem:v17+s20+$0x0] =	vst.idx.msk vm14, v14;
	v14 =	vadd.s32 v17, v4  }
0x10d: {  	s11 =	sshra.s32 s9, $0x2;
	[tilespmem:v17+s21+$0x0] =	vst.idx.msk vm14, v16;
	v13 =	vsel vm14, v14, v13  }
0x10e: {  	v5 =	vld [tilespmem:s11+$0x4F10];
	_ =	sdelay $0x4  }
0x10f: {  	vm14 =	veq.s32 v5, $0x0  }
0x110: {  	v7 =	vsel vm14, $0x1, v0  }
0x111: {  	vm12 =	veq.s32 v5, $0x1;
	(xrf0) =	vadd.scan.msk.s32 $0xffff, v7  }
0x112: {  	v57 =	vsel vm12, $0x1, v0  }
0x113: {  	vm13 =	veq.s32 v5, $0x2;
	(xrf0) =	vadd.scan.msk.s32 $0xffff, v57  }
0x114: {  	v58 =	vsel vm13, $0x1, v0  }
0x115: {  	vm11 =	veq.s32 v5, $0x3;
	(xrf0) =	vadd.scan.msk.s32 $0xffff, v58  }
0x116: {  	v5 =	vsel vm11, $0x1, v0  }
0x117: {  	v59, _, _ =	vpop (xrf0);
	(xrf0) =	vadd.scan.msk.s32 $0xffff, v5  }
0x118: {  	[tilespmem:s7+$0x8F10] =	vst v13;
	v60 =	vadd.s32 v59, v12  }
0x119: {  	v61 =	vld [tilespmem:s11+$0x2710];
	v10, _, _ =	vpop (xrf0);
	v5 =	vadd.s32 $0xFFFFFFFF, v60  }
0x11a: {  	v11 =	vld [tilespmem:s11+$0x3B10];
	v9 =	vadd.s32 v10, v9  }
0x11b: {  	v62, _, _ =	vpop (xrf0);
	v9 =	vadd.s32 $0xFFFFFFFF, v9  }
0x11c: {  	v8 =	vadd.s32 v62, v8  }
0x11d: {  	v8 =	vadd.s32 $0xFFFFFFFF, v8;
	v63, _, _ =	vpop (xrf0)  }
0x11e: {  	[tilespmem:v5+s20+$0x0] =	vst.idx.msk vm14, v61;
	v6 =	vadd.s32 v63, v6  }
0x11f: {  	[tilespmem:v5+s21+$0x0] =	vst.idx.msk vm14, v11;
	v6 =	vadd.s32 $0xFFFFFFFF, v6  }
0x120: {  	[tilespmem:v9+s20+$0x0] =	vst.idx.msk vm12, v61  }
0x121: {  	s13 =	rddreg [dreg:$0xb];
	v1 =	vadd.s32 v1, v5;
	[tilespmem:v9+s21+$0x0] =	vst.idx.msk vm12, v11  }
0x122: {  	s8 =	simm.s32 $0x8F10;
	s9 =	sshra.s32 s3, $0x1F;
	s10 =	sand.u32 $0x7F, s3;
	v1 =	vnsel vm14, $0x0, v1;
	v2 =	vadd.s32 v9, v2;
	[tilespmem:v8+s20+$0x0] =	vst.idx.msk vm13, v61  }
0x123: {  	p2 =	slt.s32 s3, $0x1;
	p6 =	slt.s32 s23, $0x1;
	s12 =	sand.u32 $0x7F, s22;
	v1 =	vsel vm12, v2, v1;
	v2 =	vadd.s32 v8, v3;
	[tilespmem:v8+s21+$0x0] =	vst.idx.msk vm13, v11  }
0x124: {  	s7 =	sshrl.u32 s9, $0x19;
	p3 =	sne.s32 s10, $0x0;
	s9 =	sand.u32 $0x7F, s23;
	v1 =	vsel vm13, v2, v1;
	v2 =	vadd.s32 v6, v4;
	[tilespmem:v6+s20+$0x0] =	vst.idx.msk vm11, v61  }
0x125: {  	p5 =	sne.s32 s12, $0x0;
	s12 =	simm.s32 $0x1;
	s7 =	sadd.s32 s7, s3;
	v1 =	vsel vm11, v2, v1;
	[tilespmem:v6+s21+$0x0] =	vst.idx.msk vm11, v11  }
0x126: {  	p2 =	por !p2, !p3;
	p0 =	sne.s32 s9, $0x0;
	s9 =	simm.s32 $0x1;
	[tilespmem:s11+$0x8F10] =	vst v1  }
0x127: {  	[hbm4b:s13+s4] =	stream.linear.scatter [tilespmem:s8], [sflag:$0x5], $0x1400, $0x38;
	[tilespmem:$0xC430] =	vst v63  }
0x128: {  	s7 =	sshra.s32 s7, $0x7;
	p2 =	por !p2, !p2;
	s8 =	simm.s32 $0x1  }
0x129: {  	s11 =	sshra.s32 s23, $0x1F;
	s13 =	sshra.s32 s22, $0x1F;
	s8 =	simm.s32 @!p2 $0x0  }
0x12a: {  	p2 =	por !p6, !p0;
	p6 =	slt.s32 s22, $0x1;
	s7 =	ssub.s32 s7, s8  }
0x12b: {  	s8 =	sshrl.u32 s11, $0x19;
	p2 =	por !p2, !p2;
	s11 =	sshrl.u32 s13, $0x19  }
0x12c: {  	s8 =	sadd.s32 s8, s23;
	s9 =	simm.s32 @!p2 $0x0;
	p2 =	por !p6, !p5  }
0x12d: {  	s11 =	sadd.s32 s11, s22;
	s8 =	sshra.s32 s8, $0x7;
	p2 =	por !p2, !p2  }
0x12e: {  	s23 =	sshra.s32 s11, $0x7;
	s8 =	ssub.s32 s8, s9;
	s12 =	simm.s32 @!p2 $0x0  }
0x12f: {  	s9 =	ssub.s32 s23, s12;
	s22 =	sadd.s32 s7, s8  }
0x130: {  	s23 =	sadd.s32 s22, s9  }
0x131: {  	p2 =	slt.s32 s23, $0x1  }
.Ltmp6:
0x132: {  	_ = 	snop;
	(pc) =	sbr.rel @p2 .LBB2_15-.Ltmp6, $4  }
0x133: {  	_ = 	snop  }
0x134: {  	_ =	swait.ge [sflag:s14], $0x1400  }
0x135: {  	[sflag:s14] =	ssyncset.done $0x0  }
0x136: {  	[sflag:s14] =	ssyncadd.s32 $0xFFFFEC00  }
0x137: {  	p2 =	slt.s32 s7, $0x1;
	p3 =	slt.s32 s22, $0x1  }
0x138: {  	s8 =	sshll.u32 s7, $0x7;
	s9 =	sshll.u32 s22, $0x7;
	p5 =	por !p3, !p3  }
0x139: {  	s8 =	ssub.s32 s3, s8;
	s9 =	ssub.s32 s15, s9;
	p5 =	por @!p2 p3, p3  }
0x13a: {  	s9 =	smov.u32 @p5 s8  }
0x13b: {  	s8 =	smov.u32 s9  }
0x13c: {  	s8 =	simm.s32 @!p3 $0x0  }
0x13d: {  	s8 =	smov.u32 @p2 s9  }
.Ltmp7:
0x13e: {  	s10 =	simm.s32 $0x80;
	s9 =	sadd.s32 $0x6310, s8;
	(pc) =	sbr.rel .LBB2_11-.Ltmp7, $4  }
0x13f: {  	[tilespmem:s24], [sflag:$0x1] =	stream.indirect.gather [hbm4b:s5+s10], $0x10, s9, s10, $0xb8;
	[tilespmem:$0xC430] =	vst v63  }
0x140: {  	s8 =	sadd.s32 $0x7910, s8  }
0x141: {  	[tilespmem:s25], [sflag:$0x2] =	stream.indirect.gather [hbm4b:s5+s10], $0x10, s8, s10, $0xb8;
	[tilespmem:$0xC430] =	vst v63  }
0x142: {  	s8 =	simm.s32 $0x0  }
.LBB2_13:
0x143: {  	s9 =	sadd.s32 $0x1, s8  }
0x144: {  	p2 =	sge.s32 s9, s23  }
0x145: {  	p0 =	sge.s32 @!p2 s9, s7  }
0x146: {  	p3 =	sge.s32 @!p2 s9, s22;
	s10 =	ssub.s32 @!p2 s9, s7;
	s11 =	ssub.s32 @!p2 s9, s22  }
0x147: {  	p5 =	por @!p2 !p3, !p3;
	p0 =	por !p0, p2;
	p6 =	por !p3, p2  }
0x148: {  	s10 =	sshll.u32 @!p2 s10, $0x7;
	s11 =	sshll.u32 @!p2 s11, $0x7;
	p3 =	por @!p0 p5, p5  }
0x149: {  	s10 =	sadd.s32 @!p2 s3, s10;
	s11 =	sadd.s32 @!p2 s15, s11;
	p3 =	por !p3, p2  }
0x14a: {  	s10 =	smov.u32 @p3 s11  }
0x14b: {  	s11 =	sshll.u32 @!p2 s9, $0x7;
	s12 =	smov.u32 s10  }
0x14c: {  	s12 =	smov.u32 @p6 s11  }
0x14d: {  	s13 =	simm.s32 @!p2 $0xA420;
	s10 =	smov.u32 @p0 s12  }
0x14e: {  	s12 =	simm.s32 @!p2 $0x80;
	p0 =	sge.s32 s8, s22;
	s11 =	sadd.s32 @!p2 $0x6310, s10  }
0x14f: {  	[tilespmem:s13], [sflag:$0x1] =	stream.indirect.gather @!p2 [hbm4b:s5+s12], $0x10, s11, s12, $0xb8;
	[tilespmem:$0xC430] =	vst v63  }
0x150: {  	s10 =	sadd.s32 @!p2 $0x7910, s10;
	p3 =	por !p0, !p0;
	s11 =	simm.s32 @!p2 $0xAC20  }
0x151: {  	[tilespmem:s11], [sflag:$0x2] =	stream.indirect.gather @!p2 [hbm4b:s5+s12], $0x10, s10, s12, $0xb8;
	[tilespmem:$0xC430] =	vst v63  }
0x152: {  	s13 =	ssub.s32 s8, s7;
	p2 =	sge.s32 s8, s7;
	s12 =	ssub.s32 s8, s22  }
0x153: {  	s10 =	sshll.u32 s8, $0x7;
	s11 =	sshll.u32 s13, $0x7;
	s8 =	sshll.u32 s12, $0x7  }
0x154: {  	p3 =	por @!p2 p0, p0;
	s11 =	sadd.s32 s17, s11;
	s8 =	sadd.s32 s18, s8  }
0x155: {  	_ =	swait.ge [sflag:s29], $0x800;
	s10 =	sadd.s32 s16, s10;
	s8 =	smov.u32 @p3 s11  }
0x156: {  	[sflag:s29] =	ssyncset.done $0x0;
	s10 =	smov.u32 @p0 s8  }
0x157: {  	[sflag:s29] =	ssyncadd.s32 $0xFFFFF800;
	s10 =	smov.u32 @p2 s8  }
0x158: {  	_ =	swait.ge [sflag:s30], $0x800;
	s8 =	sshll.u32 s10, $0x1  }
0x159: {  	[sflag:s30] =	ssyncset.done $0x0;
	s8 =	sand.u32 $0x1FFFFF00, s8  }
0x15a: {  	[sflag:s30] =	ssyncadd.s32 $0xFFFFF800;
	s13 =	sadd.s32 s2, s8  }
0x15b: {  	[hbm4b:s13+s4] =	stream.linear.scatter [tilespmem:s31], [sflag:$0x6], $0x800, $0x38;
	[tilespmem:$0xC430] =	vst v63  }
0x15c: {  	_ =	swait.ge [sflag:s28], $0x800  }
0x15d: {  	[sflag:s28] =	ssyncset.done $0x0  }
0x15e: {  	s8 =	sadd.s32 s6, s8;
	[sflag:s28] =	ssyncadd.s32 $0xFFFFF800  }
0x15f: {  	[hbm4b:s8+s4] =	stream.linear.scatter [tilespmem:s1], [sflag:$0x5], $0x800, $0x38;
	[tilespmem:$0xC430] =	vst v63  }
0x160: {  	_ =	swait.ge [sflag:s14], $0x800  }
0x161: {  	[sflag:s14] =	ssyncset.done $0x0  }
0x162: {  	s8 =	smov.u32 s9;
	[sflag:s14] =	ssyncadd.s32 $0xFFFFF800  }
.LBB2_14:
0x163: {  	p0 =	slt.s32 s8, s23  }
.Ltmp8:
0x164: {  	_ = 	snop;
	(pc) =	sbr.rel @!p0 .LBB2_15-.Ltmp8, $1  }
0x165: {  	_ =	sdelay $0x3  }
.LBB2_11:
0x166: {  	s9 =	sand.u32 $0x1, s8  }
0x167: {  	p2 =	seq.s32 s9, $0x1  }
.Ltmp9:
0x168: {  	_ = 	snop;
	(pc) =	sbr.rel @p2 .LBB2_13-.Ltmp9, $1  }
0x169: {  	_ =	sdelay $0x3  }
0x16a: {  	s9 =	sor.u32 $0x1, s8  }
0x16b: {  	p2 =	sge.s32 s9, s23  }
0x16c: {  	p3 =	sge.s32 @!p2 s9, s7  }
0x16d: {  	p5 =	sge.s32 @!p2 s9, s22;
	s11 =	ssub.s32 @!p2 s9, s7;
	s12 =	ssub.s32 @!p2 s9, s22  }
0x16e: {  	p6 =	por @!p2 !p5, !p5;
	p3 =	por !p3, p2;
	p0 =	por !p5, p2  }
0x16f: {  	s11 =	sshll.u32 @!p2 s11, $0x7;
	s12 =	sshll.u32 @!p2 s12, $0x7;
	p5 =	por @!p3 p6, p6  }
0x170: {  	s11 =	sadd.s32 @!p2 s3, s11;
	s12 =	sadd.s32 @!p2 s15, s12;
	p5 =	por !p5, p2  }
0x171: {  	s11 =	smov.u32 @p5 s12  }
0x172: {  	s12 =	sshll.u32 @!p2 s9, $0x7;
	s13 =	smov.u32 s11  }
0x173: {  	s13 =	smov.u32 @p0 s12  }
0x174: {  	s10 =	simm.s32 @!p2 $0xB420;
	s11 =	smov.u32 @p3 s13  }
0x175: {  	p0 =	sge.s32 s8, s22;
	s13 =	simm.s32 @!p2 $0x80;
	s12 =	sadd.s32 @!p2 $0x6310, s11  }
0x176: {  	[tilespmem:s10], [sflag:$0x3] =	stream.indirect.gather @!p2 [hbm4b:s5+s13], $0x10, s12, s13, $0xb8;
	[tilespmem:$0xC430] =	vst v63  }
0x177: {  	p3 =	por !p0, !p0;
	s10 =	sadd.s32 @!p2 $0x7910, s11;
	s11 =	simm.s32 @!p2 $0xBC20  }
0x178: {  	[tilespmem:s11], [sflag:$0x4] =	stream.indirect.gather @!p2 [hbm4b:s5+s13], $0x10, s10, s13, $0xb8;
	[tilespmem:$0xC430] =	vst v63  }
0x179: {  	s12 =	ssub.s32 s8, s22;
	p2 =	sge.s32 s8, s7;
	s13 =	ssub.s32 s8, s7  }
0x17a: {  	s10 =	sshll.u32 s8, $0x7;
	s8 =	sshll.u32 s12, $0x7;
	s11 =	sshll.u32 s13, $0x7  }
0x17b: {  	p3 =	por @!p2 p0, p0;
	s8 =	sadd.s32 s18, s8;
	s11 =	sadd.s32 s17, s11  }
0x17c: {  	_ =	swait.ge [sflag:s19], $0x800;
	s10 =	sadd.s32 s16, s10;
	s8 =	smov.u32 @p3 s11  }
0x17d: {  	[sflag:s19] =	ssyncset.done $0x0;
	s10 =	smov.u32 @p0 s8  }
0x17e: {  	[sflag:s19] =	ssyncadd.s32 $0xFFFFF800;
	s10 =	smov.u32 @p2 s8  }
0x17f: {  	_ =	swait.ge [sflag:s26], $0x800;
	s8 =	sshll.u32 s10, $0x1  }
0x180: {  	[sflag:s26] =	ssyncset.done $0x0;
	s8 =	sand.u32 $0x1FFFFF00, s8  }
0x181: {  	[sflag:s26] =	ssyncadd.s32 $0xFFFFF800;
	s13 =	sadd.s32 s2, s8  }
0x182: {  	[hbm4b:s13+s4] =	stream.linear.scatter [tilespmem:s24], [sflag:$0x6], $0x800, $0x38;
	[tilespmem:$0xC430] =	vst v63  }
0x183: {  	_ =	swait.ge [sflag:s28], $0x800  }
0x184: {  	[sflag:s28] =	ssyncset.done $0x0  }
.Ltmp10:
0x185: {  	s8 =	sadd.s32 s6, s8;
	[sflag:s28] =	ssyncadd.s32 $0xFFFFF800;
	(pc) =	sbr.rel .LBB2_14-.Ltmp10, $4  }
0x186: {  	[hbm4b:s8+s4] =	stream.linear.scatter [tilespmem:s25], [sflag:$0x6], $0x800, $0x38;
	[tilespmem:$0xC430] =	vst v63  }
0x187: {  	_ =	swait.ge [sflag:s28], $0x800  }
0x188: {  	[sflag:s28] =	ssyncset.done $0x0  }
0x189: {  	s8 =	smov.u32 s9;
	[sflag:s28] =	ssyncadd.s32 $0xFFFFF800  }
.LBB2_16:
0x18a: {  	_ =	sfence.sel $0x180000  }
0x18b: {  	[bflag:$0x0] =	sbarrier.arrive $0xFFFF  }
0x18c: {  	_ =	strace $0x90000047  }
0x18d: {  	[bflag:$0x2] =	sbarrier.arrive $0xFFFF  }
0x18e: {  	s0 =	rddreg [dreg:$0x5]  }
0x18f: {  	s0 =	sadd.s32 @!p4 $0x100000, s0  }
0x190: {  	[sflag:s0] =	ssyncadd.tile.s32 @!p4 $0x1;
	_ =	shalt  }
.Lfunc_end2:
_tile_overlayer_lowered:
.L_overlay_start_2:
0x191: {  	(tag) =	ssettag $0x2  }
0x192: {  	s0 =	rddreg [dreg:$0x0];
	s2 =	stileid.u32  }
0x193: {  	s1 =	rddreg [dreg:$0x1];
	p0 =	sne.s32 s2, $0x0  }
0x194: {  	s3 =	rddreg [dreg:$0x2];
	[bflag:$0x3] =	sbarrier.arrive $0xFFFF;
	s2 =	simm.s32 @!p0 $0x1C05  }
0x195: {  	[timem:s3], [sflag:s2] =	dma.local @!p0 [hbm:s0], s1  }
0x196: {  	s0 =	simm.s32 @!p0 $0x5  }
0x197: {  	_ =	swait.ge @!p0 [sflag:s0], s1  }
0x198: {  	s1 =	ssub.s32 @!p0 $0x0, s1;
	[sflag:s0] =	ssyncset.done @!p0 $0x0  }
0x199: {  	[sflag:s0] =	ssyncadd.s32 @!p0 s1  }
0x19a: {  	[bflag:$0x3] =	sbarrier.arrive $0xFFFF  }
0x19b: {  	_ =	shalt  }

// kernel: kernel.9.cloned.1.call-start
scs
__scs_entry_jumppad:
0x0: {  	(pc) =	sbr.rel $0x88, $3  }
0x1: {  	(tag) =	ssettag $0x0;
	lr =	simm.s32 $0x1  }
0x2: {  	[smem:$0x3F76] =	sst lr;
	_ =	strace $0xD0000000  }
0x3: {  	_ = 	snop  }
0x4: {  	_ = 	snop  }
0x5: {  	_ = 	snop  }
0x6: {  	_ = 	snop  }
0x7: {  	_ = 	snop  }
__scs_overlays_trampoline_lowered:
0x8: {  	[smem:$0x3F85] =	sst s0  }
0x9: {  	[smem:$0x3F86] =	sst s1  }
0xa: {  	[smem:$0x3F87] =	sst s2  }
0xb: {  	[smem:$0x3F88] =	sst s3  }
0xc: {  	[smem:$0x3F89] =	sst s4  }
0xd: {  	[smem:$0x3F8A] =	sst s5  }
0xe: {  	[smem:$0x3F8B] =	sst s6  }
0xf: {  	[smem:$0x3F8C] =	sst s7  }
0x10: {  	[smem:$0x3F8D] =	sst s8  }
0x11: {  	[smem:$0x3F8E] =	sst s9;
	s0 =	simm.s32 @!p0 $0x0  }
0x12: {  	s1 =	sld [smem:$0x3F74];
	s0 =	simm.s32 @p0 $0x1  }
0x13: {  	[smem:$0x3F8F] =	sst s0;
	s0 =	simm.s32 @!p1 $0x0  }
0x14: {  	s2 =	sld [smem:$0x3F73];
	s0 =	simm.s32 @p1 $0x1  }
0x15: {  	[smem:$0x3F90] =	sst s0;
	s0 =	simm.s32 @!p2 $0x0  }
0x16: {  	s3 =	sld [smem:$0x3FDB];
	s0 =	simm.s32 @p2 $0x1  }
0x17: {  	s4 =	simm.s32 $0x1BF5;
	[smem:$0x3F92] =	sst s0  }
0x18: {  	s0 =	sld [smem:$0x3F75];
	_ =	swait.ge [sflag:s4], $0x0  }
0x19: {  	s7 =	sld [smem:$0x3F76]  }
0x1a: {  	s8 =	sadd.s32 $0xFFFFE003, lr  }
0x1b: {  	s9 =	sadd.s32 $0xFFFFFEF7, lr;
	s5 =	simm.s32 $0xFFFFFFFF;
	p2 =	slt.u32 s8, $0xFFFFF086  }
0x1c: {  	p1 =	slt.u32 s9, $0xF7A;
	s5 =	simm.s32 @!p2 $0x0  }
0x1d: {  	s5 =	simm.s32 @p1 $0x1;
	p0 =	seq.s32 s7, s2  }
0x1e: {  	s7 =	smul.u32 @!p0 $0xF7A, s2;
	p2 =	seq.s32 @!p0 s5, $0x0  }
0x1f: {  	s9 =	smul.u32 $0xF7A, s1;
	s8 =	simm.s32 @!p0 $0x1BF5;
	p2 =	por !p2, p0  }
0x20: {  	[sflag:s8] =	ssyncset.s32 @!p0 $0xFFFFF086;
	s6 =	sadd.s32 @!p0 s3, s7;
	s7 =	simm.s32 @!p0 $0x108  }
0x21: {  	s3 =	sadd.s32 s3, s9;
	s6 =	sadd.s32 @!p0 $0x88, s6;
	s7 =	simm.s32 @p2 $0x1082  }
0x22: {  	[simem:s7], [sflag:s8] =	dma.local @!p0 [hbm:s6], $0xF7A  }
0x23: {  	s9 =	sor.u32 $0xD0000000, s2;
	s6 =	simm.s32 $0x108;
	_ =	swait.ge @!p0 [sflag:s8], $0x0  }
0x24: {  	s3 =	sadd.s32 $0x88, s3;
	s6 =	simm.s32 @!p1 $0x1082;
	[sflag:s4] =	ssyncset.s32 $0xFFFFF086  }
0x25: {  	[simem:s6], [sflag:s4] =	dma.local [hbm:s3], $0xF7A  }
0x26: {  	[smem:$0x3F76] =	sst s1;
	(tag) =	ssettag s2;
	_ =	strace s9  }
0x27: {  	s1 =	sld [smem:$0x3F86]  }
0x28: {  	s2 =	sld [smem:$0x3F87]  }
0x29: {  	s4 =	sld [smem:$0x3F89]  }
0x2a: {  	p0 =	seq.s32 s5, $0x0;
	s5 =	sld [smem:$0x3F8A]  }
0x2b: {  	s6 =	sld [smem:$0x3F8B]  }
0x2c: {  	s7 =	sld [smem:$0x3F8C]  }
0x2d: {  	s3 =	simm.s32 $0x108;
	s8 =	sld [smem:$0x3F8D]  }
0x2e: {  	s3 =	simm.s32 @!p0 $0x1082;
	s9 =	sld [smem:$0x3F8E]  }
0x2f: {  	lr =	sadd.s32 s0, s3;
	s0 =	sld [smem:$0x3F85]  }
0x30: {  	s3 =	sld [smem:$0x3F88]  }
0x31: {  	[smem:$0x3F91] =	sst s10  }
0x32: {  	s10 =	sld [smem:$0x3F8F];
	_ =	sdelay $0x3  }
0x33: {  	p0 =	seq.s32 s10, $0x1;
	s10 =	sld [smem:$0x3F91];
	_ =	sdelay $0x3  }
0x34: {  	[smem:$0x3F91] =	sst s10  }
0x35: {  	s10 =	sld [smem:$0x3F90];
	_ =	sdelay $0x3  }
0x36: {  	p1 =	seq.s32 s10, $0x1;
	s10 =	sld [smem:$0x3F91];
	_ =	sdelay $0x3  }
0x37: {  	[smem:$0x3F91] =	sst s10  }
0x38: {  	s10 =	sld [smem:$0x3F92]  }
0x39: {  	_ = 	snop;
	(pc) =	sbr.ind lr, $3  }
0x3a: {  	_ = 	snop  }
0x3b: {  	_ = 	snop  }
0x3c: {  	p2 =	seq.s32 s10, $0x1;
	s10 =	sld [smem:$0x3F91]  }
0x3d: {  	_ =	shalt  }
0x3e: {  	_ =	shalt  }
0x3f: {  	_ =	shalt  }
0x40: {  	_ =	shalt  }
0x41: {  	_ =	shalt  }
0x42: {  	_ =	shalt  }
0x43: {  	_ =	shalt  }
0x44: {  	_ =	shalt  }
0x45: {  	_ =	shalt  }
0x46: {  	_ =	shalt  }
0x47: {  	_ =	shalt  }
0x48: {  	_ =	shalt  }
0x49: {  	_ =	shalt  }
0x4a: {  	_ =	shalt  }
0x4b: {  	_ =	shalt  }
0x4c: {  	_ =	shalt  }
0x4d: {  	_ =	shalt  }
0x4e: {  	_ =	shalt  }
0x4f: {  	_ =	shalt  }
0x50: {  	_ =	shalt  }
0x51: {  	_ =	shalt  }
0x52: {  	_ =	shalt  }
0x53: {  	_ =	shalt  }
0x54: {  	_ =	shalt  }
0x55: {  	_ =	shalt  }
0x56: {  	_ =	shalt  }
0x57: {  	_ =	shalt  }
0x58: {  	_ =	shalt  }
0x59: {  	_ =	shalt  }
0x5a: {  	_ =	shalt  }
0x5b: {  	_ =	shalt  }
0x5c: {  	_ =	shalt  }
0x5d: {  	_ =	shalt  }
0x5e: {  	_ =	shalt  }
0x5f: {  	_ =	shalt  }
0x60: {  	_ =	shalt  }
0x61: {  	_ =	shalt  }
0x62: {  	_ =	shalt  }
0x63: {  	_ =	shalt  }
0x64: {  	_ =	shalt  }
0x65: {  	_ =	shalt  }
0x66: {  	_ =	shalt  }
0x67: {  	_ =	shalt  }
0x68: {  	_ =	shalt  }
0x69: {  	_ =	shalt  }
0x6a: {  	_ =	shalt  }
0x6b: {  	_ =	shalt  }
0x6c: {  	_ =	shalt  }
0x6d: {  	_ =	shalt  }
0x6e: {  	_ =	shalt  }
0x6f: {  	_ =	shalt  }
0x70: {  	_ =	shalt  }
0x71: {  	_ =	shalt  }
0x72: {  	_ =	shalt  }
0x73: {  	_ =	shalt  }
0x74: {  	_ =	shalt  }
0x75: {  	_ =	shalt  }
0x76: {  	_ =	shalt  }
0x77: {  	_ =	shalt  }
0x78: {  	_ =	shalt  }
0x79: {  	_ =	shalt  }
0x7a: {  	_ =	shalt  }
0x7b: {  	_ =	shalt  }
0x7c: {  	_ =	shalt  }
0x7d: {  	_ =	shalt  }
0x7e: {  	_ =	shalt  }
0x7f: {  	_ =	shalt  }
0x80: {  	_ =	shalt  }
0x81: {  	_ =	shalt  }
0x82: {  	_ =	shalt  }
0x83: {  	_ =	shalt  }
0x84: {  	_ =	shalt  }
0x85: {  	_ =	shalt  }
0x86: {  	_ =	shalt  }
0x87: {  	_ =	shalt  }
.Lfunc_end0:
.L_simem_size_0:
called_computation.1_lowered:
.L_overlay_start_0:
0x88: {  	s2 =	sld [smem:$0x3FD9]  }
0x89: {  	s3 =	sld [smem:$0x3FFE];
	_ =	sdelay $0x1  }
0x8a: {  	s1 =	srdreg.scid  }
0x8b: {  	s0 =	sand.u32 $0x1, s1  }
0x8c: {  	s14 =	sshll.u32 s0, $0xA;
	s2 =	sadd.s32 s3, s2  }
0x8d: {  	s2 =	sadd.s32 s2, s14  }
0x8e: {  	[smem:$0x3F9D] =	sst s2  }
0x8f: {  	_ = 	snop  }
0x90: {  	s2 =	sld [smem:$0x3FD0];
	_ =	sdelay $0x2  }
0x91: {  	s15 =	simm.s32 $0xA;
	s4 =	simm.s32 $0x10  }
0x92: {  	[smem:s4], [sflag:s15] =	dma.local [hbm:s2], $0x1  }
0x93: {  	_ =	swait.eq [sflag:s15], $0x1  }
0x94: {  	[sflag:s15] =	ssyncset.done $0x0  }
0x95: {  	[sflag:s15] =	ssyncadd.s32 $0xFFFFFFFF  }
0x96: {  	s16 =	sld [smem:$0x11];
	(tm) =	ssettm $0x1  }
0x97: {  	s17 =	sld [smem:$0x3FFB];
	_ =	sdelay $0x3  }
0x98: {  	_ =	strace s17  }
0x99: {  	s3 =	sld [smem:$0x3FFC];
	_ =	sdelay $0x3  }
0x9a: {  	_ =	strace s3  }
0x9b: {  	s3 =	sld [smem:$0x3FFD];
	_ =	sdelay $0x3  }
0x9c: {  	_ =	strace s3  }
0x9d: {  	_ =	strace $0x8FFFFFFF  }
0x9e: {  	s18 =	sld [smem:$0x3FDB];
	_ =	sdelay $0x1  }
0x9f: {  	s19 =	simm.s32 $_scs_section_size  }
0xa0: {  	s5 =	simm.s32 $_size__tile_overlayer_lowered;
	s6 =	simm.s32 $_tile_overlayer_lowered  }
0xa1: {  	s22 =	simm.s32 $0x1BFF;
	s21 =	sshll.u32 s6, $0x1;
	s3 =	sadd.s32 s19, s18  }
0xa2: {  	s7 =	simm.s32 $0x0;
	s20 =	sshll.u32 s5, $0x1;
	s5 =	sadd.s32 s21, s3  }
0xa3: {  	[timem:s7], [sflag:s22] =	dma.local [hbm:s5], s20  }
0xa4: {  	_ =	swait.ge [sflag:s22], s20  }
0xa5: {  	s4 =	ssub.s32 $0x0, s20;
	[sflag:s22] =	ssyncset.done $0x0  }
0xa6: {  	[sflag:s22] =	ssyncadd.s32 s4;
	_ =	sdelay $0x1  }
0xa7: {  	s23 =	simm.s32 $0x1B8B  }
0xa8: {  	_ =	swait.ge [sflag:s23], $0x1  }
0xa9: {  	[sflag:s23] =	ssyncset.done $0x0  }
0xaa: {  	s25 =	simm.s32 $0x1B8E;
	s24 =	sld [smem:$0x3FFE];
	[sflag:s23] =	ssyncadd.s32 $0xFFFFFFFF  }
0xab: {  	s26 =	simm.s32 $execute0_lowered;
	[smem:$0x3FD2] =	sst s25  }
0xac: {  	s5 =	sshll.u32 s26, $0x1;
	_ =	strace $0x80000049;
	[dreg:$0x1] =	wrdreg $0xFFFFFFFF  }
0xad: {  	s28 =	simm.s32 $_size_execute0_lowered;
	s3 =	sadd.s32 s3, s5;
	[dreg:$0x0] =	wrdreg $0x0  }
0xae: {  	s5 =	sshll.u32 s28, $0x1;
	[dreg:$0x2] =	wrdreg s3  }
0xaf: {  	[dreg:$0x3] =	wrdreg s5  }
0xb0: {  	[dreg:$0x4] =	wrdreg $0xC0  }
0xb1: {  	_ =	task [dreg:s7], $0x5FFFF  }
0xb2: {  	[dreg:$0x1] =	wrdreg $0xFFFFFFFF  }
0xb3: {  	[dreg:$0x0] =	wrdreg $0x60  }
0xb4: {  	[dreg:$0x2] =	wrdreg s24  }
0xb5: {  	[dreg:$0x3] =	wrdreg s16  }
0xb6: {  	[dreg:$0x4] =	wrdreg $0x9  }
0xb7: {  	_ =	task.clear_ibuf [dreg:s7], $0x5FFFF;
	_ =	strace $0x90000049  }
0xb8: {  	s29 =	simm.s32 $0x9;
	_ =	strace $0x8000004B  }
0xb9: {  	_ =	swait.ge [sflag:s29], $0x1  }
0xba: {  	[sflag:s29] =	ssyncadd.s32 $0xFFFFFFFF  }
0xbb: {  	_ =	strace $0x9000004B  }
0xbc: {  	_ =	sfence  }
0xbd: {  	s30 =	sld [smem:$0x0];
	_ =	sdelay $0x2  }
0xbe: {  	s31 =	sshll.u32 s1, $0xD;
	s1 =	sshrl.u32 s1, $0x2  }
0xbf: {  	s3 =	sand.u32 $0x4000, s31;
	s1 =	sadd.s32 s1, s30  }
0xc0: {  	s0 =	sor.u32 s3, s0;
	s1 =	sshll.u32 s1, $0x11  }
0xc1: {  	s0 =	sor.u32 s1, s0  }
0xc2: {  	s0 =	sadd.s32 $0x8F2B, s0  }
0xc3: {  	[sflag:s0] =	ssyncadd.remote.s32 $0x1  }
0xc4: {  	_ =	sfence.sel $0xFFFF  }
0xc5: {  	[dreg:$0x0] =	wrdreg $0xFFFFFFFF;
	(pc) =	sbr.abs _section_cstart, $3  }
0xc6: {  	[dreg:$0x1] =	wrdreg $0xFFFFFFFF  }
0xc7: {  	_ =	task.clear_ibuf [dreg:s7], $0x2FFFF;
	_ =	strace $0x9FFFFFFF  }
0xc8: {  	(tm) =	ssettm $0x7FFFFFFF  }
0xc9: {  	_ =	shalt  }
tec
execute0_lowered:
.L_overlay_start_1:
0x0: {  	(tag) =	ssettag $0x1  }
0x1: {  	s3 =	rddreg [dreg:$0x0]  }
0x2: {  	s0 =	srdreg.scid;
	s8 =	rddreg [dreg:$0x1];
	s2 =	simm.s32 $0x0  }
0x3: {  	s12 =	simm.s32 $0x1400;
	s13 =	simm.s32 $0x5400;
	s14 =	simm.s32 $0x1  }
0x4: {  	s15 =	simm.s32 $0x2;
	s16 =	simm.s32 $0x8;
	s5 =	sand.u32 $0x1, s0  }
0x5: {  	s17 =	simm.s32 $0x1380;
	s0 =	stileid.u32;
	s10 =	smul.u32 $0x9C4000, s5  }
0x6: {  	s18 =	simm.s32 $0x9400;
	s19 =	simm.s32 $0x3;
	s11 =	smul.u32 $0x9C400, s0  }
0x7: {  	s20 =	simm.s32 $0x0;
	s1 =	sshll.u32 s5, $0x4;
	s30 =	smul.u32 $0x138800, s5  }
0x8: {  	[smem:$0x7FF] =	sst s2;
	s31 =	smul.u32 $0x13880, s0;
	s4 =	sor.u32 s0, s1  }
0x9: {  	s7 =	ssub.s32 $0x2, s5;
	s1 =	rddreg [dreg:$0x2];
	s6 =	smul.u32 $0x1388, s4  }
0xa: {  	_ =	strace $0x8000004A;
	s9 =	sshrl.u32 s7, $0x1;
	s4 =	smul.u32 $0x9C400, s4  }
0xb: {  	s7 =	ssub.s32 s7, s9;
	s10 =	sadd.s32 s11, s10;
	s9 =	sadd.s32 s30, s8  }
0xc: {  	s11 =	simm.s32 $0x80;
	s10 =	sshrl.u32 s10, $0x3;
	s7 =	smax.u32 s7, $0x1  }
0xd: {  	s9 =	sadd.s32 s31, s9;
	s6 =	sshrl.u32 s6, $0x3;
	s28 =	sshrl.u32 s4, $0x3  }
0xe: {  	s9 =	sadd.s32 $0x800, s9;
	s6 =	sadd.s32 s6, s3;
	s3 =	sadd.s32 $0x6BAE00, s3  }
0xf: {  	s29 =	sadd.s32 s8, s28;
	s8 =	sadd.s32 s10, s8;
	s10 =	simm.s32 $0x4  }
0x10: {  	s4 =	sadd.s32 $0x75E00, s6;
	s5 =	sadd.s32 $0x13000, s29;
	s6 =	sadd.s32 $0x13800, s29  }
.LBB2_1:
0x11: {  	[tilespmem:s2], [sflag:$0x4] =	stream.linear.gather [hbm4b:s4+s2], $0x1388, $0x38;
	[tilespmem:$0x9800] =	vst v63  }
0x12: {  	_ =	swait.ge [sflag:s10], $0x1388  }
0x13: {  	[sflag:s10] =	ssyncset.done $0x0  }
0x14: {  	[sflag:s10] =	ssyncadd.s32 $0xFFFFEC78  }
0x15: {  	[tilespmem:s12], [sflag:$0x1] =	stream.indirect.gather [hbm4b:s3+s11], $0x80, s2, s11, $0xb8;
	[tilespmem:$0x9800] =	vst v63  }
0x16: {  	s21 =	simm.s32 $0x80  }
0x17: {  	[tilespmem:s13], [sflag:$0x2] =	stream.indirect.gather [hbm4b:s3+s11], $0x80, s21, s11, $0xb8;
	[tilespmem:$0x9800] =	vst v63  }
0x18: {  	_ =	swait.ge [sflag:s14], $0x4000  }
0x19: {  	[sflag:s14] =	ssyncset.done $0x0  }
0x1a: {  	s29 =	sadd.s32 $0x0, s8;
	[sflag:s14] =	ssyncadd.s32 $0xFFFFC000  }
0x1b: {  	[hbm4b:s29+s2] =	stream.linear.scatter [tilespmem:s12], [sflag:$0x4], $0x4000, $0x38;
	[tilespmem:$0x9800] =	vst v63  }
0x1c: {  	_ =	swait.ge [sflag:s10], $0x4000  }
0x1d: {  	[sflag:s10] =	ssyncset.done $0x0  }
0x1e: {  	s30 =	simm.s32 $0x100;
	[sflag:s10] =	ssyncadd.s32 $0xFFFFC000  }
0x1f: {  	[tilespmem:s12], [sflag:$0x1] =	stream.indirect.gather [hbm4b:s3+s11], $0x80, s30, s11, $0xb8;
	[tilespmem:$0x9800] =	vst v63  }
0x20: {  	_ =	swait.ge [sflag:s15], $0x4000  }
0x21: {  	[sflag:s15] =	ssyncset.done $0x0  }
0x22: {  	s31 =	sadd.s32 $0x0, s9;
	[sflag:s15] =	ssyncadd.s32 $0xFFFFC000  }
0x23: {  	[hbm4b:s31+s2] =	stream.linear.scatter [tilespmem:s13], [sflag:$0x4], $0x4000, $0x38;
	[tilespmem:$0x9800] =	vst v63  }
0x24: {  	s23 =	simm.s32 $0x2000;
	_ =	swait.ge [sflag:s10], $0x4000  }
0x25: {  	s22 =	simm.s32 $0x200;
	s21 =	simm.s32 $0x1000;
	[sflag:s10] =	ssyncset.done $0x0  }
.LBB2_2:
0x26: {  	p0 =	sne.s32 s23, $0x12000;
	s24 =	sadd.s32 $0xFFFFFF80, s22;
	[sflag:s10] =	ssyncadd.s32 $0xFFFFC000  }
0x27: {  	[tilespmem:s13], [sflag:$0x2] =	stream.indirect.gather [hbm4b:s3+s11], $0x80, s24, s11, $0xb8;
	[tilespmem:$0x9800] =	vst v63  }
0x28: {  	s24 =	smov.u32 s23;
	s23 =	sadd.s32 $0x1000, s23;
	_ =	swait.ge [sflag:s14], $0x4000  }
0x29: {  	[sflag:s14] =	ssyncset.done $0x0  }
0x2a: {  	s25 =	sadd.s32 s21, s8;
	[sflag:s14] =	ssyncadd.s32 $0xFFFFC000  }
0x2b: {  	[hbm4b:s25+s2] =	stream.linear.scatter [tilespmem:s12], [sflag:$0x4], $0x4000, $0x38;
	[tilespmem:$0x9800] =	vst v63  }
0x2c: {  	_ =	swait.ge [sflag:s10], $0x4000  }
0x2d: {  	[sflag:s10] =	ssyncset.done $0x0  }
0x2e: {  	[sflag:s10] =	ssyncadd.s32 $0xFFFFC000  }
0x2f: {  	[tilespmem:s12], [sflag:$0x1] =	stream.indirect.gather [hbm4b:s3+s11], $0x80, s22, s11, $0xb8;
	[tilespmem:$0x9800] =	vst v63  }
0x30: {  	_ =	swait.ge [sflag:s15], $0x4000  }
.Ltmp0:
0x31: {  	[sflag:s15] =	ssyncset.done $0x0;
	(pc) =	sbr.rel @p0 .LBB2_2-.Ltmp0, $4  }
0x32: {  	s25 =	sadd.s32 s21, s9;
	s21 =	smov.u32 s24;
	[sflag:s15] =	ssyncadd.s32 $0xFFFFC000  }
0x33: {  	[hbm4b:s25+s2] =	stream.linear.scatter [tilespmem:s13], [sflag:$0x4], $0x4000, $0x38;
	[tilespmem:$0x9800] =	vst v63  }
0x34: {  	_ =	swait.ge [sflag:s10], $0x4000  }
0x35: {  	s22 =	sadd.s32 $0x100, s22;
	[sflag:s10] =	ssyncset.done $0x0  }
0x36: {  	s23 =	sadd.s32 $0xFFFFFF80, s22;
	[sflag:s10] =	ssyncadd.s32 $0xFFFFC000  }
0x37: {  	[tilespmem:s13], [sflag:$0x2] =	stream.indirect.gather [hbm4b:s3+s11], $0x80, s23, s11, $0xb8;
	[tilespmem:$0x9800] =	vst v63  }
0x38: {  	_ =	swait.ge [sflag:s14], $0x4000  }
0x39: {  	[sflag:s14] =	ssyncset.done $0x0  }
0x3a: {  	s30 =	sadd.s32 s21, s8;
	[sflag:s14] =	ssyncadd.s32 $0xFFFFC000  }
0x3b: {  	[hbm4b:s30+s2] =	stream.linear.scatter [tilespmem:s12], [sflag:$0x4], $0x4000, $0x38;
	[tilespmem:$0x9800] =	vst v63  }
0x3c: {  	_ =	swait.ge [sflag:s10], $0x4000  }
0x3d: {  	[sflag:s10] =	ssyncset.done $0x0  }
0x3e: {  	[sflag:s10] =	ssyncadd.s32 $0xFFFFC000  }
0x3f: {  	[tilespmem:s12], [sflag:$0x1] =	stream.indirect.gather [hbm4b:s3+s11], $0x80, s22, s11, $0xb8;
	[tilespmem:$0x9800] =	vst v63  }
0x40: {  	_ =	swait.ge [sflag:s15], $0x4000  }
0x41: {  	[sflag:s15] =	ssyncset.done $0x0  }
0x42: {  	s31 =	sadd.s32 s21, s9;
	[sflag:s15] =	ssyncadd.s32 $0xFFFFC000  }
0x43: {  	[hbm4b:s31+s2] =	stream.linear.scatter [tilespmem:s13], [sflag:$0x4], $0x4000, $0x38;
	[tilespmem:$0x9800] =	vst v63  }
0x44: {  	_ =	swait.ge [sflag:s10], $0x4000  }
0x45: {  	[sflag:s10] =	ssyncset.done $0x0  }
0x46: {  	[sflag:s10] =	ssyncadd.s32 $0xFFFFC000  }
0x47: {  	[tilespmem:s18], [sflag:$0x3] =	stream.indirect.gather [hbm4b:s3+s16], $0x80, s17, s16, $0xb8;
	[tilespmem:$0x9800] =	vst v63  }
0x48: {  	_ =	swait.ge [sflag:s14], $0x4000  }
0x49: {  	[sflag:s14] =	ssyncset.done $0x0  }
0x4a: {  	[sflag:s14] =	ssyncadd.s32 $0xFFFFC000  }
0x4b: {  	[hbm4b:s5+s2] =	stream.linear.scatter [tilespmem:s12], [sflag:$0x4], $0x4000, $0x38;
	[tilespmem:$0x9800] =	vst v63  }
0x4c: {  	_ =	swait.ge [sflag:s10], $0x4000  }
0x4d: {  	[sflag:s10] =	ssyncset.done $0x0  }
0x4e: {  	[sflag:s10] =	ssyncadd.s32 $0xFFFFC000  }
0x4f: {  	s20 =	sadd.s32 $0x1, s20;
	_ =	swait.ge [sflag:s19], $0x400  }
0x50: {  	p0 =	sne.s32 s20, s7;
	[sflag:s19] =	ssyncset.done $0x0  }
.Ltmp1:
0x51: {  	[sflag:s19] =	ssyncadd.s32 $0xFFFFFC00;
	(pc) =	sbr.rel @p0 .LBB2_1-.Ltmp1, $4  }
0x52: {  	[hbm4b:s6+s2] =	stream.linear.scatter [tilespmem:s18], [sflag:$0x4], $0x400, $0x38;
	[tilespmem:$0x9800] =	vst v63  }
0x53: {  	_ =	swait.ge [sflag:s10], $0x400  }
0x54: {  	[sflag:s10] =	ssyncset.done $0x0  }
0x55: {  	[sflag:s10] =	ssyncadd.s32 $0xFFFFFC00  }
0x56: {  	_ =	sfence.sel $0x180000  }
0x57: {  	[bflag:$0x0] =	sbarrier.arrive $0xFFFF  }
0x58: {  	p0 =	sne.s32 s0, $0x0;
	_ =	strace $0x9000004A  }
0x59: {  	s0 =	sadd.s32 @!p0 $0x100000, s1;
	[bflag:$0x2] =	sbarrier.arrive $0xFFFF  }
0x5a: {  	[sflag:s0] =	ssyncadd.tile.s32 @!p0 $0x1;
	_ =	shalt  }
.Lfunc_end2:
_tile_overlayer_lowered:
.L_overlay_start_2:
0x5b: {  	(tag) =	ssettag $0x2  }
0x5c: {  	s0 =	rddreg [dreg:$0x0];
	s2 =	stileid.u32  }
0x5d: {  	s1 =	rddreg [dreg:$0x1];
	p0 =	sne.s32 s2, $0x0  }
0x5e: {  	s3 =	rddreg [dreg:$0x2];
	[bflag:$0x3] =	sbarrier.arrive $0xFFFF;
	s2 =	simm.s32 @!p0 $0x1C04  }
0x5f: {  	[timem:s3], [sflag:s2] =	dma.local @!p0 [hbm:s0], s1  }
0x60: {  	s0 =	simm.s32 @!p0 $0x4  }
0x61: {  	_ =	swait.ge @!p0 [sflag:s0], s1  }
0x62: {  	s1 =	ssub.s32 @!p0 $0x0, s1;
	[sflag:s0] =	ssyncset.done @!p0 $0x0  }
0x63: {  	[sflag:s0] =	ssyncadd.s32 @!p0 s1  }
0x64: {  	[bflag:$0x3] =	sbarrier.arrive $0xFFFF  }
0x65: {  	_ =	shalt  }

</sc_bundles>
